<compile_context>
chip_gen: v7x
topology: tpu7x:2x2x1
jax: 0.10.2.dev20260603
libtpu: 0.0.44.dev20260713+nightly
codegen_flags: <defaults>
</compile_context>

<pallas_src>
import functools

import jax
import jax.numpy as jnp
from jax import lax
from jax.experimental import pallas as pl
from jax.experimental.pallas import tpu as pltpu
from jax.experimental.pallas import tpu_sc as plsc

BATCH = 1024
SEQ_LEN = 200
WORD_LEN = 20
VOCAB_N = 1000
EMBED_DIM = 32
B_TOTAL = BATCH * SEQ_LEN * WORD_LEN

_INFO = plsc.get_sparse_core_info()
NC = _INFO.num_cores
NS = _INFO.num_subcores
NW = NC * NS
N_PER_W = B_TOTAL // NW

KI = 1024
IROWS = KI // 128
GROUPS = KI // 16
STEPS = N_PER_W // KI
LOOKAHEAD = 8


def _make_emb_kernel():
  mesh = plsc.VectorSubcoreMesh(core_axis_name="c", subcore_axis_name="s")

  @functools.partial(
      pl.kernel,
      mesh=mesh,
      compiler_params=pltpu.CompilerParams(needs_layout_passes=False),
      out_type=jax.ShapeDtypeStruct((B_TOTAL * EMBED_DIM,), jnp.float32),
      scratch_types=[
          pltpu.VMEM((VOCAB_N * EMBED_DIM,), jnp.float32),
          pltpu.VMEM((IROWS, 128), jnp.int32),
          pltpu.VMEM((IROWS, 128), jnp.int32),
          pltpu.VMEM((KI * EMBED_DIM,), jnp.float32),
          pltpu.VMEM((KI * EMBED_DIM,), jnp.float32),
          pltpu.SemaphoreType.DMA,
          pltpu.SemaphoreType.DMA,
          pltpu.SemaphoreType.DMA,
          pltpu.SemaphoreType.DMA,
          pltpu.SemaphoreType.DMA,
      ],
  )
  def emb_kernel(idx_hbm, tabf_hbm, out_hbm, tab_v, idx_v0, idx_v1,
                 out_v0, out_v1, tab_sem, isem0, isem1, wsem0, wsem1):
    wid = lax.axis_index("s") * NC + lax.axis_index("c")
    base0 = wid * N_PER_W
    irow0 = base0 // 128
    pltpu.async_copy(tabf_hbm, tab_v, tab_sem).wait()

    idx_bufs = (idx_v0, idx_v1)
    out_bufs = (out_v0, out_v1)
    isems = (isem0, isem1)
    wsems = (wsem0, wsem1)
    iota16 = lax.iota(jnp.int32, 16)
    st_iota = iota16 * EMBED_DIM

    def issue_idx(t, b):
      row = pl.multiple_of(irow0 + t * IROWS, IROWS)
      pltpu.async_copy(idx_hbm.at[pl.ds(row, IROWS)],
                       idx_bufs[b], isems[b])

    def wait_idx(b):
      pltpu.make_async_copy(idx_hbm.at[pl.ds(0, IROWS)],
                            idx_bufs[b], isems[b]).wait()

    def issue_wb(t, b):
      pltpu.async_copy(
          out_bufs[b],
          out_hbm.at[pl.ds((base0 + t * KI) * EMBED_DIM, KI * EMBED_DIM)],
          wsems[b])

    def wait_wb(b):
      pltpu.make_async_copy(out_bufs[b],
                            out_hbm.at[pl.ds(0, KI * EMBED_DIM)],
                            wsems[b]).wait()

    def compute(b):
      ivb = idx_bufs[b]
      ovb = out_bufs[b]

      def group(g):
        iv = ivb[g >> 3, pl.ds((g & 7) * 16, 16)]
        a0 = iv * EMBED_DIM
        st0 = st_iota + g * (16 * EMBED_DIM)
        vals = [None] * EMBED_DIM
        rots = [None] * EMBED_DIM

        def store(r):
          plsc.store_scatter(ovb, [st0 + rots[r]], vals[r])

        for r in range(EMBED_DIM):
          rots[r] = (iota16 + r) & (EMBED_DIM - 1)
          vals[r] = plsc.load_gather(tab_v, [a0 + rots[r]])
          if r >= LOOKAHEAD:
            store(r - LOOKAHEAD)
        for r in range(EMBED_DIM - LOOKAHEAD, EMBED_DIM):
          store(r)

      plsc.parallel_loop(0, GROUPS, 1, unroll=1)(group)

    issue_idx(0, 0)
    issue_idx(1, 1)

    def step2(tt, carry):
      for b in (0, 1):
        t = 2 * tt + b
        wait_idx(b)

        @pl.when(tt > 0)
        def _():
          wait_wb(b)

        compute(b)
        issue_wb(t, b)

        @pl.when(t + 2 < STEPS)
        def _():
          issue_idx(t + 2, b)
      return carry

    lax.fori_loop(0, STEPS // 2, step2, 0)
    wait_idx(0)
    wait_wb(0)
    compute(0)
    issue_wb(STEPS - 1, 0)
    wait_wb(0)
    wait_wb(1)

  return emb_kernel


_emb = _make_emb_kernel()


@jax.jit
def kernel(np_batch, table):
  idx2d = np_batch.reshape(B_TOTAL // 128, 128).astype(jnp.int32)
  flat_tab = table.reshape(-1)
  out = _emb(idx2d, flat_tab)
  return out.reshape(BATCH, SEQ_LEN, WORD_LEN, EMBED_DIM)

# --- scband reference (transcript-rebuilt; emitter-appended) ---
"""Pipeline reference for scband-char-embedding-layer-4578435137765 (READ-ONLY COPY).

The authoritative reference and input builder live on the scoring server;
editing this copy changes nothing except your own understanding.
"""

import jax, jax.numpy as jnp
import numpy as np

BATCH = 1024
SEQ_LEN = 200
WORD_LEN = 20
VOCAB = 1000
EMBED_DIM = 32

def setup_inputs(seed: int = 0) -> dict:
    key = jax.random.key(seed)
    k_idx, k_tab = jax.random.split(key)
    np_batch = jax.random.randint(k_idx, (BATCH, SEQ_LEN, WORD_LEN), 0, VOCAB, dtype=jnp.int64 if jax.config.jax_enable_x64 else jnp.int32)
    table = jax.random.normal(k_tab, (VOCAB, EMBED_DIM), dtype=jnp.float32)
    return {"np_batch": np_batch, "table": table}

def reference(np_batch, table):
    batch_size, seq_len, word_len = np_batch.shape
    flat = np_batch.reshape(batch_size, seq_len * word_len)
    emb_batch = jnp.take(table, flat, axis=0)
    emb_batch = emb_batch.reshape(batch_size, seq_len, word_len, table.shape[1])
    return emb_batch

if __name__ == "__main__":
    import jax
    _d = setup_inputs()
    print(jax.jit(kernel)(*tuple(_d.values())))

</pallas_src>

<mosaic_0001>
#map = affine_map<(d0, d1) -> (0, 0)>
#map1 = affine_map<(d0, d1) -> (0)>
module attributes {stable_mosaic.version = 14 : i64} {
  func.func @emb_kernel(%arg0: i32, %arg1: i32, %arg2: memref<32000x128xi32, #tpu.memory_space<hbm>>, %arg3: memref<32000xf32, #tpu.memory_space<hbm>>, %arg4: memref<131072000xf32, #tpu.memory_space<hbm>>, %arg5: memref<32000xf32, #tpu.memory_space<vmem>>, %arg6: memref<8x128xi32, #tpu.memory_space<vmem>>, %arg7: memref<8x128xi32, #tpu.memory_space<vmem>>, %arg8: memref<32768xf32, #tpu.memory_space<vmem>>, %arg9: memref<32768xf32, #tpu.memory_space<vmem>>, %arg10: memref<!tpu.dma_semaphore, #tpu.memory_space<semaphore_mem>>, %arg11: memref<!tpu.dma_semaphore, #tpu.memory_space<semaphore_mem>>, %arg12: memref<!tpu.dma_semaphore, #tpu.memory_space<semaphore_mem>>, %arg13: memref<!tpu.dma_semaphore, #tpu.memory_space<semaphore_mem>>, %arg14: memref<!tpu.dma_semaphore, #tpu.memory_space<semaphore_mem>>) attributes {dimension_semantics = [#tpu.dimension_semantics<core_parallel>, #tpu.dimension_semantics<subcore_parallel>], iteration_bounds = array<i64: 2, 16>, scalar_prefetch = 0 : i64, scratch_operands = 10 : i64, tpu.core_type = #tpu.core_type<sc_vector_subcore>, window_params = [{transform_indices = #map}, {transform_indices = #map1}, {transform_indices = #map1}]} {
    %mul3A = arith.constant 2 : i32
    %mul3A_0 = arith.muli %arg1, %mul3A : i32
    %add3A = arith.addi %mul3A_0, %arg0 : i32
    %mul3A_1 = arith.constant 128000 : i32
    %mul3A_2 = arith.muli %add3A, %mul3A_1 : i32
    %jit3A = arith.constant 128 : i32
    %div3A = arith.divsi %mul3A_2, %jit3A : i32
    %sign3A = arith.constant 0 : i32
    %sign3A_3 = arith.cmpi sgt, %mul3A_2, %sign3A : i32
    %sign3A_4 = arith.extui %sign3A_3 : i1 to i32
    %sign3A_5 = arith.constant 0 : i32
    %sign3A_6 = arith.cmpi slt, %mul3A_2, %sign3A_5 : i32
    %sign3A_7 = arith.extui %sign3A_6 : i1 to i32
    %sign3A_8 = arith.subi %sign3A_4, %sign3A_7 : i32
    %sign3A_9 = arith.constant 0 : i32
    %sign3A_10 = arith.cmpi sgt, %jit3A, %sign3A_9 : i32
    %sign3A_11 = arith.extui %sign3A_10 : i1 to i32
    %sign3A_12 = arith.constant 0 : i32
    %sign3A_13 = arith.cmpi slt, %jit3A, %sign3A_12 : i32
    %sign3A_14 = arith.extui %sign3A_13 : i1 to i32
    %sign3A_15 = arith.subi %sign3A_11, %sign3A_14 : i32
    %ne3A = arith.cmpi ne, %sign3A_8, %sign3A_15 : i32
    %rem3A = arith.remsi %mul3A_2, %jit3A : i32
    %ne3A_16 = arith.constant 0 : i32
    %ne3A_17 = arith.cmpi ne, %rem3A, %ne3A_16 : i32
    %and3A = arith.andi %ne3A, %ne3A_17 : i1
    %sub3A = arith.constant 1 : i32
    %sub3A_18 = arith.subi %div3A, %sub3A : i32
    %select_n3A = arith.select %and3A, %sub3A_18, %div3A : i32
    tpu.enqueue_dma source(%arg3 : memref<32000xf32, #tpu.memory_space<hbm>>) target(%arg5 : memref<32000xf32, #tpu.memory_space<vmem>>) target_semaphore(%arg10 : memref<!tpu.dma_semaphore, #tpu.memory_space<semaphore_mem>>)
    tpu.wait_dma2 semaphore(%arg10 : memref<!tpu.dma_semaphore, #tpu.memory_space<semaphore_mem>>) src(%arg3 : memref<32000xf32, #tpu.memory_space<hbm>>) dst(%arg5 : memref<32000xf32, #tpu.memory_space<vmem>>)
    %iota3A = tpu.iota {dimensions = array<i32: 0>} : vector<16xi32>
    %mul3A_19 = arith.constant 32 : i32
    %mul3A_20 = vector.broadcast %mul3A_19 : i32 to vector<16xi32>
    %mul3A_21 = arith.muli %iota3A, %mul3A_20 : vector<16xi32>
    %add3A_22 = arith.constant 0 : i32
    %add3A_23 = arith.addi %select_n3A, %add3A_22 : i32
    %multiple_of3A = tpu.assume_multiple %add3A_23, 8 : i32
    %dma_start3A = arith.constant 0 : i32
    %dma_start3A_24 = tpu.memref_slice %arg2[%multiple_of3A, %dma_start3A] : memref<32000x128xi32, #tpu.memory_space<hbm>> -> memref<8x128xi32, #tpu.memory_space<hbm>>
    %dma_start3A_25 = arith.constant 0 : i32
    %dma_start3A_26 = tpu.memref_slice %arg2[%multiple_of3A, %dma_start3A_25] : memref<32000x128xi32, #tpu.memory_space<hbm>> -> memref<8x128xi32, #tpu.memory_space<hbm>>
    tpu.enqueue_dma source(%dma_start3A_26 : memref<8x128xi32, #tpu.memory_space<hbm>>) target(%arg6 : memref<8x128xi32, #tpu.memory_space<vmem>>) target_semaphore(%arg11 : memref<!tpu.dma_semaphore, #tpu.memory_space<semaphore_mem>>)
    %add3A_27 = arith.constant 8 : i32
    %add3A_28 = arith.addi %select_n3A, %add3A_27 : i32
    %multiple_of3A_29 = tpu.assume_multiple %add3A_28, 8 : i32
    %dma_start3A_30 = arith.constant 0 : i32
    %dma_start3A_31 = tpu.memref_slice %arg2[%multiple_of3A_29, %dma_start3A_30] : memref<32000x128xi32, #tpu.memory_space<hbm>> -> memref<8x128xi32, #tpu.memory_space<hbm>>
    %dma_start3A_32 = arith.constant 0 : i32
    %dma_start3A_33 = tpu.memref_slice %arg2[%multiple_of3A_29, %dma_start3A_32] : memref<32000x128xi32, #tpu.memory_space<hbm>> -> memref<8x128xi32, #tpu.memory_space<hbm>>
    tpu.enqueue_dma source(%dma_start3A_33 : memref<8x128xi32, #tpu.memory_space<hbm>>) target(%arg7 : memref<8x128xi32, #tpu.memory_space<vmem>>) target_semaphore(%arg12 : memref<!tpu.dma_semaphore, #tpu.memory_space<semaphore_mem>>)
    %scan3A = arith.constant 0 : i32
    %scan3A_34 = arith.constant 0 : i32
    %scan3A_35 = arith.constant 62 : i32
    %scan3A_36 = arith.addi %scan3A_34, %scan3A_35 : i32
    %scan3A_37 = arith.constant 1 : i32
    scf.for %scan3A_64 = %scan3A_34 to %scan3A_36 step %scan3A_37  : i32 {
      %mul3A_65 = arith.constant 2 : i32
      %mul3A_66 = arith.muli %mul3A_65, %scan3A_64 : i32
      %add3A_67 = arith.constant 0 : i32
      %add3A_68 = arith.addi %mul3A_66, %add3A_67 : i32
      %dma_wait3A_69 = arith.constant 0 : i32
      %dma_wait3A_70 = arith.constant 0 : i32
      %dma_wait3A_71 = tpu.memref_slice %arg2[%dma_wait3A_69, %dma_wait3A_70] : memref<32000x128xi32, #tpu.memory_space<hbm>> -> memref<8x128xi32, #tpu.memory_space<hbm>>
      %dma_wait3A_72 = arith.constant 0 : i32
      %dma_wait3A_73 = arith.constant 0 : i32
      %dma_wait3A_74 = tpu.memref_slice %arg2[%dma_wait3A_72, %dma_wait3A_73] : memref<32000x128xi32, #tpu.memory_space<hbm>> -> memref<8x128xi32, #tpu.memory_space<hbm>>
      tpu.wait_dma2 semaphore(%arg11 : memref<!tpu.dma_semaphore, #tpu.memory_space<semaphore_mem>>) src(%dma_wait3A_74 : memref<8x128xi32, #tpu.memory_space<hbm>>) dst(%arg6 : memref<8x128xi32, #tpu.memory_space<vmem>>)
      %gt3A = arith.constant 0 : i32
      %gt3A_75 = arith.cmpi sgt, %scan3A_64, %gt3A : i32
      %convert_element_type3A = arith.extui %gt3A_75 : i1 to i32
      %cond3A = arith.constant 0 : i32
      %cond3A_76 = arith.cmpi ne, %convert_element_type3A, %cond3A : i32
      scf.if %cond3A_76 {
        %dma_wait3A_125 = arith.constant 0 : i32
        %dma_wait3A_126 = tpu.memref_slice %arg4[%dma_wait3A_125] : memref<131072000xf32, #tpu.memory_space<hbm>> -> memref<32768xf32, #tpu.memory_space<hbm>>
        %dma_wait3A_127 = arith.constant 0 : i32
        %dma_wait3A_128 = tpu.memref_slice %arg4[%dma_wait3A_127] : memref<131072000xf32, #tpu.memory_space<hbm>> -> memref<32768xf32, #tpu.memory_space<hbm>>
        tpu.wait_dma2 semaphore(%arg13 : memref<!tpu.dma_semaphore, #tpu.memory_space<semaphore_mem>>) src(%arg8 : memref<32768xf32, #tpu.memory_space<vmem>>) dst(%dma_wait3A_128 : memref<32768xf32, #tpu.memory_space<hbm>>)
      } else {
      }
      %parallel_loop3A_77 = arith.constant 0 : i32
      %parallel_loop3A_78 = arith.constant 64 : i32
      %parallel_loop3A_79 = arith.constant 1 : i32
      scf.for %parallel_loop3A_125 = %parallel_loop3A_77 to %parallel_loop3A_78 step %parallel_loop3A_79  : i32 {
        %parallel_loop3A_126 = arith.constant 3 : i32
        %parallel_loop3A_127 = arith.shrsi %parallel_loop3A_125, %parallel_loop3A_126 : i32
        %parallel_loop3A_128 = arith.constant 7 : i32
        %parallel_loop3A_129 = arith.andi %parallel_loop3A_125, %parallel_loop3A_128 : i32
        %parallel_loop3A_130 = arith.constant 16 : i32
        %parallel_loop3A_131 = arith.muli %parallel_loop3A_129, %parallel_loop3A_130 : i32
        %parallel_loop3A_132 = arith.index_cast %parallel_loop3A_127 : i32 to index
        %parallel_loop3A_133 = arith.index_cast %parallel_loop3A_131 : i32 to index
        %parallel_loop3A_134 = tpu.vector_load %arg6[%parallel_loop3A_132, %parallel_loop3A_133] {strides = array<i32>} : memref<8x128xi32, #tpu.memory_space<vmem>>, vector<16xi32>,
        %parallel_loop3A_135 = arith.constant 32 : i32
        %parallel_loop3A_136 = vector.broadcast %parallel_loop3A_135 : i32 to vector<16xi32>
        %parallel_loop3A_137 = arith.muli %parallel_loop3A_134, %parallel_loop3A_136 : vector<16xi32>
        %parallel_loop3A_138 = arith.constant 512 : i32
        %parallel_loop3A_139 = arith.muli %parallel_loop3A_125, %parallel_loop3A_138 : i32
        %parallel_loop3A_140 = vector.broadcast %parallel_loop3A_139 : i32 to vector<16xi32>
        %parallel_loop3A_141 = arith.addi %mul3A_21, %parallel_loop3A_140 : vector<16xi32>
        %parallel_loop3A_142 = arith.constant 0 : i32
        %parallel_loop3A_143 = vector.broadcast %parallel_loop3A_142 : i32 to vector<16xi32>
        %parallel_loop3A_144 = arith.addi %iota3A, %parallel_loop3A_143 : vector<16xi32>
        %parallel_loop3A_145 = arith.constant 31 : i32
        %parallel_loop3A_146 = vector.broadcast %parallel_loop3A_145 : i32 to vector<16xi32>
        %parallel_loop3A_147 = arith.andi %parallel_loop3A_144, %parallel_loop3A_146 : vector<16xi32>
        %parallel_loop3A_148 = arith.addi %parallel_loop3A_137, %parallel_loop3A_147 : vector<16xi32>
        %parallel_loop3A_149 = tpu.vector_load_idx %arg5[%parallel_loop3A_148] : memref<32000xf32, #tpu.memory_space<vmem>>[vector<16xi32>], vector<16xf32>,
        %parallel_loop3A_150 = arith.constant 1 : i32
        %parallel_loop3A_151 = vector.broadcast %parallel_loop3A_150 : i32 to vector<16xi32>
        %parallel_loop3A_152 = arith.addi %iota3A, %parallel_loop3A_151 : vector<16xi32>
        %parallel_loop3A_153 = arith.constant 31 : i32
        %parallel_loop3A_154 = vector.broadcast %parallel_loop3A_153 : i32 to vector<16xi32>
        %parallel_loop3A_155 = arith.andi %parallel_loop3A_152, %parallel_loop3A_154 : vector<16xi32>
        %parallel_loop3A_156 = arith.addi %parallel_loop3A_137, %parallel_loop3A_155 : vector<16xi32>
        %parallel_loop3A_157 = tpu.vector_load_idx %arg5[%parallel_loop3A_156] : memref<32000xf32, #tpu.memory_space<vmem>>[vector<16xi32>], vector<16xf32>,
        %parallel_loop3A_158 = arith.constant 2 : i32
        %parallel_loop3A_159 = vector.broadcast %parallel_loop3A_158 : i32 to vector<16xi32>
        %parallel_loop3A_160 = arith.addi %iota3A, %parallel_loop3A_159 : vector<16xi32>
        %parallel_loop3A_161 = arith.constant 31 : i32
        %parallel_loop3A_162 = vector.broadcast %parallel_loop3A_161 : i32 to vector<16xi32>
        %parallel_loop3A_163 = arith.andi %parallel_loop3A_160, %parallel_loop3A_162 : vector<16xi32>
        %parallel_loop3A_164 = arith.addi %parallel_loop3A_137, %parallel_loop3A_163 : vector<16xi32>
        %parallel_loop3A_165 = tpu.vector_load_idx %arg5[%parallel_loop3A_164] : memref<32000xf32, #tpu.memory_space<vmem>>[vector<16xi32>], vector<16xf32>,
        %parallel_loop3A_166 = arith.constant 3 : i32
        %parallel_loop3A_167 = vector.broadcast %parallel_loop3A_166 : i32 to vector<16xi32>
        %parallel_loop3A_168 = arith.addi %iota3A, %parallel_loop3A_167 : vector<16xi32>
        %parallel_loop3A_169 = arith.constant 31 : i32
        %parallel_loop3A_170 = vector.broadcast %parallel_loop3A_169 : i32 to vector<16xi32>
        %parallel_loop3A_171 = arith.andi %parallel_loop3A_168, %parallel_loop3A_170 : vector<16xi32>
        %parallel_loop3A_172 = arith.addi %parallel_loop3A_137, %parallel_loop3A_171 : vector<16xi32>
        %parallel_loop3A_173 = tpu.vector_load_idx %arg5[%parallel_loop3A_172] : memref<32000xf32, #tpu.memory_space<vmem>>[vector<16xi32>], vector<16xf32>,
        %parallel_loop3A_174 = arith.constant 4 : i32
        %parallel_loop3A_175 = vector.broadcast %parallel_loop3A_174 : i32 to vector<16xi32>
        %parallel_loop3A_176 = arith.addi %iota3A, %parallel_loop3A_175 : vector<16xi32>
        %parallel_loop3A_177 = arith.constant 31 : i32
        %parallel_loop3A_178 = vector.broadcast %parallel_loop3A_177 : i32 to vector<16xi32>
        %parallel_loop3A_179 = arith.andi %parallel_loop3A_176, %parallel_loop3A_178 : vector<16xi32>
        %parallel_loop3A_180 = arith.addi %parallel_loop3A_137, %parallel_loop3A_179 : vector<16xi32>
        %parallel_loop3A_181 = tpu.vector_load_idx %arg5[%parallel_loop3A_180] : memref<32000xf32, #tpu.memory_space<vmem>>[vector<16xi32>], vector<16xf32>,
        %parallel_loop3A_182 = arith.constant 5 : i32
        %parallel_loop3A_183 = vector.broadcast %parallel_loop3A_182 : i32 to vector<16xi32>
        %parallel_loop3A_184 = arith.addi %iota3A, %parallel_loop3A_183 : vector<16xi32>
        %parallel_loop3A_185 = arith.constant 31 : i32
        %parallel_loop3A_186 = vector.broadcast %parallel_loop3A_185 : i32 to vector<16xi32>
        %parallel_loop3A_187 = arith.andi %parallel_loop3A_184, %parallel_loop3A_186 : vector<16xi32>
        %parallel_loop3A_188 = arith.addi %parallel_loop3A_137, %parallel_loop3A_187 : vector<16xi32>
        %parallel_loop3A_189 = tpu.vector_load_idx %arg5[%parallel_loop3A_188] : memref<32000xf32, #tpu.memory_space<vmem>>[vector<16xi32>], vector<16xf32>,
        %parallel_loop3A_190 = arith.constant 6 : i32
        %parallel_loop3A_191 = vector.broadcast %parallel_loop3A_190 : i32 to vector<16xi32>
        %parallel_loop3A_192 = arith.addi %iota3A, %parallel_loop3A_191 : vector<16xi32>
        %parallel_loop3A_193 = arith.constant 31 : i32
        %parallel_loop3A_194 = vector.broadcast %parallel_loop3A_193 : i32 to vector<16xi32>
        %parallel_loop3A_195 = arith.andi %parallel_loop3A_192, %parallel_loop3A_194 : vector<16xi32>
        %parallel_loop3A_196 = arith.addi %parallel_loop3A_137, %parallel_loop3A_195 : vector<16xi32>
        %parallel_loop3A_197 = tpu.vector_load_idx %arg5[%parallel_loop3A_196] : memref<32000xf32, #tpu.memory_space<vmem>>[vector<16xi32>], vector<16xf32>,
        %parallel_loop3A_198 = arith.constant 7 : i32
        %parallel_loop3A_199 = vector.broadcast %parallel_loop3A_198 : i32 to vector<16xi32>
        %parallel_loop3A_200 = arith.addi %iota3A, %parallel_loop3A_199 : vector<16xi32>
        %parallel_loop3A_201 = arith.constant 31 : i32
        %parallel_loop3A_202 = vector.broadcast %parallel_loop3A_201 : i32 to vector<16xi32>
        %parallel_loop3A_203 = arith.andi %parallel_loop3A_200, %parallel_loop3A_202 : vector<16xi32>
        %parallel_loop3A_204 = arith.addi %parallel_loop3A_137, %parallel_loop3A_203 : vector<16xi32>
        %parallel_loop3A_205 = tpu.vector_load_idx %arg5[%parallel_loop3A_204] : memref<32000xf32, #tpu.memory_space<vmem>>[vector<16xi32>], vector<16xf32>,
        %parallel_loop3A_206 = arith.constant 8 : i32
        %parallel_loop3A_207 = vector.broadcast %parallel_loop3A_206 : i32 to vector<16xi32>
        %parallel_loop3A_208 = arith.addi %iota3A, %parallel_loop3A_207 : vector<16xi32>
        %parallel_loop3A_209 = arith.constant 31 : i32
        %parallel_loop3A_210 = vector.broadcast %parallel_loop3A_209 : i32 to vector<16xi32>
        %parallel_loop3A_211 = arith.andi %parallel_loop3A_208, %parallel_loop3A_210 : vector<16xi32>
        %parallel_loop3A_212 = arith.addi %parallel_loop3A_137, %parallel_loop3A_211 : vector<16xi32>
        %parallel_loop3A_213 = tpu.vector_load_idx %arg5[%parallel_loop3A_212] : memref<32000xf32, #tpu.memory_space<vmem>>[vector<16xi32>], vector<16xf32>,
        %parallel_loop3A_214 = arith.addi %parallel_loop3A_141, %parallel_loop3A_147 : vector<16xi32>
        tpu.vector_store_idx %arg8[%parallel_loop3A_214], %parallel_loop3A_149 : memref<32768xf32, #tpu.memory_space<vmem>>[vector<16xi32>], vector<16xf32>,
        %parallel_loop3A_215 = arith.constant 9 : i32
        %parallel_loop3A_216 = vector.broadcast %parallel_loop3A_215 : i32 to vector<16xi32>
        %parallel_loop3A_217 = arith.addi %iota3A, %parallel_loop3A_216 : vector<16xi32>
        %parallel_loop3A_218 = arith.constant 31 : i32
        %parallel_loop3A_219 = vector.broadcast %parallel_loop3A_218 : i32 to vector<16xi32>
        %parallel_loop3A_220 = arith.andi %parallel_loop3A_217, %parallel_loop3A_219 : vector<16xi32>
        %parallel_loop3A_221 = arith.addi %parallel_loop3A_137, %parallel_loop3A_220 : vector<16xi32>
        %parallel_loop3A_222 = tpu.vector_load_idx %arg5[%parallel_loop3A_221] : memref<32000xf32, #tpu.memory_space<vmem>>[vector<16xi32>], vector<16xf32>,
        %parallel_loop3A_223 = arith.addi %parallel_loop3A_141, %parallel_loop3A_155 : vector<16xi32>
        tpu.vector_store_idx %arg8[%parallel_loop3A_223], %parallel_loop3A_157 : memref<32768xf32, #tpu.memory_space<vmem>>[vector<16xi32>], vector<16xf32>,
        %parallel_loop3A_224 = arith.constant 10 : i32
        %parallel_loop3A_225 = vector.broadcast %parallel_loop3A_224 : i32 to vector<16xi32>
        %parallel_loop3A_226 = arith.addi %iota3A, %parallel_loop3A_225 : vector<16xi32>
        %parallel_loop3A_227 = arith.constant 31 : i32
        %parallel_loop3A_228 = vector.broadcast %parallel_loop3A_227 : i32 to vector<16xi32>
        %parallel_loop3A_229 = arith.andi %parallel_loop3A_226, %parallel_loop3A_228 : vector<16xi32>
        %parallel_loop3A_230 = arith.addi %parallel_loop3A_137, %parallel_loop3A_229 : vector<16xi32>
        %parallel_loop3A_231 = tpu.vector_load_idx %arg5[%parallel_loop3A_230] : memref<32000xf32, #tpu.memory_space<vmem>>[vector<16xi32>], vector<16xf32>,
        %parallel_loop3A_232 = arith.addi %parallel_loop3A_141, %parallel_loop3A_163 : vector<16xi32>
        tpu.vector_store_idx %arg8[%parallel_loop3A_232], %parallel_loop3A_165 : memref<32768xf32, #tpu.memory_space<vmem>>[vector<16xi32>], vector<16xf32>,
        %parallel_loop3A_233 = arith.constant 11 : i32
        %parallel_loop3A_234 = vector.broadcast %parallel_loop3A_233 : i32 to vector<16xi32>
        %parallel_loop3A_235 = arith.addi %iota3A, %parallel_loop3A_234 : vector<16xi32>
        %parallel_loop3A_236 = arith.constant 31 : i32
        %parallel_loop3A_237 = vector.broadcast %parallel_loop3A_236 : i32 to vector<16xi32>
        %parallel_loop3A_238 = arith.andi %parallel_loop3A_235, %parallel_loop3A_237 : vector<16xi32>
        %parallel_loop3A_239 = arith.addi %parallel_loop3A_137, %parallel_loop3A_238 : vector<16xi32>
        %parallel_loop3A_240 = tpu.vector_load_idx %arg5[%parallel_loop3A_239] : memref<32000xf32, #tpu.memory_space<vmem>>[vector<16xi32>], vector<16xf32>,
        %parallel_loop3A_241 = arith.addi %parallel_loop3A_141, %parallel_loop3A_171 : vector<16xi32>
        tpu.vector_store_idx %arg8[%parallel_loop3A_241], %parallel_loop3A_173 : memref<32768xf32, #tpu.memory_space<vmem>>[vector<16xi32>], vector<16xf32>,
        %parallel_loop3A_242 = arith.constant 12 : i32
        %parallel_loop3A_243 = vector.broadcast %parallel_loop3A_242 : i32 to vector<16xi32>
        %parallel_loop3A_244 = arith.addi %iota3A, %parallel_loop3A_243 : vector<16xi32>
        %parallel_loop3A_245 = arith.constant 31 : i32
        %parallel_loop3A_246 = vector.broadcast %parallel_loop3A_245 : i32 to vector<16xi32>
        %parallel_loop3A_247 = arith.andi %parallel_loop3A_244, %parallel_loop3A_246 : vector<16xi32>
        %parallel_loop3A_248 = arith.addi %parallel_loop3A_137, %parallel_loop3A_247 : vector<16xi32>
        %parallel_loop3A_249 = tpu.vector_load_idx %arg5[%parallel_loop3A_248] : memref<32000xf32, #tpu.memory_space<vmem>>[vector<16xi32>], vector<16xf32>,
        %parallel_loop3A_250 = arith.addi %parallel_loop3A_141, %parallel_loop3A_179 : vector<16xi32>
        tpu.vector_store_idx %arg8[%parallel_loop3A_250], %parallel_loop3A_181 : memref<32768xf32, #tpu.memory_space<vmem>>[vector<16xi32>], vector<16xf32>,
        %parallel_loop3A_251 = arith.constant 13 : i32
        %parallel_loop3A_252 = vector.broadcast %parallel_loop3A_251 : i32 to vector<16xi32>
        %parallel_loop3A_253 = arith.addi %iota3A, %parallel_loop3A_252 : vector<16xi32>
        %parallel_loop3A_254 = arith.constant 31 : i32
        %parallel_loop3A_255 = vector.broadcast %parallel_loop3A_254 : i32 to vector<16xi32>
        %parallel_loop3A_256 = arith.andi %parallel_loop3A_253, %parallel_loop3A_255 : vector<16xi32>
        %parallel_loop3A_257 = arith.addi %parallel_loop3A_137, %parallel_loop3A_256 : vector<16xi32>
        %parallel_loop3A_258 = tpu.vector_load_idx %arg5[%parallel_loop3A_257] : memref<32000xf32, #tpu.memory_space<vmem>>[vector<16xi32>], vector<16xf32>,
        %parallel_loop3A_259 = arith.addi %parallel_loop3A_141, %parallel_loop3A_187 : vector<16xi32>
        tpu.vector_store_idx %arg8[%parallel_loop3A_259], %parallel_loop3A_189 : memref<32768xf32, #tpu.memory_space<vmem>>[vector<16xi32>], vector<16xf32>,
        %parallel_loop3A_260 = arith.constant 14 : i32
        %parallel_loop3A_261 = vector.broadcast %parallel_loop3A_260 : i32 to vector<16xi32>
        %parallel_loop3A_262 = arith.addi %iota3A, %parallel_loop3A_261 : vector<16xi32>
        %parallel_loop3A_263 = arith.constant 31 : i32
        %parallel_loop3A_264 = vector.broadcast %parallel_loop3A_263 : i32 to vector<16xi32>
        %parallel_loop3A_265 = arith.andi %parallel_loop3A_262, %parallel_loop3A_264 : vector<16xi32>
        %parallel_loop3A_266 = arith.addi %parallel_loop3A_137, %parallel_loop3A_265 : vector<16xi32>
        %parallel_loop3A_267 = tpu.vector_load_idx %arg5[%parallel_loop3A_266] : memref<32000xf32, #tpu.memory_space<vmem>>[vector<16xi32>], vector<16xf32>,
        %parallel_loop3A_268 = arith.addi %parallel_loop3A_141, %parallel_loop3A_195 : vector<16xi32>
        tpu.vector_store_idx %arg8[%parallel_loop3A_268], %parallel_loop3A_197 : memref<32768xf32, #tpu.memory_space<vmem>>[vector<16xi32>], vector<16xf32>,
        %parallel_loop3A_269 = arith.constant 15 : i32
        %parallel_loop3A_270 = vector.broadcast %parallel_loop3A_269 : i32 to vector<16xi32>
        %parallel_loop3A_271 = arith.addi %iota3A, %parallel_loop3A_270 : vector<16xi32>
        %parallel_loop3A_272 = arith.constant 31 : i32
        %parallel_loop3A_273 = vector.broadcast %parallel_loop3A_272 : i32 to vector<16xi32>
        %parallel_loop3A_274 = arith.andi %parallel_loop3A_271, %parallel_loop3A_273 : vector<16xi32>
        %parallel_loop3A_275 = arith.addi %parallel_loop3A_137, %parallel_loop3A_274 : vector<16xi32>
        %parallel_loop3A_276 = tpu.vector_load_idx %arg5[%parallel_loop3A_275] : memref<32000xf32, #tpu.memory_space<vmem>>[vector<16xi32>], vector<16xf32>,
        %parallel_loop3A_277 = arith.addi %parallel_loop3A_141, %parallel_loop3A_203 : vector<16xi32>
        tpu.vector_store_idx %arg8[%parallel_loop3A_277], %parallel_loop3A_205 : memref<32768xf32, #tpu.memory_space<vmem>>[vector<16xi32>], vector<16xf32>,
        %parallel_loop3A_278 = arith.constant 16 : i32
        %parallel_loop3A_279 = vector.broadcast %parallel_loop3A_278 : i32 to vector<16xi32>
        %parallel_loop3A_280 = arith.addi %iota3A, %parallel_loop3A_279 : vector<16xi32>
        %parallel_loop3A_281 = arith.constant 31 : i32
        %parallel_loop3A_282 = vector.broadcast %parallel_loop3A_281 : i32 to vector<16xi32>
        %parallel_loop3A_283 = arith.andi %parallel_loop3A_280, %parallel_loop3A_282 : vector<16xi32>
        %parallel_loop3A_284 = arith.addi %parallel_loop3A_137, %parallel_loop3A_283 : vector<16xi32>
        %parallel_loop3A_285 = tpu.vector_load_idx %arg5[%parallel_loop3A_284] : memref<32000xf32, #tpu.memory_space<vmem>>[vector<16xi32>], vector<16xf32>,
        %parallel_loop3A_286 = arith.addi %parallel_loop3A_141, %parallel_loop3A_211 : vector<16xi32>
        tpu.vector_store_idx %arg8[%parallel_loop3A_286], %parallel_loop3A_213 : memref<32768xf32, #tpu.memory_space<vmem>>[vector<16xi32>], vector<16xf32>,
        %parallel_loop3A_287 = arith.constant 17 : i32
        %parallel_loop3A_288 = vector.broadcast %parallel_loop3A_287 : i32 to vector<16xi32>
        %parallel_loop3A_289 = arith.addi %iota3A, %parallel_loop3A_288 : vector<16xi32>
        %parallel_loop3A_290 = arith.constant 31 : i32
        %parallel_loop3A_291 = vector.broadcast %parallel_loop3A_290 : i32 to vector<16xi32>
        %parallel_loop3A_292 = arith.andi %parallel_loop3A_289, %parallel_loop3A_291 : vector<16xi32>
        %parallel_loop3A_293 = arith.addi %parallel_loop3A_137, %parallel_loop3A_292 : vector<16xi32>
        %parallel_loop3A_294 = tpu.vector_load_idx %arg5[%parallel_loop3A_293] : memref<32000xf32, #tpu.memory_space<vmem>>[vector<16xi32>], vector<16xf32>,
        %parallel_loop3A_295 = arith.addi %parallel_loop3A_141, %parallel_loop3A_220 : vector<16xi32>
        tpu.vector_store_idx %arg8[%parallel_loop3A_295], %parallel_loop3A_222 : memref<32768xf32, #tpu.memory_space<vmem>>[vector<16xi32>], vector<16xf32>,
        %parallel_loop3A_296 = arith.constant 18 : i32
        %parallel_loop3A_297 = vector.broadcast %parallel_loop3A_296 : i32 to vector<16xi32>
        %parallel_loop3A_298 = arith.addi %iota3A, %parallel_loop3A_297 : vector<16xi32>
        %parallel_loop3A_299 = arith.constant 31 : i32
        %parallel_loop3A_300 = vector.broadcast %parallel_loop3A_299 : i32 to vector<16xi32>
        %parallel_loop3A_301 = arith.andi %parallel_loop3A_298, %parallel_loop3A_300 : vector<16xi32>
        %parallel_loop3A_302 = arith.addi %parallel_loop3A_137, %parallel_loop3A_301 : vector<16xi32>
        %parallel_loop3A_303 = tpu.vector_load_idx %arg5[%parallel_loop3A_302] : memref<32000xf32, #tpu.memory_space<vmem>>[vector<16xi32>], vector<16xf32>,
        %parallel_loop3A_304 = arith.addi %parallel_loop3A_141, %parallel_loop3A_229 : vector<16xi32>
        tpu.vector_store_idx %arg8[%parallel_loop3A_304], %parallel_loop3A_231 : memref<32768xf32, #tpu.memory_space<vmem>>[vector<16xi32>], vector<16xf32>,
        %parallel_loop3A_305 = arith.constant 19 : i32
        %parallel_loop3A_306 = vector.broadcast %parallel_loop3A_305 : i32 to vector<16xi32>
        %parallel_loop3A_307 = arith.addi %iota3A, %parallel_loop3A_306 : vector<16xi32>
        %parallel_loop3A_308 = arith.constant 31 : i32
        %parallel_loop3A_309 = vector.broadcast %parallel_loop3A_308 : i32 to vector<16xi32>
        %parallel_loop3A_310 = arith.andi %parallel_loop3A_307, %parallel_loop3A_309 : vector<16xi32>
        %parallel_loop3A_311 = arith.addi %parallel_loop3A_137, %parallel_loop3A_310 : vector<16xi32>
        %parallel_loop3A_312 = tpu.vector_load_idx %arg5[%parallel_loop3A_311] : memref<32000xf32, #tpu.memory_space<vmem>>[vector<16xi32>], vector<16xf32>,
        %parallel_loop3A_313 = arith.addi %parallel_loop3A_141, %parallel_loop3A_238 : vector<16xi32>
        tpu.vector_store_idx %arg8[%parallel_loop3A_313], %parallel_loop3A_240 : memref<32768xf32, #tpu.memory_space<vmem>>[vector<16xi32>], vector<16xf32>,
        %parallel_loop3A_314 = arith.constant 20 : i32
        %parallel_loop3A_315 = vector.broadcast %parallel_loop3A_314 : i32 to vector<16xi32>
        %parallel_loop3A_316 = arith.addi %iota3A, %parallel_loop3A_315 : vector<16xi32>
        %parallel_loop3A_317 = arith.constant 31 : i32
        %parallel_loop3A_318 = vector.broadcast %parallel_loop3A_317 : i32 to vector<16xi32>
        %parallel_loop3A_319 = arith.andi %parallel_loop3A_316, %parallel_loop3A_318 : vector<16xi32>
        %parallel_loop3A_320 = arith.addi %parallel_loop3A_137, %parallel_loop3A_319 : vector<16xi32>
        %parallel_loop3A_321 = tpu.vector_load_idx %arg5[%parallel_loop3A_320] : memref<32000xf32, #tpu.memory_space<vmem>>[vector<16xi32>], vector<16xf32>,
        %parallel_loop3A_322 = arith.addi %parallel_loop3A_141, %parallel_loop3A_247 : vector<16xi32>
        tpu.vector_store_idx %arg8[%parallel_loop3A_322], %parallel_loop3A_249 : memref<32768xf32, #tpu.memory_space<vmem>>[vector<16xi32>], vector<16xf32>,
        %parallel_loop3A_323 = arith.constant 21 : i32
        %parallel_loop3A_324 = vector.broadcast %parallel_loop3A_323 : i32 to vector<16xi32>
        %parallel_loop3A_325 = arith.addi %iota3A, %parallel_loop3A_324 : vector<16xi32>
        %parallel_loop3A_326 = arith.constant 31 : i32
        %parallel_loop3A_327 = vector.broadcast %parallel_loop3A_326 : i32 to vector<16xi32>
        %parallel_loop3A_328 = arith.andi %parallel_loop3A_325, %parallel_loop3A_327 : vector<16xi32>
        %parallel_loop3A_329 = arith.addi %parallel_loop3A_137, %parallel_loop3A_328 : vector<16xi32>
        %parallel_loop3A_330 = tpu.vector_load_idx %arg5[%parallel_loop3A_329] : memref<32000xf32, #tpu.memory_space<vmem>>[vector<16xi32>], vector<16xf32>,
        %parallel_loop3A_331 = arith.addi %parallel_loop3A_141, %parallel_loop3A_256 : vector<16xi32>
        tpu.vector_store_idx %arg8[%parallel_loop3A_331], %parallel_loop3A_258 : memref<32768xf32, #tpu.memory_space<vmem>>[vector<16xi32>], vector<16xf32>,
        %parallel_loop3A_332 = arith.constant 22 : i32
        %parallel_loop3A_333 = vector.broadcast %parallel_loop3A_332 : i32 to vector<16xi32>
        %parallel_loop3A_334 = arith.addi %iota3A, %parallel_loop3A_333 : vector<16xi32>
        %parallel_loop3A_335 = arith.constant 31 : i32
        %parallel_loop3A_336 = vector.broadcast %parallel_loop3A_335 : i32 to vector<16xi32>
        %parallel_loop3A_337 = arith.andi %parallel_loop3A_334, %parallel_loop3A_336 : vector<16xi32>
        %parallel_loop3A_338 = arith.addi %parallel_loop3A_137, %parallel_loop3A_337 : vector<16xi32>
        %parallel_loop3A_339 = tpu.vector_load_idx %arg5[%parallel_loop3A_338] : memref<32000xf32, #tpu.memory_space<vmem>>[vector<16xi32>], vector<16xf32>,
        %parallel_loop3A_340 = arith.addi %parallel_loop3A_141, %parallel_loop3A_265 : vector<16xi32>
        tpu.vector_store_idx %arg8[%parallel_loop3A_340], %parallel_loop3A_267 : memref<32768xf32, #tpu.memory_space<vmem>>[vector<16xi32>], vector<16xf32>,
        %parallel_loop3A_341 = arith.constant 23 : i32
        %parallel_loop3A_342 = vector.broadcast %parallel_loop3A_341 : i32 to vector<16xi32>
        %parallel_loop3A_343 = arith.addi %iota3A, %parallel_loop3A_342 : vector<16xi32>
        %parallel_loop3A_344 = arith.constant 31 : i32
        %parallel_loop3A_345 = vector.broadcast %parallel_loop3A_344 : i32 to vector<16xi32>
        %parallel_loop3A_346 = arith.andi %parallel_loop3A_343, %parallel_loop3A_345 : vector<16xi32>
        %parallel_loop3A_347 = arith.addi %parallel_loop3A_137, %parallel_loop3A_346 : vector<16xi32>
        %parallel_loop3A_348 = tpu.vector_load_idx %arg5[%parallel_loop3A_347] : memref<32000xf32, #tpu.memory_space<vmem>>[vector<16xi32>], vector<16xf32>,
        %parallel_loop3A_349 = arith.addi %parallel_loop3A_141, %parallel_loop3A_274 : vector<16xi32>
        tpu.vector_store_idx %arg8[%parallel_loop3A_349], %parallel_loop3A_276 : memref<32768xf32, #tpu.memory_space<vmem>>[vector<16xi32>], vector<16xf32>,
        %parallel_loop3A_350 = arith.constant 24 : i32
        %parallel_loop3A_351 = vector.broadcast %parallel_loop3A_350 : i32 to vector<16xi32>
        %parallel_loop3A_352 = arith.addi %iota3A, %parallel_loop3A_351 : vector<16xi32>
        %parallel_loop3A_353 = arith.constant 31 : i32
        %parallel_loop3A_354 = vector.broadcast %parallel_loop3A_353 : i32 to vector<16xi32>
        %parallel_loop3A_355 = arith.andi %parallel_loop3A_352, %parallel_loop3A_354 : vector<16xi32>
        %parallel_loop3A_356 = arith.addi %parallel_loop3A_137, %parallel_loop3A_355 : vector<16xi32>
        %parallel_loop3A_357 = tpu.vector_load_idx %arg5[%parallel_loop3A_356] : memref<32000xf32, #tpu.memory_space<vmem>>[vector<16xi32>], vector<16xf32>,
        %parallel_loop3A_358 = arith.addi %parallel_loop3A_141, %parallel_loop3A_283 : vector<16xi32>
        tpu.vector_store_idx %arg8[%parallel_loop3A_358], %parallel_loop3A_285 : memref<32768xf32, #tpu.memory_space<vmem>>[vector<16xi32>], vector<16xf32>,
        %parallel_loop3A_359 = arith.constant 25 : i32
        %parallel_loop3A_360 = vector.broadcast %parallel_loop3A_359 : i32 to vector<16xi32>
        %parallel_loop3A_361 = arith.addi %iota3A, %parallel_loop3A_360 : vector<16xi32>
        %parallel_loop3A_362 = arith.constant 31 : i32
        %parallel_loop3A_363 = vector.broadcast %parallel_loop3A_362 : i32 to vector<16xi32>
        %parallel_loop3A_364 = arith.andi %parallel_loop3A_361, %parallel_loop3A_363 : vector<16xi32>
        %parallel_loop3A_365 = arith.addi %parallel_loop3A_137, %parallel_loop3A_364 : vector<16xi32>
        %parallel_loop3A_366 = tpu.vector_load_idx %arg5[%parallel_loop3A_365] : memref<32000xf32, #tpu.memory_space<vmem>>[vector<16xi32>], vector<16xf32>,
        %parallel_loop3A_367 = arith.addi %parallel_loop3A_141, %parallel_loop3A_292 : vector<16xi32>
        tpu.vector_store_idx %arg8[%parallel_loop3A_367], %parallel_loop3A_294 : memref<32768xf32, #tpu.memory_space<vmem>>[vector<16xi32>], vector<16xf32>,
        %parallel_loop3A_368 = arith.constant 26 : i32
        %parallel_loop3A_369 = vector.broadcast %parallel_loop3A_368 : i32 to vector<16xi32>
        %parallel_loop3A_370 = arith.addi %iota3A, %parallel_loop3A_369 : vector<16xi32>
        %parallel_loop3A_371 = arith.constant 31 : i32
        %parallel_loop3A_372 = vector.broadcast %parallel_loop3A_371 : i32 to vector<16xi32>
        %parallel_loop3A_373 = arith.andi %parallel_loop3A_370, %parallel_loop3A_372 : vector<16xi32>
        %parallel_loop3A_374 = arith.addi %parallel_loop3A_137, %parallel_loop3A_373 : vector<16xi32>
        %parallel_loop3A_375 = tpu.vector_load_idx %arg5[%parallel_loop3A_374] : memref<32000xf32, #tpu.memory_space<vmem>>[vector<16xi32>], vector<16xf32>,
        %parallel_loop3A_376 = arith.addi %parallel_loop3A_141, %parallel_loop3A_301 : vector<16xi32>
        tpu.vector_store_idx %arg8[%parallel_loop3A_376], %parallel_loop3A_303 : memref<32768xf32, #tpu.memory_space<vmem>>[vector<16xi32>], vector<16xf32>,
        %parallel_loop3A_377 = arith.constant 27 : i32
        %parallel_loop3A_378 = vector.broadcast %parallel_loop3A_377 : i32 to vector<16xi32>
        %parallel_loop3A_379 = arith.addi %iota3A, %parallel_loop3A_378 : vector<16xi32>
        %parallel_loop3A_380 = arith.constant 31 : i32
        %parallel_loop3A_381 = vector.broadcast %parallel_loop3A_380 : i32 to vector<16xi32>
        %parallel_loop3A_382 = arith.andi %parallel_loop3A_379, %parallel_loop3A_381 : vector<16xi32>
        %parallel_loop3A_383 = arith.addi %parallel_loop3A_137, %parallel_loop3A_382 : vector<16xi32>
        %parallel_loop3A_384 = tpu.vector_load_idx %arg5[%parallel_loop3A_383] : memref<32000xf32, #tpu.memory_space<vmem>>[vector<16xi32>], vector<16xf32>,
        %parallel_loop3A_385 = arith.addi %parallel_loop3A_141, %parallel_loop3A_310 : vector<16xi32>
        tpu.vector_store_idx %arg8[%parallel_loop3A_385], %parallel_loop3A_312 : memref<32768xf32, #tpu.memory_space<vmem>>[vector<16xi32>], vector<16xf32>,
        %parallel_loop3A_386 = arith.constant 28 : i32
        %parallel_loop3A_387 = vector.broadcast %parallel_loop3A_386 : i32 to vector<16xi32>
        %parallel_loop3A_388 = arith.addi %iota3A, %parallel_loop3A_387 : vector<16xi32>
        %parallel_loop3A_389 = arith.constant 31 : i32
        %parallel_loop3A_390 = vector.broadcast %parallel_loop3A_389 : i32 to vector<16xi32>
        %parallel_loop3A_391 = arith.andi %parallel_loop3A_388, %parallel_loop3A_390 : vector<16xi32>
        %parallel_loop3A_392 = arith.addi %parallel_loop3A_137, %parallel_loop3A_391 : vector<16xi32>
        %parallel_loop3A_393 = tpu.vector_load_idx %arg5[%parallel_loop3A_392] : memref<32000xf32, #tpu.memory_space<vmem>>[vector<16xi32>], vector<16xf32>,
        %parallel_loop3A_394 = arith.addi %parallel_loop3A_141, %parallel_loop3A_319 : vector<16xi32>
        tpu.vector_store_idx %arg8[%parallel_loop3A_394], %parallel_loop3A_321 : memref<32768xf32, #tpu.memory_space<vmem>>[vector<16xi32>], vector<16xf32>,
        %parallel_loop3A_395 = arith.constant 29 : i32
        %parallel_loop3A_396 = vector.broadcast %parallel_loop3A_395 : i32 to vector<16xi32>
        %parallel_loop3A_397 = arith.addi %iota3A, %parallel_loop3A_396 : vector<16xi32>
        %parallel_loop3A_398 = arith.constant 31 : i32
        %parallel_loop3A_399 = vector.broadcast %parallel_loop3A_398 : i32 to vector<16xi32>
        %parallel_loop3A_400 = arith.andi %parallel_loop3A_397, %parallel_loop3A_399 : vector<16xi32>
        %parallel_loop3A_401 = arith.addi %parallel_loop3A_137, %parallel_loop3A_400 : vector<16xi32>
        %parallel_loop3A_402 = tpu.vector_load_idx %arg5[%parallel_loop3A_401] : memref<32000xf32, #tpu.memory_space<vmem>>[vector<16xi32>], vector<16xf32>,
        %parallel_loop3A_403 = arith.addi %parallel_loop3A_141, %parallel_loop3A_328 : vector<16xi32>
        tpu.vector_store_idx %arg8[%parallel_loop3A_403], %parallel_loop3A_330 : memref<32768xf32, #tpu.memory_space<vmem>>[vector<16xi32>], vector<16xf32>,
        %parallel_loop3A_404 = arith.constant 30 : i32
        %parallel_loop3A_405 = vector.broadcast %parallel_loop3A_404 : i32 to vector<16xi32>
        %parallel_loop3A_406 = arith.addi %iota3A, %parallel_loop3A_405 : vector<16xi32>
        %parallel_loop3A_407 = arith.constant 31 : i32
        %parallel_loop3A_408 = vector.broadcast %parallel_loop3A_407 : i32 to vector<16xi32>
        %parallel_loop3A_409 = arith.andi %parallel_loop3A_406, %parallel_loop3A_408 : vector<16xi32>
        %parallel_loop3A_410 = arith.addi %parallel_loop3A_137, %parallel_loop3A_409 : vector<16xi32>
        %parallel_loop3A_411 = tpu.vector_load_idx %arg5[%parallel_loop3A_410] : memref<32000xf32, #tpu.memory_space<vmem>>[vector<16xi32>], vector<16xf32>,
        %parallel_loop3A_412 = arith.addi %parallel_loop3A_141, %parallel_loop3A_337 : vector<16xi32>
        tpu.vector_store_idx %arg8[%parallel_loop3A_412], %parallel_loop3A_339 : memref<32768xf32, #tpu.memory_space<vmem>>[vector<16xi32>], vector<16xf32>,
        %parallel_loop3A_413 = arith.constant 31 : i32
        %parallel_loop3A_414 = vector.broadcast %parallel_loop3A_413 : i32 to vector<16xi32>
        %parallel_loop3A_415 = arith.addi %iota3A, %parallel_loop3A_414 : vector<16xi32>
        %parallel_loop3A_416 = arith.constant 31 : i32
        %parallel_loop3A_417 = vector.broadcast %parallel_loop3A_416 : i32 to vector<16xi32>
        %parallel_loop3A_418 = arith.andi %parallel_loop3A_415, %parallel_loop3A_417 : vector<16xi32>
        %parallel_loop3A_419 = arith.addi %parallel_loop3A_137, %parallel_loop3A_418 : vector<16xi32>
        %parallel_loop3A_420 = tpu.vector_load_idx %arg5[%parallel_loop3A_419] : memref<32000xf32, #tpu.memory_space<vmem>>[vector<16xi32>], vector<16xf32>,
        %parallel_loop3A_421 = arith.addi %parallel_loop3A_141, %parallel_loop3A_346 : vector<16xi32>
        tpu.vector_store_idx %arg8[%parallel_loop3A_421], %parallel_loop3A_348 : memref<32768xf32, #tpu.memory_space<vmem>>[vector<16xi32>], vector<16xf32>,
        %parallel_loop3A_422 = arith.addi %parallel_loop3A_141, %parallel_loop3A_355 : vector<16xi32>
        tpu.vector_store_idx %arg8[%parallel_loop3A_422], %parallel_loop3A_357 : memref<32768xf32, #tpu.memory_space<vmem>>[vector<16xi32>], vector<16xf32>,
        %parallel_loop3A_423 = arith.addi %parallel_loop3A_141, %parallel_loop3A_364 : vector<16xi32>
        tpu.vector_store_idx %arg8[%parallel_loop3A_423], %parallel_loop3A_366 : memref<32768xf32, #tpu.memory_space<vmem>>[vector<16xi32>], vector<16xf32>,
        %parallel_loop3A_424 = arith.addi %parallel_loop3A_141, %parallel_loop3A_373 : vector<16xi32>
        tpu.vector_store_idx %arg8[%parallel_loop3A_424], %parallel_loop3A_375 : memref<32768xf32, #tpu.memory_space<vmem>>[vector<16xi32>], vector<16xf32>,
        %parallel_loop3A_425 = arith.addi %parallel_loop3A_141, %parallel_loop3A_382 : vector<16xi32>
        tpu.vector_store_idx %arg8[%parallel_loop3A_425], %parallel_loop3A_384 : memref<32768xf32, #tpu.memory_space<vmem>>[vector<16xi32>], vector<16xf32>,
        %parallel_loop3A_426 = arith.addi %parallel_loop3A_141, %parallel_loop3A_391 : vector<16xi32>
        tpu.vector_store_idx %arg8[%parallel_loop3A_426], %parallel_loop3A_393 : memref<32768xf32, #tpu.memory_space<vmem>>[vector<16xi32>], vector<16xf32>,
        %parallel_loop3A_427 = arith.addi %parallel_loop3A_141, %parallel_loop3A_400 : vector<16xi32>
        tpu.vector_store_idx %arg8[%parallel_loop3A_427], %parallel_loop3A_402 : memref<32768xf32, #tpu.memory_space<vmem>>[vector<16xi32>], vector<16xf32>,
        %parallel_loop3A_428 = arith.addi %parallel_loop3A_141, %parallel_loop3A_409 : vector<16xi32>
        tpu.vector_store_idx %arg8[%parallel_loop3A_428], %parallel_loop3A_411 : memref<32768xf32, #tpu.memory_space<vmem>>[vector<16xi32>], vector<16xf32>,
        %parallel_loop3A_429 = arith.addi %parallel_loop3A_141, %parallel_loop3A_418 : vector<16xi32>
        tpu.vector_store_idx %arg8[%parallel_loop3A_429], %parallel_loop3A_420 : memref<32768xf32, #tpu.memory_space<vmem>>[vector<16xi32>], vector<16xf32>,
      } {sc.loop_unroll_factor = 1 : i64, sc.parallel_access}
      %mul3A_80 = arith.constant 1024 : i32
      %mul3A_81 = arith.muli %add3A_68, %mul3A_80 : i32
      %add3A_82 = arith.addi %mul3A_2, %mul3A_81 : i32
      %mul3A_83 = arith.constant 32 : i32
      %mul3A_84 = arith.muli %add3A_82, %mul3A_83 : i32
      %dma_start3A_85 = tpu.memref_slice %arg4[%mul3A_84] : memref<131072000xf32, #tpu.memory_space<hbm>> -> memref<32768xf32, #tpu.memory_space<hbm>>
      %dma_start3A_86 = tpu.memref_slice %arg4[%mul3A_84] : memref<131072000xf32, #tpu.memory_space<hbm>> -> memref<32768xf32, #tpu.memory_space<hbm>>
      tpu.enqueue_dma source(%arg8 : memref<32768xf32, #tpu.memory_space<vmem>>) target(%dma_start3A_86 : memref<32768xf32, #tpu.memory_space<hbm>>) target_semaphore(%arg13 : memref<!tpu.dma_semaphore, #tpu.memory_space<semaphore_mem>>)
      %add3A_87 = arith.constant 2 : i32
      %add3A_88 = arith.addi %add3A_68, %add3A_87 : i32
      %lt3A = arith.constant 125 : i32
      %lt3A_89 = arith.cmpi slt, %add3A_88, %lt3A : i32
      %convert_element_type3A_90 = arith.extui %lt3A_89 : i1 to i32
      %cond3A_91 = arith.constant 0 : i32
      %cond3A_92 = arith.cmpi ne, %convert_element_type3A_90, %cond3A_91 : i32
      scf.if %cond3A_92 {
        %add3A_125 = arith.constant 2 : i32
        %add3A_126 = arith.addi %add3A_68, %add3A_125 : i32
        %mul3A_127 = arith.constant 8 : i32
        %mul3A_128 = arith.muli %add3A_126, %mul3A_127 : i32
        %add3A_129 = arith.addi %select_n3A, %mul3A_128 : i32
        %multiple_of3A_130 = tpu.assume_multiple %add3A_129, 8 : i32
        %dma_start3A_131 = arith.constant 0 : i32
        %dma_start3A_132 = tpu.memref_slice %arg2[%multiple_of3A_130, %dma_start3A_131] : memref<32000x128xi32, #tpu.memory_space<hbm>> -> memref<8x128xi32, #tpu.memory_space<hbm>>
        %dma_start3A_133 = arith.constant 0 : i32
        %dma_start3A_134 = tpu.memref_slice %arg2[%multiple_of3A_130, %dma_start3A_133] : memref<32000x128xi32, #tpu.memory_space<hbm>> -> memref<8x128xi32, #tpu.memory_space<hbm>>
        tpu.enqueue_dma source(%dma_start3A_134 : memref<8x128xi32, #tpu.memory_space<hbm>>) target(%arg6 : memref<8x128xi32, #tpu.memory_space<vmem>>) target_semaphore(%arg11 : memref<!tpu.dma_semaphore, #tpu.memory_space<semaphore_mem>>)
      } else {
      }
      %mul3A_93 = arith.constant 2 : i32
      %mul3A_94 = arith.muli %mul3A_93, %scan3A_64 : i32
      %add3A_95 = arith.constant 1 : i32
      %add3A_96 = arith.addi %mul3A_94, %add3A_95 : i32
      %dma_wait3A_97 = arith.constant 0 : i32
      %dma_wait3A_98 = arith.constant 0 : i32
      %dma_wait3A_99 = tpu.memref_slice %arg2[%dma_wait3A_97, %dma_wait3A_98] : memref<32000x128xi32, #tpu.memory_space<hbm>> -> memref<8x128xi32, #tpu.memory_space<hbm>>
      %dma_wait3A_100 = arith.constant 0 : i32
      %dma_wait3A_101 = arith.constant 0 : i32
      %dma_wait3A_102 = tpu.memref_slice %arg2[%dma_wait3A_100, %dma_wait3A_101] : memref<32000x128xi32, #tpu.memory_space<hbm>> -> memref<8x128xi32, #tpu.memory_space<hbm>>
      tpu.wait_dma2 semaphore(%arg12 : memref<!tpu.dma_semaphore, #tpu.memory_space<semaphore_mem>>) src(%dma_wait3A_102 : memref<8x128xi32, #tpu.memory_space<hbm>>) dst(%arg7 : memref<8x128xi32, #tpu.memory_space<vmem>>)
      %gt3A_103 = arith.constant 0 : i32
      %gt3A_104 = arith.cmpi sgt, %scan3A_64, %gt3A_103 : i32
      %convert_element_type3A_105 = arith.extui %gt3A_104 : i1 to i32
      %cond3A_106 = arith.constant 0 : i32
      %cond3A_107 = arith.cmpi ne, %convert_element_type3A_105, %cond3A_106 : i32
      scf.if %cond3A_107 {
        %dma_wait3A_125 = arith.constant 0 : i32
        %dma_wait3A_126 = tpu.memref_slice %arg4[%dma_wait3A_125] : memref<131072000xf32, #tpu.memory_space<hbm>> -> memref<32768xf32, #tpu.memory_space<hbm>>
        %dma_wait3A_127 = arith.constant 0 : i32
        %dma_wait3A_128 = tpu.memref_slice %arg4[%dma_wait3A_127] : memref<131072000xf32, #tpu.memory_space<hbm>> -> memref<32768xf32, #tpu.memory_space<hbm>>
        tpu.wait_dma2 semaphore(%arg14 : memref<!tpu.dma_semaphore, #tpu.memory_space<semaphore_mem>>) src(%arg9 : memref<32768xf32, #tpu.memory_space<vmem>>) dst(%dma_wait3A_128 : memref<32768xf32, #tpu.memory_space<hbm>>)
      } else {
      }
      %parallel_loop3A_108 = arith.constant 0 : i32
      %parallel_loop3A_109 = arith.constant 64 : i32
      %parallel_loop3A_110 = arith.constant 1 : i32
      scf.for %parallel_loop3A_125 = %parallel_loop3A_108 to %parallel_loop3A_109 step %parallel_loop3A_110  : i32 {
        %parallel_loop3A_126 = arith.constant 3 : i32
        %parallel_loop3A_127 = arith.shrsi %parallel_loop3A_125, %parallel_loop3A_126 : i32
        %parallel_loop3A_128 = arith.constant 7 : i32
        %parallel_loop3A_129 = arith.andi %parallel_loop3A_125, %parallel_loop3A_128 : i32
        %parallel_loop3A_130 = arith.constant 16 : i32
        %parallel_loop3A_131 = arith.muli %parallel_loop3A_129, %parallel_loop3A_130 : i32
        %parallel_loop3A_132 = arith.index_cast %parallel_loop3A_127 : i32 to index
        %parallel_loop3A_133 = arith.index_cast %parallel_loop3A_131 : i32 to index
        %parallel_loop3A_134 = tpu.vector_load %arg7[%parallel_loop3A_132, %parallel_loop3A_133] {strides = array<i32>} : memref<8x128xi32, #tpu.memory_space<vmem>>, vector<16xi32>,
        %parallel_loop3A_135 = arith.constant 32 : i32
        %parallel_loop3A_136 = vector.broadcast %parallel_loop3A_135 : i32 to vector<16xi32>
        %parallel_loop3A_137 = arith.muli %parallel_loop3A_134, %parallel_loop3A_136 : vector<16xi32>
        %parallel_loop3A_138 = arith.constant 512 : i32
        %parallel_loop3A_139 = arith.muli %parallel_loop3A_125, %parallel_loop3A_138 : i32
        %parallel_loop3A_140 = vector.broadcast %parallel_loop3A_139 : i32 to vector<16xi32>
        %parallel_loop3A_141 = arith.addi %mul3A_21, %parallel_loop3A_140 : vector<16xi32>
        %parallel_loop3A_142 = arith.constant 0 : i32
        %parallel_loop3A_143 = vector.broadcast %parallel_loop3A_142 : i32 to vector<16xi32>
        %parallel_loop3A_144 = arith.addi %iota3A, %parallel_loop3A_143 : vector<16xi32>
        %parallel_loop3A_145 = arith.constant 31 : i32
        %parallel_loop3A_146 = vector.broadcast %parallel_loop3A_145 : i32 to vector<16xi32>
        %parallel_loop3A_147 = arith.andi %parallel_loop3A_144, %parallel_loop3A_146 : vector<16xi32>
        %parallel_loop3A_148 = arith.addi %parallel_loop3A_137, %parallel_loop3A_147 : vector<16xi32>
        %parallel_loop3A_149 = tpu.vector_load_idx %arg5[%parallel_loop3A_148] : memref<32000xf32, #tpu.memory_space<vmem>>[vector<16xi32>], vector<16xf32>,
        %parallel_loop3A_150 = arith.constant 1 : i32
        %parallel_loop3A_151 = vector.broadcast %parallel_loop3A_150 : i32 to vector<16xi32>
        %parallel_loop3A_152 = arith.addi %iota3A, %parallel_loop3A_151 : vector<16xi32>
        %parallel_loop3A_153 = arith.constant 31 : i32
        %parallel_loop3A_154 = vector.broadcast %parallel_loop3A_153 : i32 to vector<16xi32>
        %parallel_loop3A_155 = arith.andi %parallel_loop3A_152, %parallel_loop3A_154 : vector<16xi32>
        %parallel_loop3A_156 = arith.addi %parallel_loop3A_137, %parallel_loop3A_155 : vector<16xi32>
        %parallel_loop3A_157 = tpu.vector_load_idx %arg5[%parallel_loop3A_156] : memref<32000xf32, #tpu.memory_space<vmem>>[vector<16xi32>], vector<16xf32>,
        %parallel_loop3A_158 = arith.constant 2 : i32
        %parallel_loop3A_159 = vector.broadcast %parallel_loop3A_158 : i32 to vector<16xi32>
        %parallel_loop3A_160 = arith.addi %iota3A, %parallel_loop3A_159 : vector<16xi32>
        %parallel_loop3A_161 = arith.constant 31 : i32
        %parallel_loop3A_162 = vector.broadcast %parallel_loop3A_161 : i32 to vector<16xi32>
        %parallel_loop3A_163 = arith.andi %parallel_loop3A_160, %parallel_loop3A_162 : vector<16xi32>
        %parallel_loop3A_164 = arith.addi %parallel_loop3A_137, %parallel_loop3A_163 : vector<16xi32>
        %parallel_loop3A_165 = tpu.vector_load_idx %arg5[%parallel_loop3A_164] : memref<32000xf32, #tpu.memory_space<vmem>>[vector<16xi32>], vector<16xf32>,
        %parallel_loop3A_166 = arith.constant 3 : i32
        %parallel_loop3A_167 = vector.broadcast %parallel_loop3A_166 : i32 to vector<16xi32>
        %parallel_loop3A_168 = arith.addi %iota3A, %parallel_loop3A_167 : vector<16xi32>
        %parallel_loop3A_169 = arith.constant 31 : i32
        %parallel_loop3A_170 = vector.broadcast %parallel_loop3A_169 : i32 to vector<16xi32>
        %parallel_loop3A_171 = arith.andi %parallel_loop3A_168, %parallel_loop3A_170 : vector<16xi32>
        %parallel_loop3A_172 = arith.addi %parallel_loop3A_137, %parallel_loop3A_171 : vector<16xi32>
        %parallel_loop3A_173 = tpu.vector_load_idx %arg5[%parallel_loop3A_172] : memref<32000xf32, #tpu.memory_space<vmem>>[vector<16xi32>], vector<16xf32>,
        %parallel_loop3A_174 = arith.constant 4 : i32
        %parallel_loop3A_175 = vector.broadcast %parallel_loop3A_174 : i32 to vector<16xi32>
        %parallel_loop3A_176 = arith.addi %iota3A, %parallel_loop3A_175 : vector<16xi32>
        %parallel_loop3A_177 = arith.constant 31 : i32
        %parallel_loop3A_178 = vector.broadcast %parallel_loop3A_177 : i32 to vector<16xi32>
        %parallel_loop3A_179 = arith.andi %parallel_loop3A_176, %parallel_loop3A_178 : vector<16xi32>
        %parallel_loop3A_180 = arith.addi %parallel_loop3A_137, %parallel_loop3A_179 : vector<16xi32>
        %parallel_loop3A_181 = tpu.vector_load_idx %arg5[%parallel_loop3A_180] : memref<32000xf32, #tpu.memory_space<vmem>>[vector<16xi32>], vector<16xf32>,
        %parallel_loop3A_182 = arith.constant 5 : i32
        %parallel_loop3A_183 = vector.broadcast %parallel_loop3A_182 : i32 to vector<16xi32>
        %parallel_loop3A_184 = arith.addi %iota3A, %parallel_loop3A_183 : vector<16xi32>
        %parallel_loop3A_185 = arith.constant 31 : i32
        %parallel_loop3A_186 = vector.broadcast %parallel_loop3A_185 : i32 to vector<16xi32>
        %parallel_loop3A_187 = arith.andi %parallel_loop3A_184, %parallel_loop3A_186 : vector<16xi32>
        %parallel_loop3A_188 = arith.addi %parallel_loop3A_137, %parallel_loop3A_187 : vector<16xi32>
        %parallel_loop3A_189 = tpu.vector_load_idx %arg5[%parallel_loop3A_188] : memref<32000xf32, #tpu.memory_space<vmem>>[vector<16xi32>], vector<16xf32>,
        %parallel_loop3A_190 = arith.constant 6 : i32
        %parallel_loop3A_191 = vector.broadcast %parallel_loop3A_190 : i32 to vector<16xi32>
        %parallel_loop3A_192 = arith.addi %iota3A, %parallel_loop3A_191 : vector<16xi32>
        %parallel_loop3A_193 = arith.constant 31 : i32
        %parallel_loop3A_194 = vector.broadcast %parallel_loop3A_193 : i32 to vector<16xi32>
        %parallel_loop3A_195 = arith.andi %parallel_loop3A_192, %parallel_loop3A_194 : vector<16xi32>
        %parallel_loop3A_196 = arith.addi %parallel_loop3A_137, %parallel_loop3A_195 : vector<16xi32>
        %parallel_loop3A_197 = tpu.vector_load_idx %arg5[%parallel_loop3A_196] : memref<32000xf32, #tpu.memory_space<vmem>>[vector<16xi32>], vector<16xf32>,
        %parallel_loop3A_198 = arith.constant 7 : i32
        %parallel_loop3A_199 = vector.broadcast %parallel_loop3A_198 : i32 to vector<16xi32>
        %parallel_loop3A_200 = arith.addi %iota3A, %parallel_loop3A_199 : vector<16xi32>
        %parallel_loop3A_201 = arith.constant 31 : i32
        %parallel_loop3A_202 = vector.broadcast %parallel_loop3A_201 : i32 to vector<16xi32>
        %parallel_loop3A_203 = arith.andi %parallel_loop3A_200, %parallel_loop3A_202 : vector<16xi32>
        %parallel_loop3A_204 = arith.addi %parallel_loop3A_137, %parallel_loop3A_203 : vector<16xi32>
        %parallel_loop3A_205 = tpu.vector_load_idx %arg5[%parallel_loop3A_204] : memref<32000xf32, #tpu.memory_space<vmem>>[vector<16xi32>], vector<16xf32>,
        %parallel_loop3A_206 = arith.constant 8 : i32
        %parallel_loop3A_207 = vector.broadcast %parallel_loop3A_206 : i32 to vector<16xi32>
        %parallel_loop3A_208 = arith.addi %iota3A, %parallel_loop3A_207 : vector<16xi32>
        %parallel_loop3A_209 = arith.constant 31 : i32
        %parallel_loop3A_210 = vector.broadcast %parallel_loop3A_209 : i32 to vector<16xi32>
        %parallel_loop3A_211 = arith.andi %parallel_loop3A_208, %parallel_loop3A_210 : vector<16xi32>
        %parallel_loop3A_212 = arith.addi %parallel_loop3A_137, %parallel_loop3A_211 : vector<16xi32>
        %parallel_loop3A_213 = tpu.vector_load_idx %arg5[%parallel_loop3A_212] : memref<32000xf32, #tpu.memory_space<vmem>>[vector<16xi32>], vector<16xf32>,
        %parallel_loop3A_214 = arith.addi %parallel_loop3A_141, %parallel_loop3A_147 : vector<16xi32>
        tpu.vector_store_idx %arg9[%parallel_loop3A_214], %parallel_loop3A_149 : memref<32768xf32, #tpu.memory_space<vmem>>[vector<16xi32>], vector<16xf32>,
        %parallel_loop3A_215 = arith.constant 9 : i32
        %parallel_loop3A_216 = vector.broadcast %parallel_loop3A_215 : i32 to vector<16xi32>
        %parallel_loop3A_217 = arith.addi %iota3A, %parallel_loop3A_216 : vector<16xi32>
        %parallel_loop3A_218 = arith.constant 31 : i32
        %parallel_loop3A_219 = vector.broadcast %parallel_loop3A_218 : i32 to vector<16xi32>
        %parallel_loop3A_220 = arith.andi %parallel_loop3A_217, %parallel_loop3A_219 : vector<16xi32>
        %parallel_loop3A_221 = arith.addi %parallel_loop3A_137, %parallel_loop3A_220 : vector<16xi32>
        %parallel_loop3A_222 = tpu.vector_load_idx %arg5[%parallel_loop3A_221] : memref<32000xf32, #tpu.memory_space<vmem>>[vector<16xi32>], vector<16xf32>,
        %parallel_loop3A_223 = arith.addi %parallel_loop3A_141, %parallel_loop3A_155 : vector<16xi32>
        tpu.vector_store_idx %arg9[%parallel_loop3A_223], %parallel_loop3A_157 : memref<32768xf32, #tpu.memory_space<vmem>>[vector<16xi32>], vector<16xf32>,
        %parallel_loop3A_224 = arith.constant 10 : i32
        %parallel_loop3A_225 = vector.broadcast %parallel_loop3A_224 : i32 to vector<16xi32>
        %parallel_loop3A_226 = arith.addi %iota3A, %parallel_loop3A_225 : vector<16xi32>
        %parallel_loop3A_227 = arith.constant 31 : i32
        %parallel_loop3A_228 = vector.broadcast %parallel_loop3A_227 : i32 to vector<16xi32>
        %parallel_loop3A_229 = arith.andi %parallel_loop3A_226, %parallel_loop3A_228 : vector<16xi32>
        %parallel_loop3A_230 = arith.addi %parallel_loop3A_137, %parallel_loop3A_229 : vector<16xi32>
        %parallel_loop3A_231 = tpu.vector_load_idx %arg5[%parallel_loop3A_230] : memref<32000xf32, #tpu.memory_space<vmem>>[vector<16xi32>], vector<16xf32>,
        %parallel_loop3A_232 = arith.addi %parallel_loop3A_141, %parallel_loop3A_163 : vector<16xi32>
        tpu.vector_store_idx %arg9[%parallel_loop3A_232], %parallel_loop3A_165 : memref<32768xf32, #tpu.memory_space<vmem>>[vector<16xi32>], vector<16xf32>,
        %parallel_loop3A_233 = arith.constant 11 : i32
        %parallel_loop3A_234 = vector.broadcast %parallel_loop3A_233 : i32 to vector<16xi32>
        %parallel_loop3A_235 = arith.addi %iota3A, %parallel_loop3A_234 : vector<16xi32>
        %parallel_loop3A_236 = arith.constant 31 : i32
        %parallel_loop3A_237 = vector.broadcast %parallel_loop3A_236 : i32 to vector<16xi32>
        %parallel_loop3A_238 = arith.andi %parallel_loop3A_235, %parallel_loop3A_237 : vector<16xi32>
        %parallel_loop3A_239 = arith.addi %parallel_loop3A_137, %parallel_loop3A_238 : vector<16xi32>
        %parallel_loop3A_240 = tpu.vector_load_idx %arg5[%parallel_loop3A_239] : memref<32000xf32, #tpu.memory_space<vmem>>[vector<16xi32>], vector<16xf32>,
        %parallel_loop3A_241 = arith.addi %parallel_loop3A_141, %parallel_loop3A_171 : vector<16xi32>
        tpu.vector_store_idx %arg9[%parallel_loop3A_241], %parallel_loop3A_173 : memref<32768xf32, #tpu.memory_space<vmem>>[vector<16xi32>], vector<16xf32>,
        %parallel_loop3A_242 = arith.constant 12 : i32
        %parallel_loop3A_243 = vector.broadcast %parallel_loop3A_242 : i32 to vector<16xi32>
        %parallel_loop3A_244 = arith.addi %iota3A, %parallel_loop3A_243 : vector<16xi32>
        %parallel_loop3A_245 = arith.constant 31 : i32
        %parallel_loop3A_246 = vector.broadcast %parallel_loop3A_245 : i32 to vector<16xi32>
        %parallel_loop3A_247 = arith.andi %parallel_loop3A_244, %parallel_loop3A_246 : vector<16xi32>
        %parallel_loop3A_248 = arith.addi %parallel_loop3A_137, %parallel_loop3A_247 : vector<16xi32>
        %parallel_loop3A_249 = tpu.vector_load_idx %arg5[%parallel_loop3A_248] : memref<32000xf32, #tpu.memory_space<vmem>>[vector<16xi32>], vector<16xf32>,
        %parallel_loop3A_250 = arith.addi %parallel_loop3A_141, %parallel_loop3A_179 : vector<16xi32>
        tpu.vector_store_idx %arg9[%parallel_loop3A_250], %parallel_loop3A_181 : memref<32768xf32, #tpu.memory_space<vmem>>[vector<16xi32>], vector<16xf32>,
        %parallel_loop3A_251 = arith.constant 13 : i32
        %parallel_loop3A_252 = vector.broadcast %parallel_loop3A_251 : i32 to vector<16xi32>
        %parallel_loop3A_253 = arith.addi %iota3A, %parallel_loop3A_252 : vector<16xi32>
        %parallel_loop3A_254 = arith.constant 31 : i32
        %parallel_loop3A_255 = vector.broadcast %parallel_loop3A_254 : i32 to vector<16xi32>
        %parallel_loop3A_256 = arith.andi %parallel_loop3A_253, %parallel_loop3A_255 : vector<16xi32>
        %parallel_loop3A_257 = arith.addi %parallel_loop3A_137, %parallel_loop3A_256 : vector<16xi32>
        %parallel_loop3A_258 = tpu.vector_load_idx %arg5[%parallel_loop3A_257] : memref<32000xf32, #tpu.memory_space<vmem>>[vector<16xi32>], vector<16xf32>,
        %parallel_loop3A_259 = arith.addi %parallel_loop3A_141, %parallel_loop3A_187 : vector<16xi32>
        tpu.vector_store_idx %arg9[%parallel_loop3A_259], %parallel_loop3A_189 : memref<32768xf32, #tpu.memory_space<vmem>>[vector<16xi32>], vector<16xf32>,
        %parallel_loop3A_260 = arith.constant 14 : i32
        %parallel_loop3A_261 = vector.broadcast %parallel_loop3A_260 : i32 to vector<16xi32>
        %parallel_loop3A_262 = arith.addi %iota3A, %parallel_loop3A_261 : vector<16xi32>
        %parallel_loop3A_263 = arith.constant 31 : i32
        %parallel_loop3A_264 = vector.broadcast %parallel_loop3A_263 : i32 to vector<16xi32>
        %parallel_loop3A_265 = arith.andi %parallel_loop3A_262, %parallel_loop3A_264 : vector<16xi32>
        %parallel_loop3A_266 = arith.addi %parallel_loop3A_137, %parallel_loop3A_265 : vector<16xi32>
        %parallel_loop3A_267 = tpu.vector_load_idx %arg5[%parallel_loop3A_266] : memref<32000xf32, #tpu.memory_space<vmem>>[vector<16xi32>], vector<16xf32>,
        %parallel_loop3A_268 = arith.addi %parallel_loop3A_141, %parallel_loop3A_195 : vector<16xi32>
        tpu.vector_store_idx %arg9[%parallel_loop3A_268], %parallel_loop3A_197 : memref<32768xf32, #tpu.memory_space<vmem>>[vector<16xi32>], vector<16xf32>,
        %parallel_loop3A_269 = arith.constant 15 : i32
        %parallel_loop3A_270 = vector.broadcast %parallel_loop3A_269 : i32 to vector<16xi32>
        %parallel_loop3A_271 = arith.addi %iota3A, %parallel_loop3A_270 : vector<16xi32>
        %parallel_loop3A_272 = arith.constant 31 : i32
        %parallel_loop3A_273 = vector.broadcast %parallel_loop3A_272 : i32 to vector<16xi32>
        %parallel_loop3A_274 = arith.andi %parallel_loop3A_271, %parallel_loop3A_273 : vector<16xi32>
        %parallel_loop3A_275 = arith.addi %parallel_loop3A_137, %parallel_loop3A_274 : vector<16xi32>
        %parallel_loop3A_276 = tpu.vector_load_idx %arg5[%parallel_loop3A_275] : memref<32000xf32, #tpu.memory_space<vmem>>[vector<16xi32>], vector<16xf32>,
        %parallel_loop3A_277 = arith.addi %parallel_loop3A_141, %parallel_loop3A_203 : vector<16xi32>
        tpu.vector_store_idx %arg9[%parallel_loop3A_277], %parallel_loop3A_205 : memref<32768xf32, #tpu.memory_space<vmem>>[vector<16xi32>], vector<16xf32>,
        %parallel_loop3A_278 = arith.constant 16 : i32
        %parallel_loop3A_279 = vector.broadcast %parallel_loop3A_278 : i32 to vector<16xi32>
        %parallel_loop3A_280 = arith.addi %iota3A, %parallel_loop3A_279 : vector<16xi32>
        %parallel_loop3A_281 = arith.constant 31 : i32
        %parallel_loop3A_282 = vector.broadcast %parallel_loop3A_281 : i32 to vector<16xi32>
        %parallel_loop3A_283 = arith.andi %parallel_loop3A_280, %parallel_loop3A_282 : vector<16xi32>
        %parallel_loop3A_284 = arith.addi %parallel_loop3A_137, %parallel_loop3A_283 : vector<16xi32>
        %parallel_loop3A_285 = tpu.vector_load_idx %arg5[%parallel_loop3A_284] : memref<32000xf32, #tpu.memory_space<vmem>>[vector<16xi32>], vector<16xf32>,
        %parallel_loop3A_286 = arith.addi %parallel_loop3A_141, %parallel_loop3A_211 : vector<16xi32>
        tpu.vector_store_idx %arg9[%parallel_loop3A_286], %parallel_loop3A_213 : memref<32768xf32, #tpu.memory_space<vmem>>[vector<16xi32>], vector<16xf32>,
        %parallel_loop3A_287 = arith.constant 17 : i32
        %parallel_loop3A_288 = vector.broadcast %parallel_loop3A_287 : i32 to vector<16xi32>
        %parallel_loop3A_289 = arith.addi %iota3A, %parallel_loop3A_288 : vector<16xi32>
        %parallel_loop3A_290 = arith.constant 31 : i32
        %parallel_loop3A_291 = vector.broadcast %parallel_loop3A_290 : i32 to vector<16xi32>
        %parallel_loop3A_292 = arith.andi %parallel_loop3A_289, %parallel_loop3A_291 : vector<16xi32>
        %parallel_loop3A_293 = arith.addi %parallel_loop3A_137, %parallel_loop3A_292 : vector<16xi32>
        %parallel_loop3A_294 = tpu.vector_load_idx %arg5[%parallel_loop3A_293] : memref<32000xf32, #tpu.memory_space<vmem>>[vector<16xi32>], vector<16xf32>,
        %parallel_loop3A_295 = arith.addi %parallel_loop3A_141, %parallel_loop3A_220 : vector<16xi32>
        tpu.vector_store_idx %arg9[%parallel_loop3A_295], %parallel_loop3A_222 : memref<32768xf32, #tpu.memory_space<vmem>>[vector<16xi32>], vector<16xf32>,
        %parallel_loop3A_296 = arith.constant 18 : i32
        %parallel_loop3A_297 = vector.broadcast %parallel_loop3A_296 : i32 to vector<16xi32>
        %parallel_loop3A_298 = arith.addi %iota3A, %parallel_loop3A_297 : vector<16xi32>
        %parallel_loop3A_299 = arith.constant 31 : i32
        %parallel_loop3A_300 = vector.broadcast %parallel_loop3A_299 : i32 to vector<16xi32>
        %parallel_loop3A_301 = arith.andi %parallel_loop3A_298, %parallel_loop3A_300 : vector<16xi32>
        %parallel_loop3A_302 = arith.addi %parallel_loop3A_137, %parallel_loop3A_301 : vector<16xi32>
        %parallel_loop3A_303 = tpu.vector_load_idx %arg5[%parallel_loop3A_302] : memref<32000xf32, #tpu.memory_space<vmem>>[vector<16xi32>], vector<16xf32>,
        %parallel_loop3A_304 = arith.addi %parallel_loop3A_141, %parallel_loop3A_229 : vector<16xi32>
        tpu.vector_store_idx %arg9[%parallel_loop3A_304], %parallel_loop3A_231 : memref<32768xf32, #tpu.memory_space<vmem>>[vector<16xi32>], vector<16xf32>,
        %parallel_loop3A_305 = arith.constant 19 : i32
        %parallel_loop3A_306 = vector.broadcast %parallel_loop3A_305 : i32 to vector<16xi32>
        %parallel_loop3A_307 = arith.addi %iota3A, %parallel_loop3A_306 : vector<16xi32>
        %parallel_loop3A_308 = arith.constant 31 : i32
        %parallel_loop3A_309 = vector.broadcast %parallel_loop3A_308 : i32 to vector<16xi32>
        %parallel_loop3A_310 = arith.andi %parallel_loop3A_307, %parallel_loop3A_309 : vector<16xi32>
        %parallel_loop3A_311 = arith.addi %parallel_loop3A_137, %parallel_loop3A_310 : vector<16xi32>
        %parallel_loop3A_312 = tpu.vector_load_idx %arg5[%parallel_loop3A_311] : memref<32000xf32, #tpu.memory_space<vmem>>[vector<16xi32>], vector<16xf32>,
        %parallel_loop3A_313 = arith.addi %parallel_loop3A_141, %parallel_loop3A_238 : vector<16xi32>
        tpu.vector_store_idx %arg9[%parallel_loop3A_313], %parallel_loop3A_240 : memref<32768xf32, #tpu.memory_space<vmem>>[vector<16xi32>], vector<16xf32>,
        %parallel_loop3A_314 = arith.constant 20 : i32
        %parallel_loop3A_315 = vector.broadcast %parallel_loop3A_314 : i32 to vector<16xi32>
        %parallel_loop3A_316 = arith.addi %iota3A, %parallel_loop3A_315 : vector<16xi32>
        %parallel_loop3A_317 = arith.constant 31 : i32
        %parallel_loop3A_318 = vector.broadcast %parallel_loop3A_317 : i32 to vector<16xi32>
        %parallel_loop3A_319 = arith.andi %parallel_loop3A_316, %parallel_loop3A_318 : vector<16xi32>
        %parallel_loop3A_320 = arith.addi %parallel_loop3A_137, %parallel_loop3A_319 : vector<16xi32>
        %parallel_loop3A_321 = tpu.vector_load_idx %arg5[%parallel_loop3A_320] : memref<32000xf32, #tpu.memory_space<vmem>>[vector<16xi32>], vector<16xf32>,
        %parallel_loop3A_322 = arith.addi %parallel_loop3A_141, %parallel_loop3A_247 : vector<16xi32>
        tpu.vector_store_idx %arg9[%parallel_loop3A_322], %parallel_loop3A_249 : memref<32768xf32, #tpu.memory_space<vmem>>[vector<16xi32>], vector<16xf32>,
        %parallel_loop3A_323 = arith.constant 21 : i32
        %parallel_loop3A_324 = vector.broadcast %parallel_loop3A_323 : i32 to vector<16xi32>
        %parallel_loop3A_325 = arith.addi %iota3A, %parallel_loop3A_324 : vector<16xi32>
        %parallel_loop3A_326 = arith.constant 31 : i32
        %parallel_loop3A_327 = vector.broadcast %parallel_loop3A_326 : i32 to vector<16xi32>
        %parallel_loop3A_328 = arith.andi %parallel_loop3A_325, %parallel_loop3A_327 : vector<16xi32>
        %parallel_loop3A_329 = arith.addi %parallel_loop3A_137, %parallel_loop3A_328 : vector<16xi32>
        %parallel_loop3A_330 = tpu.vector_load_idx %arg5[%parallel_loop3A_329] : memref<32000xf32, #tpu.memory_space<vmem>>[vector<16xi32>], vector<16xf32>,
        %parallel_loop3A_331 = arith.addi %parallel_loop3A_141, %parallel_loop3A_256 : vector<16xi32>
        tpu.vector_store_idx %arg9[%parallel_loop3A_331], %parallel_loop3A_258 : memref<32768xf32, #tpu.memory_space<vmem>>[vector<16xi32>], vector<16xf32>,
        %parallel_loop3A_332 = arith.constant 22 : i32
        %parallel_loop3A_333 = vector.broadcast %parallel_loop3A_332 : i32 to vector<16xi32>
        %parallel_loop3A_334 = arith.addi %iota3A, %parallel_loop3A_333 : vector<16xi32>
        %parallel_loop3A_335 = arith.constant 31 : i32
        %parallel_loop3A_336 = vector.broadcast %parallel_loop3A_335 : i32 to vector<16xi32>
        %parallel_loop3A_337 = arith.andi %parallel_loop3A_334, %parallel_loop3A_336 : vector<16xi32>
        %parallel_loop3A_338 = arith.addi %parallel_loop3A_137, %parallel_loop3A_337 : vector<16xi32>
        %parallel_loop3A_339 = tpu.vector_load_idx %arg5[%parallel_loop3A_338] : memref<32000xf32, #tpu.memory_space<vmem>>[vector<16xi32>], vector<16xf32>,
        %parallel_loop3A_340 = arith.addi %parallel_loop3A_141, %parallel_loop3A_265 : vector<16xi32>
        tpu.vector_store_idx %arg9[%parallel_loop3A_340], %parallel_loop3A_267 : memref<32768xf32, #tpu.memory_space<vmem>>[vector<16xi32>], vector<16xf32>,
        %parallel_loop3A_341 = arith.constant 23 : i32
        %parallel_loop3A_342 = vector.broadcast %parallel_loop3A_341 : i32 to vector<16xi32>
        %parallel_loop3A_343 = arith.addi %iota3A, %parallel_loop3A_342 : vector<16xi32>
        %parallel_loop3A_344 = arith.constant 31 : i32
        %parallel_loop3A_345 = vector.broadcast %parallel_loop3A_344 : i32 to vector<16xi32>
        %parallel_loop3A_346 = arith.andi %parallel_loop3A_343, %parallel_loop3A_345 : vector<16xi32>
        %parallel_loop3A_347 = arith.addi %parallel_loop3A_137, %parallel_loop3A_346 : vector<16xi32>
        %parallel_loop3A_348 = tpu.vector_load_idx %arg5[%parallel_loop3A_347] : memref<32000xf32, #tpu.memory_space<vmem>>[vector<16xi32>], vector<16xf32>,
        %parallel_loop3A_349 = arith.addi %parallel_loop3A_141, %parallel_loop3A_274 : vector<16xi32>
        tpu.vector_store_idx %arg9[%parallel_loop3A_349], %parallel_loop3A_276 : memref<32768xf32, #tpu.memory_space<vmem>>[vector<16xi32>], vector<16xf32>,
        %parallel_loop3A_350 = arith.constant 24 : i32
        %parallel_loop3A_351 = vector.broadcast %parallel_loop3A_350 : i32 to vector<16xi32>
        %parallel_loop3A_352 = arith.addi %iota3A, %parallel_loop3A_351 : vector<16xi32>
        %parallel_loop3A_353 = arith.constant 31 : i32
        %parallel_loop3A_354 = vector.broadcast %parallel_loop3A_353 : i32 to vector<16xi32>
        %parallel_loop3A_355 = arith.andi %parallel_loop3A_352, %parallel_loop3A_354 : vector<16xi32>
        %parallel_loop3A_356 = arith.addi %parallel_loop3A_137, %parallel_loop3A_355 : vector<16xi32>
        %parallel_loop3A_357 = tpu.vector_load_idx %arg5[%parallel_loop3A_356] : memref<32000xf32, #tpu.memory_space<vmem>>[vector<16xi32>], vector<16xf32>,
        %parallel_loop3A_358 = arith.addi %parallel_loop3A_141, %parallel_loop3A_283 : vector<16xi32>
        tpu.vector_store_idx %arg9[%parallel_loop3A_358], %parallel_loop3A_285 : memref<32768xf32, #tpu.memory_space<vmem>>[vector<16xi32>], vector<16xf32>,
        %parallel_loop3A_359 = arith.constant 25 : i32
        %parallel_loop3A_360 = vector.broadcast %parallel_loop3A_359 : i32 to vector<16xi32>
        %parallel_loop3A_361 = arith.addi %iota3A, %parallel_loop3A_360 : vector<16xi32>
        %parallel_loop3A_362 = arith.constant 31 : i32
        %parallel_loop3A_363 = vector.broadcast %parallel_loop3A_362 : i32 to vector<16xi32>
        %parallel_loop3A_364 = arith.andi %parallel_loop3A_361, %parallel_loop3A_363 : vector<16xi32>
        %parallel_loop3A_365 = arith.addi %parallel_loop3A_137, %parallel_loop3A_364 : vector<16xi32>
        %parallel_loop3A_366 = tpu.vector_load_idx %arg5[%parallel_loop3A_365] : memref<32000xf32, #tpu.memory_space<vmem>>[vector<16xi32>], vector<16xf32>,
        %parallel_loop3A_367 = arith.addi %parallel_loop3A_141, %parallel_loop3A_292 : vector<16xi32>
        tpu.vector_store_idx %arg9[%parallel_loop3A_367], %parallel_loop3A_294 : memref<32768xf32, #tpu.memory_space<vmem>>[vector<16xi32>], vector<16xf32>,
        %parallel_loop3A_368 = arith.constant 26 : i32
        %parallel_loop3A_369 = vector.broadcast %parallel_loop3A_368 : i32 to vector<16xi32>
        %parallel_loop3A_370 = arith.addi %iota3A, %parallel_loop3A_369 : vector<16xi32>
        %parallel_loop3A_371 = arith.constant 31 : i32
        %parallel_loop3A_372 = vector.broadcast %parallel_loop3A_371 : i32 to vector<16xi32>
        %parallel_loop3A_373 = arith.andi %parallel_loop3A_370, %parallel_loop3A_372 : vector<16xi32>
        %parallel_loop3A_374 = arith.addi %parallel_loop3A_137, %parallel_loop3A_373 : vector<16xi32>
        %parallel_loop3A_375 = tpu.vector_load_idx %arg5[%parallel_loop3A_374] : memref<32000xf32, #tpu.memory_space<vmem>>[vector<16xi32>], vector<16xf32>,
        %parallel_loop3A_376 = arith.addi %parallel_loop3A_141, %parallel_loop3A_301 : vector<16xi32>
        tpu.vector_store_idx %arg9[%parallel_loop3A_376], %parallel_loop3A_303 : memref<32768xf32, #tpu.memory_space<vmem>>[vector<16xi32>], vector<16xf32>,
        %parallel_loop3A_377 = arith.constant 27 : i32
        %parallel_loop3A_378 = vector.broadcast %parallel_loop3A_377 : i32 to vector<16xi32>
        %parallel_loop3A_379 = arith.addi %iota3A, %parallel_loop3A_378 : vector<16xi32>
        %parallel_loop3A_380 = arith.constant 31 : i32
        %parallel_loop3A_381 = vector.broadcast %parallel_loop3A_380 : i32 to vector<16xi32>
        %parallel_loop3A_382 = arith.andi %parallel_loop3A_379, %parallel_loop3A_381 : vector<16xi32>
        %parallel_loop3A_383 = arith.addi %parallel_loop3A_137, %parallel_loop3A_382 : vector<16xi32>
        %parallel_loop3A_384 = tpu.vector_load_idx %arg5[%parallel_loop3A_383] : memref<32000xf32, #tpu.memory_space<vmem>>[vector<16xi32>], vector<16xf32>,
        %parallel_loop3A_385 = arith.addi %parallel_loop3A_141, %parallel_loop3A_310 : vector<16xi32>
        tpu.vector_store_idx %arg9[%parallel_loop3A_385], %parallel_loop3A_312 : memref<32768xf32, #tpu.memory_space<vmem>>[vector<16xi32>], vector<16xf32>,
        %parallel_loop3A_386 = arith.constant 28 : i32
        %parallel_loop3A_387 = vector.broadcast %parallel_loop3A_386 : i32 to vector<16xi32>
        %parallel_loop3A_388 = arith.addi %iota3A, %parallel_loop3A_387 : vector<16xi32>
        %parallel_loop3A_389 = arith.constant 31 : i32
        %parallel_loop3A_390 = vector.broadcast %parallel_loop3A_389 : i32 to vector<16xi32>
        %parallel_loop3A_391 = arith.andi %parallel_loop3A_388, %parallel_loop3A_390 : vector<16xi32>
        %parallel_loop3A_392 = arith.addi %parallel_loop3A_137, %parallel_loop3A_391 : vector<16xi32>
        %parallel_loop3A_393 = tpu.vector_load_idx %arg5[%parallel_loop3A_392] : memref<32000xf32, #tpu.memory_space<vmem>>[vector<16xi32>], vector<16xf32>,
        %parallel_loop3A_394 = arith.addi %parallel_loop3A_141, %parallel_loop3A_319 : vector<16xi32>
        tpu.vector_store_idx %arg9[%parallel_loop3A_394], %parallel_loop3A_321 : memref<32768xf32, #tpu.memory_space<vmem>>[vector<16xi32>], vector<16xf32>,
        %parallel_loop3A_395 = arith.constant 29 : i32
        %parallel_loop3A_396 = vector.broadcast %parallel_loop3A_395 : i32 to vector<16xi32>
        %parallel_loop3A_397 = arith.addi %iota3A, %parallel_loop3A_396 : vector<16xi32>
        %parallel_loop3A_398 = arith.constant 31 : i32
        %parallel_loop3A_399 = vector.broadcast %parallel_loop3A_398 : i32 to vector<16xi32>
        %parallel_loop3A_400 = arith.andi %parallel_loop3A_397, %parallel_loop3A_399 : vector<16xi32>
        %parallel_loop3A_401 = arith.addi %parallel_loop3A_137, %parallel_loop3A_400 : vector<16xi32>
        %parallel_loop3A_402 = tpu.vector_load_idx %arg5[%parallel_loop3A_401] : memref<32000xf32, #tpu.memory_space<vmem>>[vector<16xi32>], vector<16xf32>,
        %parallel_loop3A_403 = arith.addi %parallel_loop3A_141, %parallel_loop3A_328 : vector<16xi32>
        tpu.vector_store_idx %arg9[%parallel_loop3A_403], %parallel_loop3A_330 : memref<32768xf32, #tpu.memory_space<vmem>>[vector<16xi32>], vector<16xf32>,
        %parallel_loop3A_404 = arith.constant 30 : i32
        %parallel_loop3A_405 = vector.broadcast %parallel_loop3A_404 : i32 to vector<16xi32>
        %parallel_loop3A_406 = arith.addi %iota3A, %parallel_loop3A_405 : vector<16xi32>
        %parallel_loop3A_407 = arith.constant 31 : i32
        %parallel_loop3A_408 = vector.broadcast %parallel_loop3A_407 : i32 to vector<16xi32>
        %parallel_loop3A_409 = arith.andi %parallel_loop3A_406, %parallel_loop3A_408 : vector<16xi32>
        %parallel_loop3A_410 = arith.addi %parallel_loop3A_137, %parallel_loop3A_409 : vector<16xi32>
        %parallel_loop3A_411 = tpu.vector_load_idx %arg5[%parallel_loop3A_410] : memref<32000xf32, #tpu.memory_space<vmem>>[vector<16xi32>], vector<16xf32>,
        %parallel_loop3A_412 = arith.addi %parallel_loop3A_141, %parallel_loop3A_337 : vector<16xi32>
        tpu.vector_store_idx %arg9[%parallel_loop3A_412], %parallel_loop3A_339 : memref<32768xf32, #tpu.memory_space<vmem>>[vector<16xi32>], vector<16xf32>,
        %parallel_loop3A_413 = arith.constant 31 : i32
        %parallel_loop3A_414 = vector.broadcast %parallel_loop3A_413 : i32 to vector<16xi32>
        %parallel_loop3A_415 = arith.addi %iota3A, %parallel_loop3A_414 : vector<16xi32>
        %parallel_loop3A_416 = arith.constant 31 : i32
        %parallel_loop3A_417 = vector.broadcast %parallel_loop3A_416 : i32 to vector<16xi32>
        %parallel_loop3A_418 = arith.andi %parallel_loop3A_415, %parallel_loop3A_417 : vector<16xi32>
        %parallel_loop3A_419 = arith.addi %parallel_loop3A_137, %parallel_loop3A_418 : vector<16xi32>
        %parallel_loop3A_420 = tpu.vector_load_idx %arg5[%parallel_loop3A_419] : memref<32000xf32, #tpu.memory_space<vmem>>[vector<16xi32>], vector<16xf32>,
        %parallel_loop3A_421 = arith.addi %parallel_loop3A_141, %parallel_loop3A_346 : vector<16xi32>
        tpu.vector_store_idx %arg9[%parallel_loop3A_421], %parallel_loop3A_348 : memref<32768xf32, #tpu.memory_space<vmem>>[vector<16xi32>], vector<16xf32>,
        %parallel_loop3A_422 = arith.addi %parallel_loop3A_141, %parallel_loop3A_355 : vector<16xi32>
        tpu.vector_store_idx %arg9[%parallel_loop3A_422], %parallel_loop3A_357 : memref<32768xf32, #tpu.memory_space<vmem>>[vector<16xi32>], vector<16xf32>,
        %parallel_loop3A_423 = arith.addi %parallel_loop3A_141, %parallel_loop3A_364 : vector<16xi32>
        tpu.vector_store_idx %arg9[%parallel_loop3A_423], %parallel_loop3A_366 : memref<32768xf32, #tpu.memory_space<vmem>>[vector<16xi32>], vector<16xf32>,
        %parallel_loop3A_424 = arith.addi %parallel_loop3A_141, %parallel_loop3A_373 : vector<16xi32>
        tpu.vector_store_idx %arg9[%parallel_loop3A_424], %parallel_loop3A_375 : memref<32768xf32, #tpu.memory_space<vmem>>[vector<16xi32>], vector<16xf32>,
        %parallel_loop3A_425 = arith.addi %parallel_loop3A_141, %parallel_loop3A_382 : vector<16xi32>
        tpu.vector_store_idx %arg9[%parallel_loop3A_425], %parallel_loop3A_384 : memref<32768xf32, #tpu.memory_space<vmem>>[vector<16xi32>], vector<16xf32>,
        %parallel_loop3A_426 = arith.addi %parallel_loop3A_141, %parallel_loop3A_391 : vector<16xi32>
        tpu.vector_store_idx %arg9[%parallel_loop3A_426], %parallel_loop3A_393 : memref<32768xf32, #tpu.memory_space<vmem>>[vector<16xi32>], vector<16xf32>,
        %parallel_loop3A_427 = arith.addi %parallel_loop3A_141, %parallel_loop3A_400 : vector<16xi32>
        tpu.vector_store_idx %arg9[%parallel_loop3A_427], %parallel_loop3A_402 : memref<32768xf32, #tpu.memory_space<vmem>>[vector<16xi32>], vector<16xf32>,
        %parallel_loop3A_428 = arith.addi %parallel_loop3A_141, %parallel_loop3A_409 : vector<16xi32>
        tpu.vector_store_idx %arg9[%parallel_loop3A_428], %parallel_loop3A_411 : memref<32768xf32, #tpu.memory_space<vmem>>[vector<16xi32>], vector<16xf32>,
        %parallel_loop3A_429 = arith.addi %parallel_loop3A_141, %parallel_loop3A_418 : vector<16xi32>
        tpu.vector_store_idx %arg9[%parallel_loop3A_429], %parallel_loop3A_420 : memref<32768xf32, #tpu.memory_space<vmem>>[vector<16xi32>], vector<16xf32>,
      } {sc.loop_unroll_factor = 1 : i64, sc.parallel_access}
      %mul3A_111 = arith.constant 1024 : i32
      %mul3A_112 = arith.muli %add3A_96, %mul3A_111 : i32
      %add3A_113 = arith.addi %mul3A_2, %mul3A_112 : i32
      %mul3A_114 = arith.constant 32 : i32
      %mul3A_115 = arith.muli %add3A_113, %mul3A_114 : i32
      %dma_start3A_116 = tpu.memref_slice %arg4[%mul3A_115] : memref<131072000xf32, #tpu.memory_space<hbm>> -> memref<32768xf32, #tpu.memory_space<hbm>>
      %dma_start3A_117 = tpu.memref_slice %arg4[%mul3A_115] : memref<131072000xf32, #tpu.memory_space<hbm>> -> memref<32768xf32, #tpu.memory_space<hbm>>
      tpu.enqueue_dma source(%arg9 : memref<32768xf32, #tpu.memory_space<vmem>>) target(%dma_start3A_117 : memref<32768xf32, #tpu.memory_space<hbm>>) target_semaphore(%arg14 : memref<!tpu.dma_semaphore, #tpu.memory_space<semaphore_mem>>)
      %add3A_118 = arith.constant 2 : i32
      %add3A_119 = arith.addi %add3A_96, %add3A_118 : i32
      %lt3A_120 = arith.constant 125 : i32
      %lt3A_121 = arith.cmpi slt, %add3A_119, %lt3A_120 : i32
      %convert_element_type3A_122 = arith.extui %lt3A_121 : i1 to i32
      %cond3A_123 = arith.constant 0 : i32
      %cond3A_124 = arith.cmpi ne, %convert_element_type3A_122, %cond3A_123 : i32
      scf.if %cond3A_124 {
        %add3A_125 = arith.constant 2 : i32
        %add3A_126 = arith.addi %add3A_96, %add3A_125 : i32
        %mul3A_127 = arith.constant 8 : i32
        %mul3A_128 = arith.muli %add3A_126, %mul3A_127 : i32
        %add3A_129 = arith.addi %select_n3A, %mul3A_128 : i32
        %multiple_of3A_130 = tpu.assume_multiple %add3A_129, 8 : i32
        %dma_start3A_131 = arith.constant 0 : i32
        %dma_start3A_132 = tpu.memref_slice %arg2[%multiple_of3A_130, %dma_start3A_131] : memref<32000x128xi32, #tpu.memory_space<hbm>> -> memref<8x128xi32, #tpu.memory_space<hbm>>
        %dma_start3A_133 = arith.constant 0 : i32
        %dma_start3A_134 = tpu.memref_slice %arg2[%multiple_of3A_130, %dma_start3A_133] : memref<32000x128xi32, #tpu.memory_space<hbm>> -> memref<8x128xi32, #tpu.memory_space<hbm>>
        tpu.enqueue_dma source(%dma_start3A_134 : memref<8x128xi32, #tpu.memory_space<hbm>>) target(%arg7 : memref<8x128xi32, #tpu.memory_space<vmem>>) target_semaphore(%arg12 : memref<!tpu.dma_semaphore, #tpu.memory_space<semaphore_mem>>)
      } else {
      }
    }
    %scan3A_38 = arith.constant 62 : i32
    %dma_wait3A = arith.constant 0 : i32
    %dma_wait3A_39 = arith.constant 0 : i32
    %dma_wait3A_40 = tpu.memref_slice %arg2[%dma_wait3A, %dma_wait3A_39] : memref<32000x128xi32, #tpu.memory_space<hbm>> -> memref<8x128xi32, #tpu.memory_space<hbm>>
    %dma_wait3A_41 = arith.constant 0 : i32
    %dma_wait3A_42 = arith.constant 0 : i32
    %dma_wait3A_43 = tpu.memref_slice %arg2[%dma_wait3A_41, %dma_wait3A_42] : memref<32000x128xi32, #tpu.memory_space<hbm>> -> memref<8x128xi32, #tpu.memory_space<hbm>>
    tpu.wait_dma2 semaphore(%arg11 : memref<!tpu.dma_semaphore, #tpu.memory_space<semaphore_mem>>) src(%dma_wait3A_43 : memref<8x128xi32, #tpu.memory_space<hbm>>) dst(%arg6 : memref<8x128xi32, #tpu.memory_space<vmem>>)
    %dma_wait3A_44 = arith.constant 0 : i32
    %dma_wait3A_45 = tpu.memref_slice %arg4[%dma_wait3A_44] : memref<131072000xf32, #tpu.memory_space<hbm>> -> memref<32768xf32, #tpu.memory_space<hbm>>
    %dma_wait3A_46 = arith.constant 0 : i32
    %dma_wait3A_47 = tpu.memref_slice %arg4[%dma_wait3A_46] : memref<131072000xf32, #tpu.memory_space<hbm>> -> memref<32768xf32, #tpu.memory_space<hbm>>
    tpu.wait_dma2 semaphore(%arg13 : memref<!tpu.dma_semaphore, #tpu.memory_space<semaphore_mem>>) src(%arg8 : memref<32768xf32, #tpu.memory_space<vmem>>) dst(%dma_wait3A_47 : memref<32768xf32, #tpu.memory_space<hbm>>)
    %parallel_loop3A = arith.constant 0 : i32
    %parallel_loop3A_48 = arith.constant 64 : i32
    %parallel_loop3A_49 = arith.constant 1 : i32
    scf.for %parallel_loop3A_64 = %parallel_loop3A to %parallel_loop3A_48 step %parallel_loop3A_49  : i32 {
      %parallel_loop3A_65 = arith.constant 3 : i32
      %parallel_loop3A_66 = arith.shrsi %parallel_loop3A_64, %parallel_loop3A_65 : i32
      %parallel_loop3A_67 = arith.constant 7 : i32
      %parallel_loop3A_68 = arith.andi %parallel_loop3A_64, %parallel_loop3A_67 : i32
      %parallel_loop3A_69 = arith.constant 16 : i32
      %parallel_loop3A_70 = arith.muli %parallel_loop3A_68, %parallel_loop3A_69 : i32
      %parallel_loop3A_71 = arith.index_cast %parallel_loop3A_66 : i32 to index
      %parallel_loop3A_72 = arith.index_cast %parallel_loop3A_70 : i32 to index
      %parallel_loop3A_73 = tpu.vector_load %arg6[%parallel_loop3A_71, %parallel_loop3A_72] {strides = array<i32>} : memref<8x128xi32, #tpu.memory_space<vmem>>, vector<16xi32>,
      %parallel_loop3A_74 = arith.constant 32 : i32
      %parallel_loop3A_75 = vector.broadcast %parallel_loop3A_74 : i32 to vector<16xi32>
      %parallel_loop3A_76 = arith.muli %parallel_loop3A_73, %parallel_loop3A_75 : vector<16xi32>
      %parallel_loop3A_77 = arith.constant 512 : i32
      %parallel_loop3A_78 = arith.muli %parallel_loop3A_64, %parallel_loop3A_77 : i32
      %parallel_loop3A_79 = vector.broadcast %parallel_loop3A_78 : i32 to vector<16xi32>
      %parallel_loop3A_80 = arith.addi %mul3A_21, %parallel_loop3A_79 : vector<16xi32>
      %parallel_loop3A_81 = arith.constant 0 : i32
      %parallel_loop3A_82 = vector.broadcast %parallel_loop3A_81 : i32 to vector<16xi32>
      %parallel_loop3A_83 = arith.addi %iota3A, %parallel_loop3A_82 : vector<16xi32>
      %parallel_loop3A_84 = arith.constant 31 : i32
      %parallel_loop3A_85 = vector.broadcast %parallel_loop3A_84 : i32 to vector<16xi32>
      %parallel_loop3A_86 = arith.andi %parallel_loop3A_83, %parallel_loop3A_85 : vector<16xi32>
      %parallel_loop3A_87 = arith.addi %parallel_loop3A_76, %parallel_loop3A_86 : vector<16xi32>
      %parallel_loop3A_88 = tpu.vector_load_idx %arg5[%parallel_loop3A_87] : memref<32000xf32, #tpu.memory_space<vmem>>[vector<16xi32>], vector<16xf32>,
      %parallel_loop3A_89 = arith.constant 1 : i32
      %parallel_loop3A_90 = vector.broadcast %parallel_loop3A_89 : i32 to vector<16xi32>
      %parallel_loop3A_91 = arith.addi %iota3A, %parallel_loop3A_90 : vector<16xi32>
      %parallel_loop3A_92 = arith.constant 31 : i32
      %parallel_loop3A_93 = vector.broadcast %parallel_loop3A_92 : i32 to vector<16xi32>
      %parallel_loop3A_94 = arith.andi %parallel_loop3A_91, %parallel_loop3A_93 : vector<16xi32>
      %parallel_loop3A_95 = arith.addi %parallel_loop3A_76, %parallel_loop3A_94 : vector<16xi32>
      %parallel_loop3A_96 = tpu.vector_load_idx %arg5[%parallel_loop3A_95] : memref<32000xf32, #tpu.memory_space<vmem>>[vector<16xi32>], vector<16xf32>,
      %parallel_loop3A_97 = arith.constant 2 : i32
      %parallel_loop3A_98 = vector.broadcast %parallel_loop3A_97 : i32 to vector<16xi32>
      %parallel_loop3A_99 = arith.addi %iota3A, %parallel_loop3A_98 : vector<16xi32>
      %parallel_loop3A_100 = arith.constant 31 : i32
      %parallel_loop3A_101 = vector.broadcast %parallel_loop3A_100 : i32 to vector<16xi32>
      %parallel_loop3A_102 = arith.andi %parallel_loop3A_99, %parallel_loop3A_101 : vector<16xi32>
      %parallel_loop3A_103 = arith.addi %parallel_loop3A_76, %parallel_loop3A_102 : vector<16xi32>
      %parallel_loop3A_104 = tpu.vector_load_idx %arg5[%parallel_loop3A_103] : memref<32000xf32, #tpu.memory_space<vmem>>[vector<16xi32>], vector<16xf32>,
      %parallel_loop3A_105 = arith.constant 3 : i32
      %parallel_loop3A_106 = vector.broadcast %parallel_loop3A_105 : i32 to vector<16xi32>
      %parallel_loop3A_107 = arith.addi %iota3A, %parallel_loop3A_106 : vector<16xi32>
      %parallel_loop3A_108 = arith.constant 31 : i32
      %parallel_loop3A_109 = vector.broadcast %parallel_loop3A_108 : i32 to vector<16xi32>
      %parallel_loop3A_110 = arith.andi %parallel_loop3A_107, %parallel_loop3A_109 : vector<16xi32>
      %parallel_loop3A_111 = arith.addi %parallel_loop3A_76, %parallel_loop3A_110 : vector<16xi32>
      %parallel_loop3A_112 = tpu.vector_load_idx %arg5[%parallel_loop3A_111] : memref<32000xf32, #tpu.memory_space<vmem>>[vector<16xi32>], vector<16xf32>,
      %parallel_loop3A_113 = arith.constant 4 : i32
      %parallel_loop3A_114 = vector.broadcast %parallel_loop3A_113 : i32 to vector<16xi32>
      %parallel_loop3A_115 = arith.addi %iota3A, %parallel_loop3A_114 : vector<16xi32>
      %parallel_loop3A_116 = arith.constant 31 : i32
      %parallel_loop3A_117 = vector.broadcast %parallel_loop3A_116 : i32 to vector<16xi32>
      %parallel_loop3A_118 = arith.andi %parallel_loop3A_115, %parallel_loop3A_117 : vector<16xi32>
      %parallel_loop3A_119 = arith.addi %parallel_loop3A_76, %parallel_loop3A_118 : vector<16xi32>
      %parallel_loop3A_120 = tpu.vector_load_idx %arg5[%parallel_loop3A_119] : memref<32000xf32, #tpu.memory_space<vmem>>[vector<16xi32>], vector<16xf32>,
      %parallel_loop3A_121 = arith.constant 5 : i32
      %parallel_loop3A_122 = vector.broadcast %parallel_loop3A_121 : i32 to vector<16xi32>
      %parallel_loop3A_123 = arith.addi %iota3A, %parallel_loop3A_122 : vector<16xi32>
      %parallel_loop3A_124 = arith.constant 31 : i32
      %parallel_loop3A_125 = vector.broadcast %parallel_loop3A_124 : i32 to vector<16xi32>
      %parallel_loop3A_126 = arith.andi %parallel_loop3A_123, %parallel_loop3A_125 : vector<16xi32>
      %parallel_loop3A_127 = arith.addi %parallel_loop3A_76, %parallel_loop3A_126 : vector<16xi32>
      %parallel_loop3A_128 = tpu.vector_load_idx %arg5[%parallel_loop3A_127] : memref<32000xf32, #tpu.memory_space<vmem>>[vector<16xi32>], vector<16xf32>,
      %parallel_loop3A_129 = arith.constant 6 : i32
      %parallel_loop3A_130 = vector.broadcast %parallel_loop3A_129 : i32 to vector<16xi32>
      %parallel_loop3A_131 = arith.addi %iota3A, %parallel_loop3A_130 : vector<16xi32>
      %parallel_loop3A_132 = arith.constant 31 : i32
      %parallel_loop3A_133 = vector.broadcast %parallel_loop3A_132 : i32 to vector<16xi32>
      %parallel_loop3A_134 = arith.andi %parallel_loop3A_131, %parallel_loop3A_133 : vector<16xi32>
      %parallel_loop3A_135 = arith.addi %parallel_loop3A_76, %parallel_loop3A_134 : vector<16xi32>
      %parallel_loop3A_136 = tpu.vector_load_idx %arg5[%parallel_loop3A_135] : memref<32000xf32, #tpu.memory_space<vmem>>[vector<16xi32>], vector<16xf32>,
      %parallel_loop3A_137 = arith.constant 7 : i32
      %parallel_loop3A_138 = vector.broadcast %parallel_loop3A_137 : i32 to vector<16xi32>
      %parallel_loop3A_139 = arith.addi %iota3A, %parallel_loop3A_138 : vector<16xi32>
      %parallel_loop3A_140 = arith.constant 31 : i32
      %parallel_loop3A_141 = vector.broadcast %parallel_loop3A_140 : i32 to vector<16xi32>
      %parallel_loop3A_142 = arith.andi %parallel_loop3A_139, %parallel_loop3A_141 : vector<16xi32>
      %parallel_loop3A_143 = arith.addi %parallel_loop3A_76, %parallel_loop3A_142 : vector<16xi32>
      %parallel_loop3A_144 = tpu.vector_load_idx %arg5[%parallel_loop3A_143] : memref<32000xf32, #tpu.memory_space<vmem>>[vector<16xi32>], vector<16xf32>,
      %parallel_loop3A_145 = arith.constant 8 : i32
      %parallel_loop3A_146 = vector.broadcast %parallel_loop3A_145 : i32 to vector<16xi32>
      %parallel_loop3A_147 = arith.addi %iota3A, %parallel_loop3A_146 : vector<16xi32>
      %parallel_loop3A_148 = arith.constant 31 : i32
      %parallel_loop3A_149 = vector.broadcast %parallel_loop3A_148 : i32 to vector<16xi32>
      %parallel_loop3A_150 = arith.andi %parallel_loop3A_147, %parallel_loop3A_149 : vector<16xi32>
      %parallel_loop3A_151 = arith.addi %parallel_loop3A_76, %parallel_loop3A_150 : vector<16xi32>
      %parallel_loop3A_152 = tpu.vector_load_idx %arg5[%parallel_loop3A_151] : memref<32000xf32, #tpu.memory_space<vmem>>[vector<16xi32>], vector<16xf32>,
      %parallel_loop3A_153 = arith.addi %parallel_loop3A_80, %parallel_loop3A_86 : vector<16xi32>
      tpu.vector_store_idx %arg8[%parallel_loop3A_153], %parallel_loop3A_88 : memref<32768xf32, #tpu.memory_space<vmem>>[vector<16xi32>], vector<16xf32>,
      %parallel_loop3A_154 = arith.constant 9 : i32
      %parallel_loop3A_155 = vector.broadcast %parallel_loop3A_154 : i32 to vector<16xi32>
      %parallel_loop3A_156 = arith.addi %iota3A, %parallel_loop3A_155 : vector<16xi32>
      %parallel_loop3A_157 = arith.constant 31 : i32
      %parallel_loop3A_158 = vector.broadcast %parallel_loop3A_157 : i32 to vector<16xi32>
      %parallel_loop3A_159 = arith.andi %parallel_loop3A_156, %parallel_loop3A_158 : vector<16xi32>
      %parallel_loop3A_160 = arith.addi %parallel_loop3A_76, %parallel_loop3A_159 : vector<16xi32>
      %parallel_loop3A_161 = tpu.vector_load_idx %arg5[%parallel_loop3A_160] : memref<32000xf32, #tpu.memory_space<vmem>>[vector<16xi32>], vector<16xf32>,
      %parallel_loop3A_162 = arith.addi %parallel_loop3A_80, %parallel_loop3A_94 : vector<16xi32>
      tpu.vector_store_idx %arg8[%parallel_loop3A_162], %parallel_loop3A_96 : memref<32768xf32, #tpu.memory_space<vmem>>[vector<16xi32>], vector<16xf32>,
      %parallel_loop3A_163 = arith.constant 10 : i32
      %parallel_loop3A_164 = vector.broadcast %parallel_loop3A_163 : i32 to vector<16xi32>
      %parallel_loop3A_165 = arith.addi %iota3A, %parallel_loop3A_164 : vector<16xi32>
      %parallel_loop3A_166 = arith.constant 31 : i32
      %parallel_loop3A_167 = vector.broadcast %parallel_loop3A_166 : i32 to vector<16xi32>
      %parallel_loop3A_168 = arith.andi %parallel_loop3A_165, %parallel_loop3A_167 : vector<16xi32>
      %parallel_loop3A_169 = arith.addi %parallel_loop3A_76, %parallel_loop3A_168 : vector<16xi32>
      %parallel_loop3A_170 = tpu.vector_load_idx %arg5[%parallel_loop3A_169] : memref<32000xf32, #tpu.memory_space<vmem>>[vector<16xi32>], vector<16xf32>,
      %parallel_loop3A_171 = arith.addi %parallel_loop3A_80, %parallel_loop3A_102 : vector<16xi32>
      tpu.vector_store_idx %arg8[%parallel_loop3A_171], %parallel_loop3A_104 : memref<32768xf32, #tpu.memory_space<vmem>>[vector<16xi32>], vector<16xf32>,
      %parallel_loop3A_172 = arith.constant 11 : i32
      %parallel_loop3A_173 = vector.broadcast %parallel_loop3A_172 : i32 to vector<16xi32>
      %parallel_loop3A_174 = arith.addi %iota3A, %parallel_loop3A_173 : vector<16xi32>
      %parallel_loop3A_175 = arith.constant 31 : i32
      %parallel_loop3A_176 = vector.broadcast %parallel_loop3A_175 : i32 to vector<16xi32>
      %parallel_loop3A_177 = arith.andi %parallel_loop3A_174, %parallel_loop3A_176 : vector<16xi32>
      %parallel_loop3A_178 = arith.addi %parallel_loop3A_76, %parallel_loop3A_177 : vector<16xi32>
      %parallel_loop3A_179 = tpu.vector_load_idx %arg5[%parallel_loop3A_178] : memref<32000xf32, #tpu.memory_space<vmem>>[vector<16xi32>], vector<16xf32>,
      %parallel_loop3A_180 = arith.addi %parallel_loop3A_80, %parallel_loop3A_110 : vector<16xi32>
      tpu.vector_store_idx %arg8[%parallel_loop3A_180], %parallel_loop3A_112 : memref<32768xf32, #tpu.memory_space<vmem>>[vector<16xi32>], vector<16xf32>,
      %parallel_loop3A_181 = arith.constant 12 : i32
      %parallel_loop3A_182 = vector.broadcast %parallel_loop3A_181 : i32 to vector<16xi32>
      %parallel_loop3A_183 = arith.addi %iota3A, %parallel_loop3A_182 : vector<16xi32>
      %parallel_loop3A_184 = arith.constant 31 : i32
      %parallel_loop3A_185 = vector.broadcast %parallel_loop3A_184 : i32 to vector<16xi32>
      %parallel_loop3A_186 = arith.andi %parallel_loop3A_183, %parallel_loop3A_185 : vector<16xi32>
      %parallel_loop3A_187 = arith.addi %parallel_loop3A_76, %parallel_loop3A_186 : vector<16xi32>
      %parallel_loop3A_188 = tpu.vector_load_idx %arg5[%parallel_loop3A_187] : memref<32000xf32, #tpu.memory_space<vmem>>[vector<16xi32>], vector<16xf32>,
      %parallel_loop3A_189 = arith.addi %parallel_loop3A_80, %parallel_loop3A_118 : vector<16xi32>
      tpu.vector_store_idx %arg8[%parallel_loop3A_189], %parallel_loop3A_120 : memref<32768xf32, #tpu.memory_space<vmem>>[vector<16xi32>], vector<16xf32>,
      %parallel_loop3A_190 = arith.constant 13 : i32
      %parallel_loop3A_191 = vector.broadcast %parallel_loop3A_190 : i32 to vector<16xi32>
      %parallel_loop3A_192 = arith.addi %iota3A, %parallel_loop3A_191 : vector<16xi32>
      %parallel_loop3A_193 = arith.constant 31 : i32
      %parallel_loop3A_194 = vector.broadcast %parallel_loop3A_193 : i32 to vector<16xi32>
      %parallel_loop3A_195 = arith.andi %parallel_loop3A_192, %parallel_loop3A_194 : vector<16xi32>
      %parallel_loop3A_196 = arith.addi %parallel_loop3A_76, %parallel_loop3A_195 : vector<16xi32>
      %parallel_loop3A_197 = tpu.vector_load_idx %arg5[%parallel_loop3A_196] : memref<32000xf32, #tpu.memory_space<vmem>>[vector<16xi32>], vector<16xf32>,
      %parallel_loop3A_198 = arith.addi %parallel_loop3A_80, %parallel_loop3A_126 : vector<16xi32>
      tpu.vector_store_idx %arg8[%parallel_loop3A_198], %parallel_loop3A_128 : memref<32768xf32, #tpu.memory_space<vmem>>[vector<16xi32>], vector<16xf32>,
      %parallel_loop3A_199 = arith.constant 14 : i32
      %parallel_loop3A_200 = vector.broadcast %parallel_loop3A_199 : i32 to vector<16xi32>
      %parallel_loop3A_201 = arith.addi %iota3A, %parallel_loop3A_200 : vector<16xi32>
      %parallel_loop3A_202 = arith.constant 31 : i32
      %parallel_loop3A_203 = vector.broadcast %parallel_loop3A_202 : i32 to vector<16xi32>
      %parallel_loop3A_204 = arith.andi %parallel_loop3A_201, %parallel_loop3A_203 : vector<16xi32>
      %parallel_loop3A_205 = arith.addi %parallel_loop3A_76, %parallel_loop3A_204 : vector<16xi32>
      %parallel_loop3A_206 = tpu.vector_load_idx %arg5[%parallel_loop3A_205] : memref<32000xf32, #tpu.memory_space<vmem>>[vector<16xi32>], vector<16xf32>,
      %parallel_loop3A_207 = arith.addi %parallel_loop3A_80, %parallel_loop3A_134 : vector<16xi32>
      tpu.vector_store_idx %arg8[%parallel_loop3A_207], %parallel_loop3A_136 : memref<32768xf32, #tpu.memory_space<vmem>>[vector<16xi32>], vector<16xf32>,
      %parallel_loop3A_208 = arith.constant 15 : i32
      %parallel_loop3A_209 = vector.broadcast %parallel_loop3A_208 : i32 to vector<16xi32>
      %parallel_loop3A_210 = arith.addi %iota3A, %parallel_loop3A_209 : vector<16xi32>
      %parallel_loop3A_211 = arith.constant 31 : i32
      %parallel_loop3A_212 = vector.broadcast %parallel_loop3A_211 : i32 to vector<16xi32>
      %parallel_loop3A_213 = arith.andi %parallel_loop3A_210, %parallel_loop3A_212 : vector<16xi32>
      %parallel_loop3A_214 = arith.addi %parallel_loop3A_76, %parallel_loop3A_213 : vector<16xi32>
      %parallel_loop3A_215 = tpu.vector_load_idx %arg5[%parallel_loop3A_214] : memref<32000xf32, #tpu.memory_space<vmem>>[vector<16xi32>], vector<16xf32>,
      %parallel_loop3A_216 = arith.addi %parallel_loop3A_80, %parallel_loop3A_142 : vector<16xi32>
      tpu.vector_store_idx %arg8[%parallel_loop3A_216], %parallel_loop3A_144 : memref<32768xf32, #tpu.memory_space<vmem>>[vector<16xi32>], vector<16xf32>,
      %parallel_loop3A_217 = arith.constant 16 : i32
      %parallel_loop3A_218 = vector.broadcast %parallel_loop3A_217 : i32 to vector<16xi32>
      %parallel_loop3A_219 = arith.addi %iota3A, %parallel_loop3A_218 : vector<16xi32>
      %parallel_loop3A_220 = arith.constant 31 : i32
      %parallel_loop3A_221 = vector.broadcast %parallel_loop3A_220 : i32 to vector<16xi32>
      %parallel_loop3A_222 = arith.andi %parallel_loop3A_219, %parallel_loop3A_221 : vector<16xi32>
      %parallel_loop3A_223 = arith.addi %parallel_loop3A_76, %parallel_loop3A_222 : vector<16xi32>
      %parallel_loop3A_224 = tpu.vector_load_idx %arg5[%parallel_loop3A_223] : memref<32000xf32, #tpu.memory_space<vmem>>[vector<16xi32>], vector<16xf32>,
      %parallel_loop3A_225 = arith.addi %parallel_loop3A_80, %parallel_loop3A_150 : vector<16xi32>
      tpu.vector_store_idx %arg8[%parallel_loop3A_225], %parallel_loop3A_152 : memref<32768xf32, #tpu.memory_space<vmem>>[vector<16xi32>], vector<16xf32>,
      %parallel_loop3A_226 = arith.constant 17 : i32
      %parallel_loop3A_227 = vector.broadcast %parallel_loop3A_226 : i32 to vector<16xi32>
      %parallel_loop3A_228 = arith.addi %iota3A, %parallel_loop3A_227 : vector<16xi32>
      %parallel_loop3A_229 = arith.constant 31 : i32
      %parallel_loop3A_230 = vector.broadcast %parallel_loop3A_229 : i32 to vector<16xi32>
      %parallel_loop3A_231 = arith.andi %parallel_loop3A_228, %parallel_loop3A_230 : vector<16xi32>
      %parallel_loop3A_232 = arith.addi %parallel_loop3A_76, %parallel_loop3A_231 : vector<16xi32>
      %parallel_loop3A_233 = tpu.vector_load_idx %arg5[%parallel_loop3A_232] : memref<32000xf32, #tpu.memory_space<vmem>>[vector<16xi32>], vector<16xf32>,
      %parallel_loop3A_234 = arith.addi %parallel_loop3A_80, %parallel_loop3A_159 : vector<16xi32>
      tpu.vector_store_idx %arg8[%parallel_loop3A_234], %parallel_loop3A_161 : memref<32768xf32, #tpu.memory_space<vmem>>[vector<16xi32>], vector<16xf32>,
      %parallel_loop3A_235 = arith.constant 18 : i32
      %parallel_loop3A_236 = vector.broadcast %parallel_loop3A_235 : i32 to vector<16xi32>
      %parallel_loop3A_237 = arith.addi %iota3A, %parallel_loop3A_236 : vector<16xi32>
      %parallel_loop3A_238 = arith.constant 31 : i32
      %parallel_loop3A_239 = vector.broadcast %parallel_loop3A_238 : i32 to vector<16xi32>
      %parallel_loop3A_240 = arith.andi %parallel_loop3A_237, %parallel_loop3A_239 : vector<16xi32>
      %parallel_loop3A_241 = arith.addi %parallel_loop3A_76, %parallel_loop3A_240 : vector<16xi32>
      %parallel_loop3A_242 = tpu.vector_load_idx %arg5[%parallel_loop3A_241] : memref<32000xf32, #tpu.memory_space<vmem>>[vector<16xi32>], vector<16xf32>,
      %parallel_loop3A_243 = arith.addi %parallel_loop3A_80, %parallel_loop3A_168 : vector<16xi32>
      tpu.vector_store_idx %arg8[%parallel_loop3A_243], %parallel_loop3A_170 : memref<32768xf32, #tpu.memory_space<vmem>>[vector<16xi32>], vector<16xf32>,
      %parallel_loop3A_244 = arith.constant 19 : i32
      %parallel_loop3A_245 = vector.broadcast %parallel_loop3A_244 : i32 to vector<16xi32>
      %parallel_loop3A_246 = arith.addi %iota3A, %parallel_loop3A_245 : vector<16xi32>
      %parallel_loop3A_247 = arith.constant 31 : i32
      %parallel_loop3A_248 = vector.broadcast %parallel_loop3A_247 : i32 to vector<16xi32>
      %parallel_loop3A_249 = arith.andi %parallel_loop3A_246, %parallel_loop3A_248 : vector<16xi32>
      %parallel_loop3A_250 = arith.addi %parallel_loop3A_76, %parallel_loop3A_249 : vector<16xi32>
      %parallel_loop3A_251 = tpu.vector_load_idx %arg5[%parallel_loop3A_250] : memref<32000xf32, #tpu.memory_space<vmem>>[vector<16xi32>], vector<16xf32>,
      %parallel_loop3A_252 = arith.addi %parallel_loop3A_80, %parallel_loop3A_177 : vector<16xi32>
      tpu.vector_store_idx %arg8[%parallel_loop3A_252], %parallel_loop3A_179 : memref<32768xf32, #tpu.memory_space<vmem>>[vector<16xi32>], vector<16xf32>,
      %parallel_loop3A_253 = arith.constant 20 : i32
      %parallel_loop3A_254 = vector.broadcast %parallel_loop3A_253 : i32 to vector<16xi32>
      %parallel_loop3A_255 = arith.addi %iota3A, %parallel_loop3A_254 : vector<16xi32>
      %parallel_loop3A_256 = arith.constant 31 : i32
      %parallel_loop3A_257 = vector.broadcast %parallel_loop3A_256 : i32 to vector<16xi32>
      %parallel_loop3A_258 = arith.andi %parallel_loop3A_255, %parallel_loop3A_257 : vector<16xi32>
      %parallel_loop3A_259 = arith.addi %parallel_loop3A_76, %parallel_loop3A_258 : vector<16xi32>
      %parallel_loop3A_260 = tpu.vector_load_idx %arg5[%parallel_loop3A_259] : memref<32000xf32, #tpu.memory_space<vmem>>[vector<16xi32>], vector<16xf32>,
      %parallel_loop3A_261 = arith.addi %parallel_loop3A_80, %parallel_loop3A_186 : vector<16xi32>
      tpu.vector_store_idx %arg8[%parallel_loop3A_261], %parallel_loop3A_188 : memref<32768xf32, #tpu.memory_space<vmem>>[vector<16xi32>], vector<16xf32>,
      %parallel_loop3A_262 = arith.constant 21 : i32
      %parallel_loop3A_263 = vector.broadcast %parallel_loop3A_262 : i32 to vector<16xi32>
      %parallel_loop3A_264 = arith.addi %iota3A, %parallel_loop3A_263 : vector<16xi32>
      %parallel_loop3A_265 = arith.constant 31 : i32
      %parallel_loop3A_266 = vector.broadcast %parallel_loop3A_265 : i32 to vector<16xi32>
      %parallel_loop3A_267 = arith.andi %parallel_loop3A_264, %parallel_loop3A_266 : vector<16xi32>
      %parallel_loop3A_268 = arith.addi %parallel_loop3A_76, %parallel_loop3A_267 : vector<16xi32>
      %parallel_loop3A_269 = tpu.vector_load_idx %arg5[%parallel_loop3A_268] : memref<32000xf32, #tpu.memory_space<vmem>>[vector<16xi32>], vector<16xf32>,
      %parallel_loop3A_270 = arith.addi %parallel_loop3A_80, %parallel_loop3A_195 : vector<16xi32>
      tpu.vector_store_idx %arg8[%parallel_loop3A_270], %parallel_loop3A_197 : memref<32768xf32, #tpu.memory_space<vmem>>[vector<16xi32>], vector<16xf32>,
      %parallel_loop3A_271 = arith.constant 22 : i32
      %parallel_loop3A_272 = vector.broadcast %parallel_loop3A_271 : i32 to vector<16xi32>
      %parallel_loop3A_273 = arith.addi %iota3A, %parallel_loop3A_272 : vector<16xi32>
      %parallel_loop3A_274 = arith.constant 31 : i32
      %parallel_loop3A_275 = vector.broadcast %parallel_loop3A_274 : i32 to vector<16xi32>
      %parallel_loop3A_276 = arith.andi %parallel_loop3A_273, %parallel_loop3A_275 : vector<16xi32>
      %parallel_loop3A_277 = arith.addi %parallel_loop3A_76, %parallel_loop3A_276 : vector<16xi32>
      %parallel_loop3A_278 = tpu.vector_load_idx %arg5[%parallel_loop3A_277] : memref<32000xf32, #tpu.memory_space<vmem>>[vector<16xi32>], vector<16xf32>,
      %parallel_loop3A_279 = arith.addi %parallel_loop3A_80, %parallel_loop3A_204 : vector<16xi32>
      tpu.vector_store_idx %arg8[%parallel_loop3A_279], %parallel_loop3A_206 : memref<32768xf32, #tpu.memory_space<vmem>>[vector<16xi32>], vector<16xf32>,
      %parallel_loop3A_280 = arith.constant 23 : i32
      %parallel_loop3A_281 = vector.broadcast %parallel_loop3A_280 : i32 to vector<16xi32>
      %parallel_loop3A_282 = arith.addi %iota3A, %parallel_loop3A_281 : vector<16xi32>
      %parallel_loop3A_283 = arith.constant 31 : i32
      %parallel_loop3A_284 = vector.broadcast %parallel_loop3A_283 : i32 to vector<16xi32>
      %parallel_loop3A_285 = arith.andi %parallel_loop3A_282, %parallel_loop3A_284 : vector<16xi32>
      %parallel_loop3A_286 = arith.addi %parallel_loop3A_76, %parallel_loop3A_285 : vector<16xi32>
      %parallel_loop3A_287 = tpu.vector_load_idx %arg5[%parallel_loop3A_286] : memref<32000xf32, #tpu.memory_space<vmem>>[vector<16xi32>], vector<16xf32>,
      %parallel_loop3A_288 = arith.addi %parallel_loop3A_80, %parallel_loop3A_213 : vector<16xi32>
      tpu.vector_store_idx %arg8[%parallel_loop3A_288], %parallel_loop3A_215 : memref<32768xf32, #tpu.memory_space<vmem>>[vector<16xi32>], vector<16xf32>,
      %parallel_loop3A_289 = arith.constant 24 : i32
      %parallel_loop3A_290 = vector.broadcast %parallel_loop3A_289 : i32 to vector<16xi32>
      %parallel_loop3A_291 = arith.addi %iota3A, %parallel_loop3A_290 : vector<16xi32>
      %parallel_loop3A_292 = arith.constant 31 : i32
      %parallel_loop3A_293 = vector.broadcast %parallel_loop3A_292 : i32 to vector<16xi32>
      %parallel_loop3A_294 = arith.andi %parallel_loop3A_291, %parallel_loop3A_293 : vector<16xi32>
      %parallel_loop3A_295 = arith.addi %parallel_loop3A_76, %parallel_loop3A_294 : vector<16xi32>
      %parallel_loop3A_296 = tpu.vector_load_idx %arg5[%parallel_loop3A_295] : memref<32000xf32, #tpu.memory_space<vmem>>[vector<16xi32>], vector<16xf32>,
      %parallel_loop3A_297 = arith.addi %parallel_loop3A_80, %parallel_loop3A_222 : vector<16xi32>
      tpu.vector_store_idx %arg8[%parallel_loop3A_297], %parallel_loop3A_224 : memref<32768xf32, #tpu.memory_space<vmem>>[vector<16xi32>], vector<16xf32>,
      %parallel_loop3A_298 = arith.constant 25 : i32
      %parallel_loop3A_299 = vector.broadcast %parallel_loop3A_298 : i32 to vector<16xi32>
      %parallel_loop3A_300 = arith.addi %iota3A, %parallel_loop3A_299 : vector<16xi32>
      %parallel_loop3A_301 = arith.constant 31 : i32
      %parallel_loop3A_302 = vector.broadcast %parallel_loop3A_301 : i32 to vector<16xi32>
      %parallel_loop3A_303 = arith.andi %parallel_loop3A_300, %parallel_loop3A_302 : vector<16xi32>
      %parallel_loop3A_304 = arith.addi %parallel_loop3A_76, %parallel_loop3A_303 : vector<16xi32>
      %parallel_loop3A_305 = tpu.vector_load_idx %arg5[%parallel_loop3A_304] : memref<32000xf32, #tpu.memory_space<vmem>>[vector<16xi32>], vector<16xf32>,
      %parallel_loop3A_306 = arith.addi %parallel_loop3A_80, %parallel_loop3A_231 : vector<16xi32>
      tpu.vector_store_idx %arg8[%parallel_loop3A_306], %parallel_loop3A_233 : memref<32768xf32, #tpu.memory_space<vmem>>[vector<16xi32>], vector<16xf32>,
      %parallel_loop3A_307 = arith.constant 26 : i32
      %parallel_loop3A_308 = vector.broadcast %parallel_loop3A_307 : i32 to vector<16xi32>
      %parallel_loop3A_309 = arith.addi %iota3A, %parallel_loop3A_308 : vector<16xi32>
      %parallel_loop3A_310 = arith.constant 31 : i32
      %parallel_loop3A_311 = vector.broadcast %parallel_loop3A_310 : i32 to vector<16xi32>
      %parallel_loop3A_312 = arith.andi %parallel_loop3A_309, %parallel_loop3A_311 : vector<16xi32>
      %parallel_loop3A_313 = arith.addi %parallel_loop3A_76, %parallel_loop3A_312 : vector<16xi32>
      %parallel_loop3A_314 = tpu.vector_load_idx %arg5[%parallel_loop3A_313] : memref<32000xf32, #tpu.memory_space<vmem>>[vector<16xi32>], vector<16xf32>,
      %parallel_loop3A_315 = arith.addi %parallel_loop3A_80, %parallel_loop3A_240 : vector<16xi32>
      tpu.vector_store_idx %arg8[%parallel_loop3A_315], %parallel_loop3A_242 : memref<32768xf32, #tpu.memory_space<vmem>>[vector<16xi32>], vector<16xf32>,
      %parallel_loop3A_316 = arith.constant 27 : i32
      %parallel_loop3A_317 = vector.broadcast %parallel_loop3A_316 : i32 to vector<16xi32>
      %parallel_loop3A_318 = arith.addi %iota3A, %parallel_loop3A_317 : vector<16xi32>
      %parallel_loop3A_319 = arith.constant 31 : i32
      %parallel_loop3A_320 = vector.broadcast %parallel_loop3A_319 : i32 to vector<16xi32>
      %parallel_loop3A_321 = arith.andi %parallel_loop3A_318, %parallel_loop3A_320 : vector<16xi32>
      %parallel_loop3A_322 = arith.addi %parallel_loop3A_76, %parallel_loop3A_321 : vector<16xi32>
      %parallel_loop3A_323 = tpu.vector_load_idx %arg5[%parallel_loop3A_322] : memref<32000xf32, #tpu.memory_space<vmem>>[vector<16xi32>], vector<16xf32>,
      %parallel_loop3A_324 = arith.addi %parallel_loop3A_80, %parallel_loop3A_249 : vector<16xi32>
      tpu.vector_store_idx %arg8[%parallel_loop3A_324], %parallel_loop3A_251 : memref<32768xf32, #tpu.memory_space<vmem>>[vector<16xi32>], vector<16xf32>,
      %parallel_loop3A_325 = arith.constant 28 : i32
      %parallel_loop3A_326 = vector.broadcast %parallel_loop3A_325 : i32 to vector<16xi32>
      %parallel_loop3A_327 = arith.addi %iota3A, %parallel_loop3A_326 : vector<16xi32>
      %parallel_loop3A_328 = arith.constant 31 : i32
      %parallel_loop3A_329 = vector.broadcast %parallel_loop3A_328 : i32 to vector<16xi32>
      %parallel_loop3A_330 = arith.andi %parallel_loop3A_327, %parallel_loop3A_329 : vector<16xi32>
      %parallel_loop3A_331 = arith.addi %parallel_loop3A_76, %parallel_loop3A_330 : vector<16xi32>
      %parallel_loop3A_332 = tpu.vector_load_idx %arg5[%parallel_loop3A_331] : memref<32000xf32, #tpu.memory_space<vmem>>[vector<16xi32>], vector<16xf32>,
      %parallel_loop3A_333 = arith.addi %parallel_loop3A_80, %parallel_loop3A_258 : vector<16xi32>
      tpu.vector_store_idx %arg8[%parallel_loop3A_333], %parallel_loop3A_260 : memref<32768xf32, #tpu.memory_space<vmem>>[vector<16xi32>], vector<16xf32>,
      %parallel_loop3A_334 = arith.constant 29 : i32
      %parallel_loop3A_335 = vector.broadcast %parallel_loop3A_334 : i32 to vector<16xi32>
      %parallel_loop3A_336 = arith.addi %iota3A, %parallel_loop3A_335 : vector<16xi32>
      %parallel_loop3A_337 = arith.constant 31 : i32
      %parallel_loop3A_338 = vector.broadcast %parallel_loop3A_337 : i32 to vector<16xi32>
      %parallel_loop3A_339 = arith.andi %parallel_loop3A_336, %parallel_loop3A_338 : vector<16xi32>
      %parallel_loop3A_340 = arith.addi %parallel_loop3A_76, %parallel_loop3A_339 : vector<16xi32>
      %parallel_loop3A_341 = tpu.vector_load_idx %arg5[%parallel_loop3A_340] : memref<32000xf32, #tpu.memory_space<vmem>>[vector<16xi32>], vector<16xf32>,
      %parallel_loop3A_342 = arith.addi %parallel_loop3A_80, %parallel_loop3A_267 : vector<16xi32>
      tpu.vector_store_idx %arg8[%parallel_loop3A_342], %parallel_loop3A_269 : memref<32768xf32, #tpu.memory_space<vmem>>[vector<16xi32>], vector<16xf32>,
      %parallel_loop3A_343 = arith.constant 30 : i32
      %parallel_loop3A_344 = vector.broadcast %parallel_loop3A_343 : i32 to vector<16xi32>
      %parallel_loop3A_345 = arith.addi %iota3A, %parallel_loop3A_344 : vector<16xi32>
      %parallel_loop3A_346 = arith.constant 31 : i32
      %parallel_loop3A_347 = vector.broadcast %parallel_loop3A_346 : i32 to vector<16xi32>
      %parallel_loop3A_348 = arith.andi %parallel_loop3A_345, %parallel_loop3A_347 : vector<16xi32>
      %parallel_loop3A_349 = arith.addi %parallel_loop3A_76, %parallel_loop3A_348 : vector<16xi32>
      %parallel_loop3A_350 = tpu.vector_load_idx %arg5[%parallel_loop3A_349] : memref<32000xf32, #tpu.memory_space<vmem>>[vector<16xi32>], vector<16xf32>,
      %parallel_loop3A_351 = arith.addi %parallel_loop3A_80, %parallel_loop3A_276 : vector<16xi32>
      tpu.vector_store_idx %arg8[%parallel_loop3A_351], %parallel_loop3A_278 : memref<32768xf32, #tpu.memory_space<vmem>>[vector<16xi32>], vector<16xf32>,
      %parallel_loop3A_352 = arith.constant 31 : i32
      %parallel_loop3A_353 = vector.broadcast %parallel_loop3A_352 : i32 to vector<16xi32>
      %parallel_loop3A_354 = arith.addi %iota3A, %parallel_loop3A_353 : vector<16xi32>
      %parallel_loop3A_355 = arith.constant 31 : i32
      %parallel_loop3A_356 = vector.broadcast %parallel_loop3A_355 : i32 to vector<16xi32>
      %parallel_loop3A_357 = arith.andi %parallel_loop3A_354, %parallel_loop3A_356 : vector<16xi32>
      %parallel_loop3A_358 = arith.addi %parallel_loop3A_76, %parallel_loop3A_357 : vector<16xi32>
      %parallel_loop3A_359 = tpu.vector_load_idx %arg5[%parallel_loop3A_358] : memref<32000xf32, #tpu.memory_space<vmem>>[vector<16xi32>], vector<16xf32>,
      %parallel_loop3A_360 = arith.addi %parallel_loop3A_80, %parallel_loop3A_285 : vector<16xi32>
      tpu.vector_store_idx %arg8[%parallel_loop3A_360], %parallel_loop3A_287 : memref<32768xf32, #tpu.memory_space<vmem>>[vector<16xi32>], vector<16xf32>,
      %parallel_loop3A_361 = arith.addi %parallel_loop3A_80, %parallel_loop3A_294 : vector<16xi32>
      tpu.vector_store_idx %arg8[%parallel_loop3A_361], %parallel_loop3A_296 : memref<32768xf32, #tpu.memory_space<vmem>>[vector<16xi32>], vector<16xf32>,
      %parallel_loop3A_362 = arith.addi %parallel_loop3A_80, %parallel_loop3A_303 : vector<16xi32>
      tpu.vector_store_idx %arg8[%parallel_loop3A_362], %parallel_loop3A_305 : memref<32768xf32, #tpu.memory_space<vmem>>[vector<16xi32>], vector<16xf32>,
      %parallel_loop3A_363 = arith.addi %parallel_loop3A_80, %parallel_loop3A_312 : vector<16xi32>
      tpu.vector_store_idx %arg8[%parallel_loop3A_363], %parallel_loop3A_314 : memref<32768xf32, #tpu.memory_space<vmem>>[vector<16xi32>], vector<16xf32>,
      %parallel_loop3A_364 = arith.addi %parallel_loop3A_80, %parallel_loop3A_321 : vector<16xi32>
      tpu.vector_store_idx %arg8[%parallel_loop3A_364], %parallel_loop3A_323 : memref<32768xf32, #tpu.memory_space<vmem>>[vector<16xi32>], vector<16xf32>,
      %parallel_loop3A_365 = arith.addi %parallel_loop3A_80, %parallel_loop3A_330 : vector<16xi32>
      tpu.vector_store_idx %arg8[%parallel_loop3A_365], %parallel_loop3A_332 : memref<32768xf32, #tpu.memory_space<vmem>>[vector<16xi32>], vector<16xf32>,
      %parallel_loop3A_366 = arith.addi %parallel_loop3A_80, %parallel_loop3A_339 : vector<16xi32>
      tpu.vector_store_idx %arg8[%parallel_loop3A_366], %parallel_loop3A_341 : memref<32768xf32, #tpu.memory_space<vmem>>[vector<16xi32>], vector<16xf32>,
      %parallel_loop3A_367 = arith.addi %parallel_loop3A_80, %parallel_loop3A_348 : vector<16xi32>
      tpu.vector_store_idx %arg8[%parallel_loop3A_367], %parallel_loop3A_350 : memref<32768xf32, #tpu.memory_space<vmem>>[vector<16xi32>], vector<16xf32>,
      %parallel_loop3A_368 = arith.addi %parallel_loop3A_80, %parallel_loop3A_357 : vector<16xi32>
      tpu.vector_store_idx %arg8[%parallel_loop3A_368], %parallel_loop3A_359 : memref<32768xf32, #tpu.memory_space<vmem>>[vector<16xi32>], vector<16xf32>,
    } {sc.loop_unroll_factor = 1 : i64, sc.parallel_access}
    %add3A_50 = arith.constant 126976 : i32
    %add3A_51 = arith.addi %mul3A_2, %add3A_50 : i32
    %mul3A_52 = arith.constant 32 : i32
    %mul3A_53 = arith.muli %add3A_51, %mul3A_52 : i32
    %dma_start3A_54 = tpu.memref_slice %arg4[%mul3A_53] : memref<131072000xf32, #tpu.memory_space<hbm>> -> memref<32768xf32, #tpu.memory_space<hbm>>
    %dma_start3A_55 = tpu.memref_slice %arg4[%mul3A_53] : memref<131072000xf32, #tpu.memory_space<hbm>> -> memref<32768xf32, #tpu.memory_space<hbm>>
    tpu.enqueue_dma source(%arg8 : memref<32768xf32, #tpu.memory_space<vmem>>) target(%dma_start3A_55 : memref<32768xf32, #tpu.memory_space<hbm>>) target_semaphore(%arg13 : memref<!tpu.dma_semaphore, #tpu.memory_space<semaphore_mem>>)
    %dma_wait3A_56 = arith.constant 0 : i32
    %dma_wait3A_57 = tpu.memref_slice %arg4[%dma_wait3A_56] : memref<131072000xf32, #tpu.memory_space<hbm>> -> memref<32768xf32, #tpu.memory_space<hbm>>
    %dma_wait3A_58 = arith.constant 0 : i32
    %dma_wait3A_59 = tpu.memref_slice %arg4[%dma_wait3A_58] : memref<131072000xf32, #tpu.memory_space<hbm>> -> memref<32768xf32, #tpu.memory_space<hbm>>
    tpu.wait_dma2 semaphore(%arg13 : memref<!tpu.dma_semaphore, #tpu.memory_space<semaphore_mem>>) src(%arg8 : memref<32768xf32, #tpu.memory_space<vmem>>) dst(%dma_wait3A_59 : memref<32768xf32, #tpu.memory_space<hbm>>)
    %dma_wait3A_60 = arith.constant 0 : i32
    %dma_wait3A_61 = tpu.memref_slice %arg4[%dma_wait3A_60] : memref<131072000xf32, #tpu.memory_space<hbm>> -> memref<32768xf32, #tpu.memory_space<hbm>>
    %dma_wait3A_62 = arith.constant 0 : i32
    %dma_wait3A_63 = tpu.memref_slice %arg4[%dma_wait3A_62] : memref<131072000xf32, #tpu.memory_space<hbm>> -> memref<32768xf32, #tpu.memory_space<hbm>>
    tpu.wait_dma2 semaphore(%arg14 : memref<!tpu.dma_semaphore, #tpu.memory_space<semaphore_mem>>) src(%arg9 : memref<32768xf32, #tpu.memory_space<vmem>>) dst(%dma_wait3A_63 : memref<32768xf32, #tpu.memory_space<hbm>>)
    return
  }
}

</mosaic_0001>

<sc_bundles>
// kernel: kernel.3.cloned.1.call-start
scs
__scs_entry_jumppad:
0x0: {  	(pc) =	sbr.rel $0x88, $3  }
0x1: {  	(tag) =	ssettag $0x0;
	lr =	simm.s32 $0x1  }
0x2: {  	[smem:$0x3F9F] =	sst lr;
	_ =	strace $0xD0000000  }
0x3: {  	_ = 	snop  }
0x4: {  	_ = 	snop  }
0x5: {  	_ = 	snop  }
0x6: {  	_ = 	snop  }
0x7: {  	_ = 	snop  }
__scs_overlays_trampoline_lowered:
0x8: {  	[smem:$0x3FAE] =	sst s0  }
0x9: {  	[smem:$0x3FAF] =	sst s1  }
0xa: {  	[smem:$0x3FB0] =	sst s2  }
0xb: {  	[smem:$0x3FB1] =	sst s3  }
0xc: {  	[smem:$0x3FB2] =	sst s4  }
0xd: {  	[smem:$0x3FB3] =	sst s5  }
0xe: {  	[smem:$0x3FB4] =	sst s6  }
0xf: {  	[smem:$0x3FB5] =	sst s7  }
0x10: {  	[smem:$0x3FB6] =	sst s8  }
0x11: {  	[smem:$0x3FB7] =	sst s9;
	s0 =	simm.s32 @!p0 $0x0  }
0x12: {  	s1 =	sld [smem:$0x3F9D];
	s0 =	simm.s32 @p0 $0x1  }
0x13: {  	[smem:$0x3FB8] =	sst s0;
	s0 =	simm.s32 @!p1 $0x0  }
0x14: {  	s2 =	sld [smem:$0x3F9C];
	s0 =	simm.s32 @p1 $0x1  }
0x15: {  	[smem:$0x3FB9] =	sst s0;
	s0 =	simm.s32 @!p2 $0x0  }
0x16: {  	s3 =	sld [smem:$0x3FDB];
	s0 =	simm.s32 @p2 $0x1  }
0x17: {  	s4 =	simm.s32 $0x1BF5;
	[smem:$0x3FBB] =	sst s0  }
0x18: {  	s0 =	sld [smem:$0x3F9E];
	_ =	swait.ge [sflag:s4], $0x0  }
0x19: {  	s7 =	sld [smem:$0x3F9F]  }
0x1a: {  	s8 =	sadd.s32 $0xFFFFE003, lr  }
0x1b: {  	s9 =	sadd.s32 $0xFFFFFEF7, lr;
	s5 =	simm.s32 $0xFFFFFFFF;
	p2 =	slt.u32 s8, $0xFFFFF086  }
0x1c: {  	p1 =	slt.u32 s9, $0xF7A;
	s5 =	simm.s32 @!p2 $0x0  }
0x1d: {  	s5 =	simm.s32 @p1 $0x1;
	p0 =	seq.s32 s7, s2  }
0x1e: {  	s7 =	smul.u32 @!p0 $0xF7A, s2;
	p2 =	seq.s32 @!p0 s5, $0x0  }
0x1f: {  	s9 =	smul.u32 $0xF7A, s1;
	s8 =	simm.s32 @!p0 $0x1BF5;
	p2 =	por !p2, p0  }
0x20: {  	[sflag:s8] =	ssyncset.s32 @!p0 $0xFFFFF086;
	s6 =	sadd.s32 @!p0 s3, s7;
	s7 =	simm.s32 @!p0 $0x108  }
0x21: {  	s3 =	sadd.s32 s3, s9;
	s6 =	sadd.s32 @!p0 $0x88, s6;
	s7 =	simm.s32 @p2 $0x1082  }
0x22: {  	[simem:s7], [sflag:s8] =	dma.local @!p0 [hbm:s6], $0xF7A  }
0x23: {  	s9 =	sor.u32 $0xD0000000, s2;
	s6 =	simm.s32 $0x108;
	_ =	swait.ge @!p0 [sflag:s8], $0x0  }
0x24: {  	s3 =	sadd.s32 $0x88, s3;
	s6 =	simm.s32 @!p1 $0x1082;
	[sflag:s4] =	ssyncset.s32 $0xFFFFF086  }
0x25: {  	[simem:s6], [sflag:s4] =	dma.local [hbm:s3], $0xF7A  }
0x26: {  	[smem:$0x3F9F] =	sst s1;
	(tag) =	ssettag s2;
	_ =	strace s9  }
0x27: {  	s1 =	sld [smem:$0x3FAF]  }
0x28: {  	s2 =	sld [smem:$0x3FB0]  }
0x29: {  	s4 =	sld [smem:$0x3FB2]  }
0x2a: {  	p0 =	seq.s32 s5, $0x0;
	s5 =	sld [smem:$0x3FB3]  }
0x2b: {  	s6 =	sld [smem:$0x3FB4]  }
0x2c: {  	s7 =	sld [smem:$0x3FB5]  }
0x2d: {  	s3 =	simm.s32 $0x108;
	s8 =	sld [smem:$0x3FB6]  }
0x2e: {  	s3 =	simm.s32 @!p0 $0x1082;
	s9 =	sld [smem:$0x3FB7]  }
0x2f: {  	lr =	sadd.s32 s0, s3;
	s0 =	sld [smem:$0x3FAE]  }
0x30: {  	s3 =	sld [smem:$0x3FB1]  }
0x31: {  	[smem:$0x3FBA] =	sst s10  }
0x32: {  	s10 =	sld [smem:$0x3FB8];
	_ =	sdelay $0x3  }
0x33: {  	p0 =	seq.s32 s10, $0x1;
	s10 =	sld [smem:$0x3FBA];
	_ =	sdelay $0x3  }
0x34: {  	[smem:$0x3FBA] =	sst s10  }
0x35: {  	s10 =	sld [smem:$0x3FB9];
	_ =	sdelay $0x3  }
0x36: {  	p1 =	seq.s32 s10, $0x1;
	s10 =	sld [smem:$0x3FBA];
	_ =	sdelay $0x3  }
0x37: {  	[smem:$0x3FBA] =	sst s10  }
0x38: {  	s10 =	sld [smem:$0x3FBB]  }
0x39: {  	_ = 	snop;
	(pc) =	sbr.ind lr, $3  }
0x3a: {  	_ = 	snop  }
0x3b: {  	_ = 	snop  }
0x3c: {  	p2 =	seq.s32 s10, $0x1;
	s10 =	sld [smem:$0x3FBA]  }
0x3d: {  	_ =	shalt  }
0x3e: {  	_ =	shalt  }
0x3f: {  	_ =	shalt  }
0x40: {  	_ =	shalt  }
0x41: {  	_ =	shalt  }
0x42: {  	_ =	shalt  }
0x43: {  	_ =	shalt  }
0x44: {  	_ =	shalt  }
0x45: {  	_ =	shalt  }
0x46: {  	_ =	shalt  }
0x47: {  	_ =	shalt  }
0x48: {  	_ =	shalt  }
0x49: {  	_ =	shalt  }
0x4a: {  	_ =	shalt  }
0x4b: {  	_ =	shalt  }
0x4c: {  	_ =	shalt  }
0x4d: {  	_ =	shalt  }
0x4e: {  	_ =	shalt  }
0x4f: {  	_ =	shalt  }
0x50: {  	_ =	shalt  }
0x51: {  	_ =	shalt  }
0x52: {  	_ =	shalt  }
0x53: {  	_ =	shalt  }
0x54: {  	_ =	shalt  }
0x55: {  	_ =	shalt  }
0x56: {  	_ =	shalt  }
0x57: {  	_ =	shalt  }
0x58: {  	_ =	shalt  }
0x59: {  	_ =	shalt  }
0x5a: {  	_ =	shalt  }
0x5b: {  	_ =	shalt  }
0x5c: {  	_ =	shalt  }
0x5d: {  	_ =	shalt  }
0x5e: {  	_ =	shalt  }
0x5f: {  	_ =	shalt  }
0x60: {  	_ =	shalt  }
0x61: {  	_ =	shalt  }
0x62: {  	_ =	shalt  }
0x63: {  	_ =	shalt  }
0x64: {  	_ =	shalt  }
0x65: {  	_ =	shalt  }
0x66: {  	_ =	shalt  }
0x67: {  	_ =	shalt  }
0x68: {  	_ =	shalt  }
0x69: {  	_ =	shalt  }
0x6a: {  	_ =	shalt  }
0x6b: {  	_ =	shalt  }
0x6c: {  	_ =	shalt  }
0x6d: {  	_ =	shalt  }
0x6e: {  	_ =	shalt  }
0x6f: {  	_ =	shalt  }
0x70: {  	_ =	shalt  }
0x71: {  	_ =	shalt  }
0x72: {  	_ =	shalt  }
0x73: {  	_ =	shalt  }
0x74: {  	_ =	shalt  }
0x75: {  	_ =	shalt  }
0x76: {  	_ =	shalt  }
0x77: {  	_ =	shalt  }
0x78: {  	_ =	shalt  }
0x79: {  	_ =	shalt  }
0x7a: {  	_ =	shalt  }
0x7b: {  	_ =	shalt  }
0x7c: {  	_ =	shalt  }
0x7d: {  	_ =	shalt  }
0x7e: {  	_ =	shalt  }
0x7f: {  	_ =	shalt  }
0x80: {  	_ =	shalt  }
0x81: {  	_ =	shalt  }
0x82: {  	_ =	shalt  }
0x83: {  	_ =	shalt  }
0x84: {  	_ =	shalt  }
0x85: {  	_ =	shalt  }
0x86: {  	_ =	shalt  }
0x87: {  	_ =	shalt  }
.Lfunc_end0:
.L_simem_size_0:
called_computation.1_lowered:
.L_overlay_start_0:
0x88: {  	s2 =	sld [smem:$0x3FD9]  }
0x89: {  	s3 =	sld [smem:$0x3FFE];
	_ =	sdelay $0x1  }
0x8a: {  	s1 =	srdreg.scid  }
0x8b: {  	s0 =	sand.u32 $0x1, s1  }
0x8c: {  	s17 =	sshll.u32 s0, $0xA;
	s2 =	sadd.s32 s3, s2  }
0x8d: {  	s2 =	sadd.s32 s2, s17  }
0x8e: {  	[smem:$0x3FC6] =	sst s2  }
0x8f: {  	_ = 	snop  }
0x90: {  	s2 =	sld [smem:$0x3FD0];
	(tm) =	ssettm $0x1  }
0x91: {  	s18 =	sld [smem:$0x3FFB];
	_ =	sdelay $0x3  }
0x92: {  	_ =	strace s18  }
0x93: {  	s3 =	sld [smem:$0x3FFC];
	_ =	sdelay $0x3  }
0x94: {  	_ =	strace s3  }
0x95: {  	s3 =	sld [smem:$0x3FFD];
	_ =	sdelay $0x3  }
0x96: {  	_ =	strace s3  }
0x97: {  	_ =	strace $0x8FFFFFFF  }
0x98: {  	s19 =	sld [smem:$0x3FDB];
	_ =	sdelay $0x1  }
0x99: {  	s4 =	simm.s32 $_scs_section_size  }
0x9a: {  	s5 =	simm.s32 $_size__tile_overlayer_lowered;
	s6 =	simm.s32 $_tile_overlayer_lowered  }
0x9b: {  	s22 =	simm.s32 $0x1BFF;
	s21 =	sshll.u32 s6, $0x1;
	s3 =	sadd.s32 s4, s19  }
0x9c: {  	s7 =	simm.s32 $0x0;
	s20 =	sshll.u32 s5, $0x1;
	s5 =	sadd.s32 s21, s3  }
0x9d: {  	[timem:s7], [sflag:s22] =	dma.local [hbm:s5], s20  }
0x9e: {  	_ =	swait.ge [sflag:s22], s20  }
0x9f: {  	s4 =	ssub.s32 $0x0, s20;
	[sflag:s22] =	ssyncset.done $0x0  }
0xa0: {  	[sflag:s22] =	ssyncadd.s32 s4;
	_ =	sdelay $0x1  }
0xa1: {  	s23 =	simm.s32 $0x1B8B  }
0xa2: {  	_ =	swait.ge [sflag:s23], $0x1  }
0xa3: {  	[sflag:s23] =	ssyncset.done $0x0  }
0xa4: {  	s25 =	simm.s32 $0x1B8E;
	s24 =	sld [smem:$0x3FFE];
	[sflag:s23] =	ssyncadd.s32 $0xFFFFFFFF  }
0xa5: {  	s26 =	simm.s32 $execute0_lowered;
	[smem:$0x3FD2] =	sst s25  }
0xa6: {  	s5 =	sshll.u32 s26, $0x1;
	_ =	strace $0x80000046;
	[dreg:$0x1] =	wrdreg $0xFFFFFFFF  }
0xa7: {  	s28 =	simm.s32 $_size_execute0_lowered;
	s3 =	sadd.s32 s3, s5;
	[dreg:$0x0] =	wrdreg $0x0  }
0xa8: {  	s5 =	sshll.u32 s28, $0x1;
	[dreg:$0x2] =	wrdreg s3  }
0xa9: {  	[dreg:$0x3] =	wrdreg s5  }
0xaa: {  	[dreg:$0x4] =	wrdreg $0xC0  }
0xab: {  	_ =	task [dreg:s7], $0x5FFFF  }
0xac: {  	[dreg:$0x1] =	wrdreg $0xFFFFFFFF  }
0xad: {  	[dreg:$0x0] =	wrdreg $0x60  }
0xae: {  	[dreg:$0x2] =	wrdreg s24  }
0xaf: {  	[dreg:$0x3] =	wrdreg s2  }
0xb0: {  	[dreg:$0x4] =	wrdreg $0x9  }
0xb1: {  	_ =	task.clear_ibuf [dreg:s7], $0x5FFFF;
	_ =	strace $0x90000046  }
0xb2: {  	s29 =	simm.s32 $0x9;
	_ =	strace $0x80000048  }
0xb3: {  	_ =	swait.ge [sflag:s29], $0x1  }
0xb4: {  	[sflag:s29] =	ssyncadd.s32 $0xFFFFFFFF  }
0xb5: {  	_ =	strace $0x90000048  }
0xb6: {  	_ =	sfence  }
0xb7: {  	s30 =	sld [smem:$0x0];
	_ =	sdelay $0x2  }
0xb8: {  	s31 =	sshll.u32 s1, $0xD;
	s1 =	sshrl.u32 s1, $0x2  }
0xb9: {  	s3 =	sand.u32 $0x4000, s31;
	s1 =	sadd.s32 s1, s30  }
0xba: {  	s0 =	sor.u32 s3, s0;
	s1 =	sshll.u32 s1, $0x11  }
0xbb: {  	s0 =	sor.u32 s1, s0  }
0xbc: {  	s0 =	sadd.s32 $0x8F2B, s0  }
0xbd: {  	[sflag:s0] =	ssyncadd.remote.s32 $0x1  }
0xbe: {  	_ =	sfence.sel $0xFFFF  }
0xbf: {  	[dreg:$0x0] =	wrdreg $0xFFFFFFFF;
	(pc) =	sbr.abs _section_cstart, $3  }
0xc0: {  	[dreg:$0x1] =	wrdreg $0xFFFFFFFF  }
0xc1: {  	_ =	task.clear_ibuf [dreg:s7], $0x2FFFF;
	_ =	strace $0x9FFFFFFF  }
0xc2: {  	(tm) =	ssettm $0x7FFFFFFF  }
0xc3: {  	_ =	shalt  }
tec
execute0_lowered:
.L_overlay_start_1:
0x0: {  	(tag) =	ssettag $0x1  }
0x1: {  	v22 =	vlaneseq.u32;
	v1 =	vimm.s32 $0x18171615  }
0x2: {  	vm0 =	vcmask $0x1F10;
	v2 =	vimm.s32 $0x1C1B1A19;
	v3 =	vimm.s32 $0x1F1E1D  }
0x3: {  	v4 =	vimm.s32 $0x15141312;
	v7 =	vimm.s32 $0x1001F1E;
	v10 =	vimm.s32 $0x1A191817  }
0x4: {  	v12 =	vimm.s32 $0x3020100;
	v13 =	vimm.s32 $0x1F1E1D1C;
	v14 =	vimm.s32 $0x17161514  }
0x5: {  	v17 =	vimm.s32 $0x1B1A1918;
	vm1 =	vcmask $0xF00;
	vm2 =	vcmask $0x2F10  }
0x6: {  	vm3 =	vcmask $0x3F30;
	vm5 =	vcmask $0x2320;
	vm6 =	vcmask $0x2724  }
0x7: {  	vm4 =	vcmask $0x2B28;
	vm12 =	vcmask $0x2F2C;
	vm13 =	vcmask $0x3330  }
0x8: {  	vm14 =	vcmask $0x3734;
	vm15 =	vcmask $0x3B38;
	v15 =	vmul.u32 $0x21, v22  }
0x9: {  	v23 =	vadd.s32 $0x1, v22;
	v20 =	vadd.s32 $0x6, v22;
	v21 =	vadd.s32 $0x7, v22  }
0xa: {  	v36 =	vadd.s32 $0x8, v22;
	v35 =	vadd.s32 $0x9, v22;
	v0 =	vadd.s32 $0x1, v15  }
0xb: {  	v46 =	vadd.s32 $0xF, v22;
	v1 =	vunpack.c.0.s8.s32 v1;
	[tilespmem:$0x1FC50] =	vst v0;
	v0 =	vadd.s32 $0xA, v22  }
0xc: {  	v31 =	vor.u32 $0x10, v22;
	v2 =	vunpack.c.0.s8.s32 v2;
	[tilespmem:$0x1FC60] =	vst v0;
	v0 =	vadd.s32 $0x2, v15  }
0xd: {  	v38 =	vunpack.c.0.s8.s32 v3;
	v4 =	vunpack.c.0.s8.s32 v4;
	[tilespmem:$0x1FC70] =	vst v0;
	v0 =	vadd.s32 $0xB, v22  }
0xe: {  	v3 =	vimm.s32 $0x19181716;
	v10 =	vunpack.c.0.s8.s32 v10;
	[tilespmem:$0x1FC80] =	vst v0;
	v0 =	vadd.s32 $0x3, v15  }
0xf: {  	v12 =	vunpack.c.0.s8.s32 v12;
	v13 =	vunpack.c.0.s8.s32 v13;
	[tilespmem:$0x1FC90] =	vst v0;
	v0 =	vadd.s32 $0xC, v22  }
0x10: {  	v14 =	vunpack.c.0.s8.s32 v14;
	v28 =	vunpack.c.0.s8.s32 v17;
	[tilespmem:$0x1FCA0] =	vst v0;
	v0 =	vadd.s32 $0x4, v15  }
0x11: {  	v17 =	vimm.s32 $0x5040302;
	v5 =	vunpack.c.0.s8.s32 v3;
	[tilespmem:$0x1FCB0] =	vst v0;
	v0 =	vadd.s32 $0xD, v22  }
0x12: {  	v3 =	vimm.s32 $0x1D1C1B1A;
	v18 =	vadd.s32 $0x6, v15;
	[tilespmem:$0x1FCC0] =	vst v0;
	v0 =	vadd.s32 $0x5, v15  }
0x13: {  	v30 =	vadd.s32 $0x7, v15;
	v33 =	vadd.s32 $0x8, v15;
	[tilespmem:$0x1FCD0] =	vst v0;
	v0 =	vadd.s32 $0xE, v22  }
0x14: {  	v8 =	vsel vm0, v38, v2;
	v9 =	vunpack.c.0.s8.s32 v3;
	[tilespmem:$0x1FCE0] =	vst v0;
	v0 =	vimm.s32 $0x14131211  }
0x15: {  	v3 =	vunpack.c.0.s8.s32 v7;
	v7 =	vimm.s32 $0x16151413;
	v0 =	vunpack.c.0.s8.s32 v0  }
0x16: {  	v6 =	vadd.s32 $0x9, v15;
	v58 =	vadd.s32 $0xA, v15;
	v4 =	vsel vm0, v5, v4  }
0x17: {  	v7 =	vunpack.c.0.s8.s32 v7;
	v11 =	vsel vm0, v3, v9;
	v0 =	vsel vm0, v1, v0  }
0x18: {  	v34 =	vcombine.low v4, v11;
	v4 =	vimm.s32 $0x1E1D1C1B;
	v19 =	vcombine.low v0, v8  }
0x19: {  	v0 =	vsel vm0, v10, v7;
	v7 =	vunpack.c.0.s8.s32 v4;
	v4 =	vimm.s32 $0x201001F  }
0x1a: {  	v14 =	vsel vm0, v28, v14;
	v59 =	vadd.s32 $0xB, v15;
	v4 =	vunpack.c.0.s8.s32 v4  }
0x1b: {  	v53 =	vadd.s32 $0xD, v15;
	v61 =	vadd.s32 $0xE, v15;
	v1 =	vsel vm0, v2, v1  }
0x1c: {  	v2 =	vsel vm0, v9, v5;
	v9 =	vimm.s32 $0x98765432;
	v16 =	vsel vm0, v4, v7  }
0x1d: {  	v50 =	vcombine.low v0, v16;
	v0 =	vsel vm0, v12, v13;
	v12 =	vimm.s32 $0x4030201  }
0x1e: {  	v12 =	vunpack.c.0.s8.s32 v12;
	v51 =	vcombine.low v14, v0;
	v0 =	vunpack.c.0.s8.s32 v17  }
0x1f: {  	v41 =	vadd.s32 $0xF, v15;
	v5 =	vimm.s32 $0x87654321;
	v9 =	vunpack.c.l.s4.s8 v9  }
0x20: {  	v17 =	vadd.s32 $0xC, v15;
	v12 =	vsel vm0, v12, v38;
	v0 =	vsel vm0, v0, v3  }
0x21: {  	v60 =	vcombine.low v1, v12;
	v1 =	vimm.s32 $0x6050403;
	v52 =	vcombine.low v2, v0  }
0x22: {  	v0 =	vunpack.c.l.s4.s8 v5;
	v2 =	vsel vm0, v7, v10;
	v5 =	vimm.s32 $0x76543210  }
0x23: {  	v10 =	vimm.s32 $0xB0A0908;
	v1 =	vunpack.c.0.s8.s32 v1;
	v5 =	vunpack.c.l.s4.s8 v5  }
0x24: {  	v14 =	vimm.s32 $0x605F3E1D;
	v7 =	vimm.s32 $0x74533211;
	v10 =	vunpack.c.0.s8.s32 v10  }
0x25: {  	v0 =	vunpack.c.0.s8.s32 v0;
	v1 =	vsel vm0, v1, v4;
	v5 =	vunpack.c.0.s8.s32 v5  }
0x26: {  	v62 =	vcombine.low v2, v1;
	v1 =	vunpack.c.0.s8.s32 v7;
	v7 =	vimm.s32 $0xF8D7B695  }
0x27: {  	v2 =	vsel vm0, v13, v28;
	v0 =	vand.u32 $0xF, v0;
	v7 =	vunpack.c.0.s8.s32 v7  }
0x28: {  	v63 =	vcombine.low v2, v5;
	v37 =	vcombine.low v8, v0;
	v2 =	vunpack.c.0.s8.s32 v9  }
0x29: {  	v5 =	vimm.s32 $0x75543312;
	v8 =	vimm.s32 $0x32107654;
	v9 =	vimm.s32 $0xFAD9B897  }
0x2a: {  	v1 =	vand.u32 $0xFF, v1;
	v8 =	vunpack.c.l.s4.s8 v8;
	v9 =	vunpack.c.0.s8.s32 v9  }
0x2b: {  	v0 =	vnsel vm1, $0x1E0, v1;
	v1 =	vand.u32 $0xFF, v7;
	v2 =	vand.u32 $0xF, v2  }
0x2c: {  	v7 =	vimm.s32 $0xF9D8B796;
	v0 =	vsel vm0, v1, v0;
	v1 =	vunpack.c.0.s8.s32 v5  }
0x2d: {  	v5 =	vimm.s32 $0xA9876543;
	v57 =	vcombine.low v11, v2;
	v2 =	vunpack.c.0.s8.s32 v7  }
0x2e: {  	v7 =	vimm.s32 $0x76553413;
	v8 =	vunpack.c.0.s8.s32 v8;
	v11 =	vimm.s32 $0x54329876  }
0x2f: {  	v5 =	vunpack.c.l.s4.s8 v5;
	v7 =	vunpack.c.0.s8.s32 v7;
	v11 =	vunpack.c.l.s4.s8 v11  }
0x30: {  	v0 =	vsel vm5, $0x119, v0;
	v1 =	vand.u32 $0xFF, v1;
	v2 =	vand.u32 $0xFF, v2  }
0x31: {  	v0 =	vsel vm6, $0x13A, v0;
	v5 =	vunpack.c.0.s8.s32 v5;
	v1 =	vnsel vm1, $0x1E1, v1  }
0x32: {  	v7 =	vand.u32 $0xFF, v7;
	v0 =	vsel vm4, $0x15B, v0;
	v1 =	vsel vm0, v2, v1  }
0x33: {  	v2 =	vnsel vm1, $0x1E2, v7;
	v7 =	vand.u32 $0xF, v8;
	v8 =	vimm.s32 $0xFBDAB998  }
0x34: {  	v0 =	vsel vm12, $0x17C, v0;
	v5 =	vand.u32 $0xF, v5;
	v8 =	vunpack.c.0.s8.s32 v8  }
0x35: {  	v1 =	vsel vm5, $0x11A, v1;
	v0 =	vsel vm13, $0x19D, v0;
	v32 =	vcombine.low v16, v5  }
0x36: {  	v5 =	vand.u32 $0xFF, v9;
	v9 =	vimm.s32 $0x43218765;
	v16 =	vimm.s32 $0x61403F1E  }
0x37: {  	v1 =	vsel vm6, $0x13B, v1;
	v0 =	vsel vm14, $0x1BE, v0;
	v5 =	vsel vm0, v5, v2  }
0x38: {  	v2 =	vsel vm2, v7, v13;
	v7 =	vimm.s32 $0x77563514;
	v9 =	vunpack.c.l.s4.s8 v9  }
0x39: {  	v8 =	vand.u32 $0xFF, v8;
	v13 =	vimm.s32 $0x7F5E3D1C;
	v16 =	vunpack.c.0.s8.s32 v16  }
0x3a: {  	v1 =	vsel vm4, $0x15C, v1;
	v49 =	vsel vm15, $0x1DF, v0;
	v7 =	vunpack.c.0.s8.s32 v7  }
0x3b: {  	v29 =	vsel vm3, v10, v2;
	v10 =	vimm.s32 $0xC0B0A09;
	v5 =	vsel vm5, $0x11B, v5  }
0x3c: {  	v1 =	vsel vm12, $0x17D, v1;
	v9 =	vunpack.c.0.s8.s32 v9;
	v10 =	vunpack.c.0.s8.s32 v10  }
0x3d: {  	v16 =	vand.u32 $0xFF, v16;
	v5 =	vsel vm6, $0x13C, v5;
	v1 =	vsel vm13, $0x19E, v1  }
0x3e: {  	v7 =	vand.u32 $0xFF, v7;
	v5 =	vsel vm4, $0x15D, v5;
	v1 =	vsel vm14, $0x1BF, v1  }
0x3f: {  	v7 =	vnsel vm1, $0x1E3, v7;
	v5 =	vsel vm12, $0x17E, v5;
	v42 =	vsel vm15, $0x1C0, v1  }
0x40: {  	v2 =	vsel vm0, v8, v7;
	v7 =	vimm.s32 $0x78573615;
	v8 =	vand.u32 $0xF, v9  }
0x41: {  	v9 =	vimm.s32 $0xFCDBBA99;
	v5 =	vsel vm13, $0x19F, v5;
	v7 =	vunpack.c.0.s8.s32 v7  }
0x42: {  	v9 =	vunpack.c.0.s8.s32 v9;
	v12 =	vsel vm2, v8, v38;
	v5 =	vsel vm14, $0x1A0, v5  }
0x43: {  	v0 =	vsel vm5, $0x11C, v2;
	v39 =	vsel vm3, v10, v12;
	v10 =	vimm.s32 $0x6543A987  }
0x44: {  	v0 =	vsel vm6, $0x13D, v0;
	v7 =	vand.u32 $0xFF, v7;
	v8 =	vand.u32 $0xFF, v9  }
0x45: {  	v9 =	vimm.s32 $0x79583716;
	v10 =	vunpack.c.l.s4.s8 v10;
	v0 =	vsel vm4, $0x15E, v0  }
0x46: {  	v7 =	vnsel vm1, $0x1E4, v7;
	v9 =	vunpack.c.0.s8.s32 v9;
	v0 =	vsel vm12, $0x17F, v0  }
0x47: {  	v47 =	vsel vm0, v8, v7;
	v7 =	vunpack.c.0.s8.s32 v11;
	v8 =	vimm.s32 $0xD0C0B0A  }
0x48: {  	v11 =	vimm.s32 $0xFDDCBB9A;
	v0 =	vsel vm13, $0x180, v0;
	v8 =	vunpack.c.0.s8.s32 v8  }
0x49: {  	v11 =	vunpack.c.0.s8.s32 v11;
	v1 =	vsel vm5, $0x11D, v47;
	v0 =	vsel vm14, $0x1A1, v0  }
0x4a: {  	v7 =	vand.u32 $0xF, v7;
	v1 =	vsel vm6, $0x13E, v1;
	v48 =	vsel vm15, $0x1C2, v0  }
0x4b: {  	v3 =	vsel vm2, v7, v3;
	v7 =	vand.u32 $0xFF, v9;
	v9 =	vunpack.c.0.s8.s32 v10  }
0x4c: {  	v10 =	vimm.s32 $0xFEDDBC9B;
	v1 =	vsel vm4, $0x15F, v1;
	v43 =	vsel vm3, v8, v3  }
0x4d: {  	s6 =	rddreg [dreg:$0x0];
	v3 =	vnsel vm1, $0x1E5, v7;
	v7 =	vand.u32 $0xFF, v11;
	v8 =	vimm.s32 $0x7A593817  }
0x4e: {  	s2 =	rddreg [dreg:$0x1];
	s3 =	simm.s32 $0x0;
	v10 =	vunpack.c.0.s8.s32 v10;
	v11 =	vimm.s32 $0x7B5A3918;
	v1 =	vsel vm12, $0x160, v1  }
0x4f: {  	s1 =	srdreg.scid;
	[smem:$0x7FF] =	sst s3;
	v3 =	vsel vm0, v7, v3;
	v7 =	vand.u32 $0xF, v9;
	v9 =	vimm.s32 $0xE0D0C0B  }
0x50: {  	s5 =	sand.u32 $0x1, s1;
	s1 =	rddreg [dreg:$0x2];
	_ =	strace $0x80000047;
	[tilespmem:$0x1FCF0] =	vst v15;
	v8 =	vunpack.c.0.s8.s32 v8;
	v1 =	vsel vm13, $0x181, v1;
	v9 =	vunpack.c.0.s8.s32 v9  }
0x51: {  	[tilespmem:$0x1FD00] =	vst v36;
	v4 =	vsel vm2, v7, v4;
	v2 =	vsel vm5, $0x11E, v3;
	v1 =	vsel vm14, $0x1A2, v1  }
0x52: {  	[tilespmem:$0x1FD10] =	vst v35;
	v7 =	vand.u32 $0xFF, v8;
	v8 =	vunpack.c.0.s8.s32 v11;
	v11 =	vimm.s32 $0xE0DFBE9D  }
0x53: {  	[tilespmem:$0x1FD20] =	vst v18;
	v2 =	vsel vm6, $0x13F, v2;
	v47 =	vsel vm15, $0x1C3, v1;
	v4 =	vsel vm3, v9, v4  }
0x54: {  	[tilespmem:$0x1FD30] =	vst v46;
	v12 =	vnsel vm1, $0x1E6, v7;
	v7 =	vand.u32 $0xFF, v10;
	v9 =	vimm.s32 $0xFFDEBD9C  }
0x55: {  	[tilespmem:$0x1FD40] =	vst v30;
	v10 =	vimm.s32 $0x7C5B3A19;
	v2 =	vsel vm4, $0x140, v2;
	v8 =	vand.u32 $0xFF, v8  }
0x56: {  	[tilespmem:$0x1FD50] =	vst v31;
	v9 =	vunpack.c.0.s8.s32 v9;
	v10 =	vunpack.c.0.s8.s32 v10;
	v40 =	vsel vm0, v7, v12  }
0x57: {  	[tilespmem:$0x1FD60] =	vst v33;
	v12 =	vimm.s32 $0xE2C1A09F;
	v2 =	vsel vm12, $0x161, v2;
	v7 =	vnsel vm1, $0x1E7, v8  }
0x58: {  	[tilespmem:$0x1FD80] =	vst v6;
	v8 =	vunpack.c.0.s8.s32 v11;
	v11 =	vimm.s32 $0x7D5C3B1A;
	v12 =	vunpack.c.0.s8.s32 v12  }
0x59: {  	[tilespmem:$0x1FD90] =	vst v34;
	v2 =	vsel vm13, $0x182, v2;
	v0 =	vsel vm5, $0x11F, v40;
	v9 =	vand.u32 $0xFF, v9  }
0x5a: {  	[tilespmem:$0x1FDA0] =	vst v58;
	v10 =	vand.u32 $0xFF, v10;
	v11 =	vunpack.c.0.s8.s32 v11;
	v2 =	vsel vm14, $0x1A3, v2  }
0x5b: {  	[tilespmem:$0x1FDC0] =	vst v59;
	v0 =	vsel vm6, $0x120, v0;
	v10 =	vnsel vm1, $0x1E8, v10;
	v8 =	vand.u32 $0xFF, v8  }
0x5c: {  	[tilespmem:$0x1FE00] =	vst v53;
	v7 =	vsel vm0, v9, v7;
	v9 =	vimm.s32 $0xE1C0BF9E;
	v12 =	vand.u32 $0xFF, v12  }
0x5d: {  	[tilespmem:$0x1FE20] =	vst v61;
	v55 =	vsel vm15, $0x1C4, v2;
	v0 =	vsel vm4, $0x141, v0;
	v8 =	vsel vm0, v8, v10  }
0x5e: {  	[tilespmem:$0x1FFD0] =	vst v23;
	v10 =	vand.u32 $0xFF, v11;
	v9 =	vunpack.c.0.s8.s32 v9;
	v11 =	vimm.s32 $0x7E5D3C1B  }
0x5f: {  	[tilespmem:$0x1FFE0] =	vst v21;
	v1 =	vsel vm5, $0x100, v7;
	v0 =	vsel vm12, $0x162, v0;
	v10 =	vnsel vm1, $0x1E9, v10  }
0x60: {  	[tilespmem:$0x1FFF0] =	vst v20;
	v11 =	vunpack.c.0.s8.s32 v11;
	v2 =	vsel vm5, $0x101, v8;
	v1 =	vsel vm6, $0x121, v1  }
0x61: {  	[tilespmem:$0x1FD70] =	vst v19;
	v0 =	vsel vm13, $0x183, v0;
	v9 =	vand.u32 $0xFF, v9;
	v2 =	vsel vm6, $0x122, v2  }
0x62: {  	[tilespmem:$0x1FDB0] =	vst v50;
	v1 =	vsel vm4, $0x142, v1;
	v0 =	vsel vm14, $0x1A4, v0;
	v9 =	vsel vm0, v9, v10  }
0x63: {  	[tilespmem:$0x1FDE0] =	vst v17;
	v10 =	vand.u32 $0xFF, v11;
	v11 =	vunpack.c.0.s8.s32 v13;
	v13 =	vimm.s32 $0xE3C2A180  }
0x64: {  	[tilespmem:$0x1FDD0] =	vst v51;
	v2 =	vsel vm4, $0x143, v2;
	v1 =	vsel vm12, $0x163, v1;
	v54 =	vsel vm15, $0x1C5, v0  }
0x65: {  	[tilespmem:$0x1FDF0] =	vst v60;
	v10 =	vnsel vm1, $0x1EA, v10;
	v13 =	vunpack.c.0.s8.s32 v13;
	v2 =	vsel vm12, $0x164, v2  }
0x66: {  	[tilespmem:$0x1FE10] =	vst v52;
	v1 =	vsel vm13, $0x184, v1;
	v0 =	vsel vm5, $0x102, v9;
	v11 =	vand.u32 $0xFF, v11  }
0x67: {  	[tilespmem:$0x1FE30] =	vst v62;
	v10 =	vsel vm0, v12, v10;
	v12 =	vunpack.c.0.s8.s32 v14;
	v14 =	vimm.s32 $0xE4C3A281  }
0x68: {  	[tilespmem:$0x1FE40] =	vst v63;
	v2 =	vsel vm13, $0x185, v2;
	v1 =	vsel vm14, $0x1A5, v1;
	v0 =	vsel vm6, $0x123, v0  }
0x69: {  	[tilespmem:$0x1FE50] =	vst v37;
	v11 =	vnsel vm1, $0x1EB, v11;
	v13 =	vand.u32 $0xFF, v13;
	v14 =	vunpack.c.0.s8.s32 v14  }
0x6a: {  	[tilespmem:$0x1FE60] =	vst v57;
	v2 =	vsel vm14, $0x1A6, v2;
	v44 =	vsel vm15, $0x1C6, v1;
	v1 =	vsel vm5, $0x103, v10  }
0x6b: {  	[tilespmem:$0x1FE70] =	vst v32;
	v0 =	vsel vm4, $0x144, v0;
	v12 =	vand.u32 $0xFF, v12;
	v11 =	vsel vm0, v13, v11  }
0x6c: {  	[tilespmem:$0x1FEE0] =	vst v49;
	v3 =	vmovc v43;
	v13 =	vimm.s32 $0xE5C4A382;
	v43 =	vsel vm15, $0x1C7, v2;
	v1 =	vsel vm6, $0x124, v1  }
0x6d: {  	[tilespmem:$0x1FE80] =	vst v29;
	v0 =	vsel vm12, $0x165, v0;
	v12 =	vnsel vm1, $0x1EC, v12;
	v14 =	vand.u32 $0xFF, v14  }
0x6e: {  	[tilespmem:$0x1FF20] =	vst v47;
	v13 =	vunpack.c.0.s8.s32 v13;
	v2 =	vsel vm5, $0x104, v11;
	v1 =	vsel vm4, $0x145, v1  }
0x6f: {  	[tilespmem:$0x1FEA0] =	vst v3;
	v0 =	vsel vm13, $0x186, v0;
	v12 =	vsel vm0, v14, v12;
	v14 =	vnsel vm1, $0x1ED, v16  }
0x70: {  	[tilespmem:$0x1FEB0] =	vst v4;
	v16 =	vimm.s32 $0x6241201F;
	v2 =	vsel vm6, $0x125, v2;
	v1 =	vsel vm12, $0x166, v1  }
0x71: {  	[tilespmem:$0x1FF30] =	vst v55;
	v7 =	vmovc v41;
	v0 =	vsel vm14, $0x1A7, v0;
	v13 =	vand.u32 $0xFF, v13;
	v28 =	vunpack.c.0.s8.s32 v16  }
0x72: {  	v8 =	vmovc v42;
	[tilespmem:$0x1FEC0] =	vst v7;
	v16 =	vimm.s32 $0xE6C5A483;
	v2 =	vsel vm4, $0x146, v2;
	v1 =	vsel vm13, $0x187, v1  }
0x73: {  	[tilespmem:$0x1FEF0] =	vst v8;
	v42 =	vsel vm15, $0x1C8, v0;
	v0 =	vsel vm5, $0x105, v12;
	v13 =	vsel vm0, v13, v14  }
0x74: {  	[tilespmem:$0x1FF40] =	vst v54;
	v14 =	vunpack.c.0.s8.s32 v16;
	v2 =	vsel vm12, $0x167, v2;
	v1 =	vsel vm14, $0x1A8, v1  }
0x75: {  	[tilespmem:$0x1FF50] =	vst v44;
	v0 =	vsel vm6, $0x126, v0;
	v16 =	vand.u32 $0xFF, v28;
	v28 =	vsel vm15, $0x1C1, v5  }
0x76: {  	s0 =	stileid.u32;
	s14 =	simm.s32 $0x1;
	s15 =	simm.s32 $0x7D00;
	v10 =	vmovc v48;
	[tilespmem:$0x1FF60] =	vst v43;
	v2 =	vsel vm13, $0x188, v2;
	v41 =	vsel vm15, $0x1C9, v1;
	v1 =	vsel vm5, $0x106, v13  }
0x77: {  	s16 =	simm.s32 $0x8100;
	s17 =	simm.s32 $0x2;
	s18 =	simm.s32 $0x8500;
	[tilespmem:$0x1FF10] =	vst v10;
	v0 =	vsel vm4, $0x147, v0;
	v16 =	vnsel vm1, $0x1EE, v16;
	v14 =	vand.u32 $0xFF, v14  }
0x78: {  	s19 =	simm.s32 $0x3;
	s20 =	simm.s32 $0x10500;
	s4 =	sshll.u32 s0, $0x1;
	[tilespmem:$0x1FF70] =	vst v42;
	v5 =	vmovc v39;
	v2 =	vsel vm14, $0x1A9, v2;
	v1 =	vsel vm6, $0x127, v1;
	v14 =	vsel vm0, v14, v16  }
0x79: {  	s21 =	simm.s32 $0x4;
	s22 =	simm.s32 $0x5;
	s8 =	sor.u32 s5, s4;
	v0 =	vsel vm12, $0x168, v0;
	[tilespmem:$0x1FE90] =	vst v5;
	v45 =	vsel vm15, $0x1CA, v2;
	v2 =	vsel vm5, $0x107, v14  }
0x7a: {  	s23 =	simm.s32 $0x0;
	s7 =	ssub.s32 $0x2, s5;
	s9 =	smul.u32 $0x1F400, s8;
	[tilespmem:$0x1FF00] =	vst v28;
	v16 =	vadd.s32 $0x10, v15;
	v1 =	vsel vm4, $0x148, v1;
	v2 =	vsel vm6, $0x128, v2  }
0x7b: {  	s4 =	sadd.s32 $0x1800, s6;
	s10 =	sshrl.u32 s7, $0x1;
	s5 =	smul.u32 $0x3E8000, s8;
	[tilespmem:$0x1FF80] =	vst v41;
	v0 =	vsel vm13, $0x189, v0;
	v1 =	vsel vm12, $0x169, v1;
	v2 =	vsel vm4, $0x149, v2  }
0x7c: {  	s6 =	sadd.s32 $0x800, s6;
	s13 =	smul.u32 $0x7D000, s8;
	s12 =	ssub.s32 s7, s10;
	v0 =	vsel vm14, $0x1AA, v0;
	[tilespmem:$0x1FED0] =	vst v16;
	v1 =	vsel vm13, $0x18A, v1;
	v2 =	vsel vm12, $0x16A, v2  }
0x7d: {  	s11 =	sshrl.u32 s9, $0x3;
	s30 =	sshrl.u32 s9, $0xA;
	s31 =	sshrl.u32 s5, $0x3;
	[tilespmem:$0x1FF90] =	vst v45;
	v48 =	vsel vm15, $0x1CB, v0;
	v1 =	vsel vm14, $0x1AB, v1;
	v2 =	vsel vm13, $0x18B, v2  }
0x7e: {  	s13 =	sadd.s32 s2, s13;
	s12 =	smax.u32 s12, $0x1;
	s7 =	sadd.s32 s4, s11;
	[tilespmem:$0x1FFA0] =	vst v48;
	v56 =	vsel vm15, $0x1CC, v1;
	v2 =	vsel vm14, $0x1AC, v2  }
0x7f: {  	v24 =	vadd.s32 $0x2, v22;
	s9 =	sadd.s32 $0x2, s30;
	s11 =	sadd.s32 s2, s31;
	s10 =	sadd.s32 $0x3, s30;
	[tilespmem:$0x1FFB0] =	vst v56;
	v0 =	vsel vm15, $0x1CD, v2  }
0x80: {  	v25 =	vadd.s32 $0x3, v22;
	v26 =	vadd.s32 $0x4, v22;
	v27 =	vadd.s32 $0x5, v22;
	s13 =	sadd.s32 $0x1000, s13;
	s8 =	sadd.s32 $0x80, s7;
	s11 =	sadd.s32 $0x7C000, s11;
	v9 =	vmovc v49;
	[tilespmem:$0x1FFC0] =	vst v0  }
.LBB2_1:
0x81: {  	[tilespmem:s3], [sflag:$0x1] =	stream.linear.gather [hbm4b:s6+s3], $0x7D00, $0x38;
	[tilespmem:$0x18500] =	vst v63  }
0x82: {  	_ =	swait.ge [sflag:s14], $0x7D00  }
0x83: {  	v37 =	vld [tilespmem:$0x1FC50]  }
0x84: {  	v38 =	vld [tilespmem:$0x1FC60]  }
0x85: {  	v39 =	vld [tilespmem:$0x1FC70]  }
0x86: {  	v40 =	vld [tilespmem:$0x1FC80]  }
0x87: {  	v41 =	vld [tilespmem:$0x1FC90]  }
0x88: {  	[sflag:s14] =	ssyncset.done $0x0;
	v42 =	vld [tilespmem:$0x1FCA0]  }
0x89: {  	v43 =	vld [tilespmem:$0x1FCB0];
	[sflag:s14] =	ssyncadd.s32 $0xFFFF8300  }
0x8a: {  	v44 =	vld [tilespmem:$0x1FCC0];
	[tilespmem:s15], [sflag:$0x2] =	stream.linear.gather [hbm4b:s7+s3], $0x400, $0x38  }
0x8b: {  	s24 =	simm.s32 $0x0;
	v54 =	vld [tilespmem:$0x1FCD0]  }
0x8c: {  	v32 =	vmovc v55;
	v56 =	vmovc v6;
	v49 =	vmov v34;
	v34 =	vmov v5;
	v48 =	vmov v3;
	v45 =	vld [tilespmem:$0x1FCE0];
	[tilespmem:s16], [sflag:$0x3] =	stream.linear.gather [hbm4b:s8+s3], $0x400, $0x38  }
.LBB2_2:
0x8d: {  	_ =	swait.ge [sflag:s17], $0x400  }
0x8e: {  	p0 =	seq.s32 s24, $0x0;
	[sflag:s17] =	ssyncset.done $0x0  }
0x8f: {  	s25 =	simm.s32 @!p0 $0x4;
	[sflag:s17] =	ssyncadd.s32 $0xFFFFFC00  }
0x90: {  	_ =	swait.ge @!p0 [sflag:s25], $0x8000  }
0x91: {  	s26 =	simm.s32 $0x0;
	[sflag:s25] =	ssyncset.done @!p0 $0x0  }
0x92: {  	s30 =	sand.u32 $0x3F0, s26;
	[sflag:s25] =	ssyncadd.s32 @!p0 $0xFFFF8000  }
0x93: {  	v0 =	vld [tilespmem:s30+$0x7D00];
	_ =	sdelay $0x4  }
0x94: {  	v0 =	vshll.u32 v0, $0x5  }
0x95: {  	v1 =	vor.u32 v20, v0  }
0x96: {  	v2 =	vor.u32 v21, v0  }
0x97: {  	v3 =	vor.u32 v22, v0  }
0x98: {  	v4 =	vor.u32 v23, v0  }
0x99: {  	v5 =	vor.u32 v24, v0  }
0x9a: {  	v6 =	vor.u32 v25, v0;
	v1 =	vld.idx.msk [tilespmem:v1+s3+$0x0], $0xffff  }
0x9b: {  	v47 =	vmov v16;
	v16 =	vmov v7;
	v7 =	vor.u32 v26, v0;
	v2 =	vld.idx.msk [tilespmem:v2+s3+$0x0], $0xffff  }
0x9c: {  	v29 =	vmov v28;
	v28 =	vmov v8;
	v8 =	vor.u32 v27, v0;
	v3 =	vld.idx.msk [tilespmem:v3+s3+$0x0], $0xffff  }
0x9d: {  	v55 =	vmovc v9;
	v57 =	vmov v10;
	v10 =	vor.u32 s26, v15;
	v9 =	vor.u32 v36, v0;
	v4 =	vld.idx.msk [tilespmem:v4+s3+$0x0], $0xffff  }
0x9e: {  	v12 =	vor.u32 s26, v37;
	v11 =	vor.u32 v35, v0;
	v5 =	vld.idx.msk [tilespmem:v5+s3+$0x0], $0xffff  }
0x9f: {  	v6 =	vld.idx.msk [tilespmem:v6+s3+$0x0], $0xffff  }
0xa0: {  	v7 =	vld.idx.msk [tilespmem:v7+s3+$0x0], $0xffff  }
0xa1: {  	v14 =	vor.u32 s26, v39;
	v13 =	vor.u32 v38, v0;
	v8 =	vld.idx.msk [tilespmem:v8+s3+$0x0], $0xffff  }
0xa2: {  	v15 =	vor.u32 v40, v0;
	v9 =	vld.idx.msk [tilespmem:v9+s3+$0x0], $0xffff;
	[tilespmem:v10+s18+$0x0] =	vst.idx.msk $0xffff, v3;
	v3 =	vor.u32 s26, v41  }
0xa3: {  	v10 =	vld.idx.msk [tilespmem:v11+s3+$0x0], $0xffff;
	v11 =	vor.u32 v42, v0;
	[tilespmem:v12+s18+$0x0] =	vst.idx.msk $0xffff, v4;
	v4 =	vor.u32 s26, v43;
	_ =	sdelay $0x2  }
0xa4: {  	v12 =	vld.idx.msk [tilespmem:v13+s3+$0x0], $0xffff;
	v13 =	vor.u32 v44, v0;
	[tilespmem:v14+s18+$0x0] =	vst.idx.msk $0xffff, v5;
	v5 =	vor.u32 s26, v54  }
0xa5: {  	v14 =	vld.idx.msk [tilespmem:v15+s3+$0x0], $0xffff;
	v15 =	vor.u32 v45, v0;
	[tilespmem:v3+s18+$0x0] =	vst.idx.msk $0xffff, v6;
	v3 =	vor.u32 s26, v18  }
0xa6: {  	v6 =	vor.u32 v46, v0;
	v11 =	vld.idx.msk [tilespmem:v11+s3+$0x0], $0xffff;
	[tilespmem:v4+s18+$0x0] =	vst.idx.msk $0xffff, v7;
	v4 =	vor.u32 s26, v30;
	_ =	sdelay $0x2  }
0xa7: {  	v7 =	vor.u32 v31, v0;
	v13 =	vld.idx.msk [tilespmem:v13+s3+$0x0], $0xffff;
	[tilespmem:v5+s18+$0x0] =	vst.idx.msk $0xffff, v8;
	v5 =	vor.u32 s26, v33  }
0xa8: {  	v8 =	vor.u32 v19, v0;
	v15 =	vld.idx.msk [tilespmem:v15+s3+$0x0], $0xffff;
	[tilespmem:v3+s18+$0x0] =	vst.idx.msk $0xffff, v1;
	v1 =	vor.u32 s26, v56  }
0xa9: {  	v3 =	vld.idx.msk [tilespmem:v6+s3+$0x0], $0xffff;
	v6 =	vor.u32 v49, v0;
	[tilespmem:v4+s18+$0x0] =	vst.idx.msk $0xffff, v2;
	v2 =	vor.u32 s26, v58;
	_ =	sdelay $0x2  }
0xaa: {  	v4 =	vor.u32 v50, v0;
	v56 =	vld.idx.msk [tilespmem:v7+s3+$0x0], $0xffff;
	[tilespmem:v5+s18+$0x0] =	vst.idx.msk $0xffff, v9;
	v5 =	vor.u32 s26, v59  }
0xab: {  	v9 =	vor.u32 v51, v0;
	v49 =	vld.idx.msk [tilespmem:v8+s3+$0x0], $0xffff;
	[tilespmem:v1+s18+$0x0] =	vst.idx.msk $0xffff, v10;
	v1 =	vor.u32 s26, v17  }
0xac: {  	v10 =	vor.u32 v60, v0;
	v8 =	vld.idx.msk [tilespmem:v6+s3+$0x0], $0xffff;
	[tilespmem:v2+s18+$0x0] =	vst.idx.msk $0xffff, v12;
	v2 =	vor.u32 s26, v53;
	_ =	sdelay $0x2  }
0xad: {  	v7 =	vld.idx.msk [tilespmem:v4+s3+$0x0], $0xffff;
	[tilespmem:v5+s18+$0x0] =	vst.idx.msk $0xffff, v14  }
0xae: {  	v6 =	vld.idx.msk [tilespmem:v9+s3+$0x0], $0xffff;
	[tilespmem:v1+s18+$0x0] =	vst.idx.msk $0xffff, v11  }
0xaf: {  	v12 =	vor.u32 s26, v61;
	v4 =	vor.u32 v52, v0;
	v5 =	vld.idx.msk [tilespmem:v10+s3+$0x0], $0xffff;
	[tilespmem:v2+s18+$0x0] =	vst.idx.msk $0xffff, v13  }
0xb0: {  	v9 =	vor.u32 v62, v0;
	v1 =	vor.u32 s26, v16;
	v2 =	vld [tilespmem:$0x1FE50];
	_ =	sdelay $0x3  }
0xb1: {  	v4 =	vld.idx.msk [tilespmem:v4+s3+$0x0], $0xffff;
	[tilespmem:v12+s18+$0x0] =	vst.idx.msk $0xffff, v15  }
0xb2: {  	v13 =	vor.u32 v2, v0;
	v2 =	vld.idx.msk [tilespmem:v9+s3+$0x0], $0xffff;
	[tilespmem:v1+s18+$0x0] =	vst.idx.msk $0xffff, v3  }
0xb3: {  	v11 =	vor.u32 s26, v47;
	v10 =	vor.u32 v63, v0;
	v1 =	vld [tilespmem:$0x1FE60]  }
0xb4: {  	v3 =	vld [tilespmem:$0x1FE70];
	_ =	sdelay $0x3  }
0xb5: {  	v18 =	vor.u32 v1, v0;
	v1 =	vld.idx.msk [tilespmem:v10+s3+$0x0], $0xffff;
	[tilespmem:v11+s18+$0x0] =	vst.idx.msk $0xffff, v56  }
0xb6: {  	v12 =	vor.u32 s26, v55;
	v17 =	vor.u32 v3, v0;
	v3 =	vld [tilespmem:$0x1FE80]  }
0xb7: {  	s31 =	simm.s32 $0x10  }
0xb8: {  	s28 =	sand.u32 $0x3F0, s31  }
0xb9: {  	v9 =	vld [tilespmem:s28+$0x7D00]  }
0xba: {  	v56 =	vld [tilespmem:$0x1FF20]  }
0xbb: {  	v15 =	vor.u32 v3, v0;
	v3 =	vld.idx.msk [tilespmem:v13+s3+$0x0], $0xffff;
	[tilespmem:v12+s18+$0x0] =	vst.idx.msk $0xffff, v49  }
0xbc: {  	v49 =	vld [tilespmem:$0x1FEB0]  }
0xbd: {  	v53 =	vld [tilespmem:$0x1FF40]  }
0xbe: {  	v51 =	vld [tilespmem:$0x1FF50]  }
0xbf: {  	v50 =	vld [tilespmem:$0x1FF60]  }
0xc0: {  	v60 =	vld [tilespmem:$0x1FF70]  }
0xc1: {  	v19 =	vor.u32 s26, v28;
	v52 =	vld [tilespmem:$0x1FF80]  }
0xc2: {  	v16 =	vor.u32 s26, v29;
	v62 =	vld [tilespmem:$0x1FF90]  }
0xc3: {  	v14 =	vor.u32 s26, v57;
	v61 =	vld [tilespmem:$0x1FFA0]  }
0xc4: {  	v10 =	vor.u32 v34, v0;
	v13 =	vor.u32 s26, v56;
	v63 =	vld [tilespmem:$0x1FFB0]  }
0xc5: {  	s25 =	sshll.u32 s24, $0x1;
	v58 =	vmovc v34;
	v59 =	vmov v48;
	s28 =	simm.s32 $0x20;
	v11 =	vor.u32 s26, v32;
	v12 =	vor.u32 v48, v0;
	v55 =	vld [tilespmem:$0x1FFC0]  }
.LBB2_3:
0xc6: {  	v18 =	vld.idx.msk [tilespmem:v18+s3+$0x0], $0xffff;
	[tilespmem:v19+s18+$0x0] =	vst.idx.msk $0xffff, v8;
	v8 =	vor.u32 v49, v0;
	v19 =	vor.u32 s26, v53  }
0xc7: {  	v0 =	vshll.u32 v9, $0x5;
	v17 =	vld.idx.msk [tilespmem:v17+s3+$0x0], $0xffff;
	[tilespmem:v16+s18+$0x0] =	vst.idx.msk $0xffff, v7;
	v7 =	vor.u32 s26, v51  }
0xc8: {  	v16 =	vor.u32 v20, v0;
	v15 =	vld.idx.msk [tilespmem:v15+s3+$0x0], $0xffff;
	[tilespmem:v14+s18+$0x0] =	vst.idx.msk $0xffff, v6;
	v6 =	vor.u32 s26, v50  }
0xc9: {  	v14 =	vor.u32 v21, v0;
	v10 =	vld.idx.msk [tilespmem:v10+s3+$0x0], $0xffff;
	[tilespmem:v13+s18+$0x0] =	vst.idx.msk $0xffff, v5;
	v5 =	vor.u32 s26, v60  }
0xca: {  	v13 =	vor.u32 v22, v0;
	v12 =	vld.idx.msk [tilespmem:v12+s3+$0x0], $0xffff;
	[tilespmem:v11+s18+$0x0] =	vst.idx.msk $0xffff, v4  }
0xcb: {  	s29 =	sand.u32 $0x3F0, s28;
	v4 =	vor.u32 s26, v52;
	v8 =	vld.idx.msk [tilespmem:v8+s3+$0x0], $0xffff;
	[tilespmem:v19+s18+$0x0] =	vst.idx.msk $0xffff, v2  }
0xcc: {  	v9 =	vld [tilespmem:s29+$0x7D00];
	[tilespmem:v7+s18+$0x0] =	vst.idx.msk $0xffff, v1  }
0xcd: {  	v16 =	vld.idx.msk [tilespmem:v16+s3+$0x0], $0xffff;
	[tilespmem:v6+s18+$0x0] =	vst.idx.msk $0xffff, v3  }
0xce: {  	v14 =	vld.idx.msk [tilespmem:v14+s3+$0x0], $0xffff;
	[tilespmem:v5+s18+$0x0] =	vst.idx.msk $0xffff, v18  }
0xcf: {  	v13 =	vld.idx.msk [tilespmem:v13+s3+$0x0], $0xffff  }
0xd0: {  	v11 =	vor.u32 v23, v0;
	v2 =	vor.u32 s26, v62;
	[tilespmem:v4+s18+$0x0] =	vst.idx.msk $0xffff, v17;
	v17 =	vld [tilespmem:$0x1FCF0]  }
0xd1: {  	v19 =	vor.u32 v24, v0;
	v1 =	vor.u32 s26, v61  }
0xd2: {  	v7 =	vor.u32 v25, v0;
	v3 =	vor.u32 s26, v63  }
0xd3: {  	v6 =	vor.u32 v26, v0;
	v5 =	vor.u32 s26, v55  }
0xd4: {  	v18 =	vor.u32 v27, v0;
	s26 =	sadd.s32 $0x200, s26  }
0xd5: {  	v4 =	vld.idx.msk [tilespmem:v11+s3+$0x0], $0xffff;
	v11 =	vor.u32 v36, v0;
	[tilespmem:v2+s18+$0x0] =	vst.idx.msk $0xffff, v15;
	v17 =	vor.u32 s26, v17  }
0xd6: {  	v15 =	vor.u32 v35, v0;
	v2 =	vld.idx.msk [tilespmem:v19+s3+$0x0], $0xffff;
	[tilespmem:v1+s18+$0x0] =	vst.idx.msk $0xffff, v10  }
0xd7: {  	v19 =	vor.u32 s26, v37;
	v1 =	vld.idx.msk [tilespmem:v7+s3+$0x0], $0xffff;
	[tilespmem:v3+s18+$0x0] =	vst.idx.msk $0xffff, v12  }
0xd8: {  	v10 =	vor.u32 s26, v39;
	v7 =	vor.u32 v38, v0;
	v3 =	vld.idx.msk [tilespmem:v6+s3+$0x0], $0xffff;
	[tilespmem:v5+s18+$0x0] =	vst.idx.msk $0xffff, v8  }
0xd9: {  	v12 =	vor.u32 s26, v41;
	v6 =	vor.u32 v40, v0;
	v5 =	vld.idx.msk [tilespmem:v18+s3+$0x0], $0xffff  }
0xda: {  	v8 =	vor.u32 v42, v0;
	v11 =	vld.idx.msk [tilespmem:v11+s3+$0x0], $0xffff;
	[tilespmem:v17+s18+$0x0] =	vst.idx.msk $0xffff, v13  }
0xdb: {  	v18 =	vor.u32 s26, v43;
	v15 =	vld.idx.msk [tilespmem:v15+s3+$0x0], $0xffff  }
0xdc: {  	[tilespmem:v19+s18+$0x0] =	vst.idx.msk $0xffff, v4;
	v19 =	vld [tilespmem:$0x1FD20]  }
0xdd: {  	v7 =	vld.idx.msk [tilespmem:v7+s3+$0x0], $0xffff;
	[tilespmem:v10+s18+$0x0] =	vst.idx.msk $0xffff, v2  }
0xde: {  	v13 =	vor.u32 v44, v0;
	v6 =	vld.idx.msk [tilespmem:v6+s3+$0x0], $0xffff;
	[tilespmem:v12+s18+$0x0] =	vst.idx.msk $0xffff, v1  }
0xdf: {  	v34 =	vmov v20;
	v28 =	vmov v56;
	v17 =	vor.u32 s26, v54;
	v20 =	vld.idx.msk [tilespmem:v8+s3+$0x0], $0xffff  }
0xe0: {  	v56 =	vmovc v58;
	v58 =	vmovc v32;
	v32 =	vmov v59;
	v59 =	vmov v53;
	v53 =	vmov v49;
	[tilespmem:v18+s18+$0x0] =	vst.idx.msk $0xffff, v3;
	v3 =	vld [tilespmem:$0x1FD70]  }
0xe1: {  	v49 =	vmovc v51;
	v51 =	vmovc v50;
	v50 =	vmov v60;
	v60 =	vmov v52;
	v4 =	vor.u32 v45, v0;
	v8 =	vld [tilespmem:$0x1FD80]  }
0xe2: {  	v52 =	vmovc v62;
	v62 =	vmovc v61;
	v61 =	vmov v63;
	v63 =	vmov v55;
	v19 =	vor.u32 s26, v19  }
0xe3: {  	v55 =	vmovc v45;
	v45 =	vmovc v54;
	v54 =	vmov v44;
	v2 =	vor.u32 v46, v0;
	v10 =	vor.u32 s26, v30;
	v13 =	vld.idx.msk [tilespmem:v13+s3+$0x0], $0xffff  }
0xe4: {  	v44 =	vmovc v43;
	v43 =	vmov v42;
	v1 =	vor.u32 v31, v0;
	v12 =	vor.u32 s26, v33;
	[tilespmem:v17+s18+$0x0] =	vst.idx.msk $0xffff, v5;
	v5 =	vld [tilespmem:$0x1FD90]  }
0xe5: {  	v42 =	vmovc v41;
	v41 =	vmovc v40;
	v40 =	vmov v39;
	v39 =	vmov v38;
	v17 =	vld [tilespmem:$0x1FDA0];
	v3 =	vor.u32 v3, v0  }
0xe6: {  	v38 =	vmovc v37;
	v37 =	vmovc v35;
	v35 =	vmov v36;
	v36 =	vmov v21;
	v21 =	vld.idx.msk [tilespmem:v4+s3+$0x0], $0xffff;
	v8 =	vor.u32 s26, v8  }
0xe7: {  	v4 =	vld [tilespmem:$0x1FDB0];
	[tilespmem:v19+s18+$0x0] =	vst.idx.msk $0xffff, v16  }
0xe8: {  	v22 =	vld.idx.msk [tilespmem:v2+s3+$0x0], $0xffff;
	[tilespmem:v10+s18+$0x0] =	vst.idx.msk $0xffff, v14  }
0xe9: {  	v23 =	vld.idx.msk [tilespmem:v1+s3+$0x0], $0xffff;
	[tilespmem:v12+s18+$0x0] =	vst.idx.msk $0xffff, v11  }
0xea: {  	v12 =	vld.idx.msk [tilespmem:v3+s3+$0x0], $0xffff  }
0xeb: {  	v5 =	vor.u32 v5, v0;
	[tilespmem:v8+s18+$0x0] =	vst.idx.msk $0xffff, v15;
	v8 =	vld [tilespmem:$0x1FE20]  }
0xec: {  	v16 =	vld [tilespmem:$0x1FDC0]  }
0xed: {  	v2 =	vld [tilespmem:$0x1FDD0]  }
0xee: {  	v10 =	vld [tilespmem:$0x1FDE0]  }
0xef: {  	v1 =	vld [tilespmem:$0x1FDF0]  }
0xf0: {  	v14 =	vor.u32 s26, v8;
	v8 =	vld.idx.msk [tilespmem:v5+s3+$0x0], $0xffff  }
0xf1: {  	v5 =	vld [tilespmem:$0x1FE30];
	_ =	sdelay $0x1  }
0xf2: {  	v17 =	vor.u32 s26, v17  }
0xf3: {  	v4 =	vor.u32 v4, v0;
	v16 =	vor.u32 s26, v16  }
0xf4: {  	v2 =	vor.u32 v2, v0;
	v10 =	vor.u32 s26, v10  }
0xf5: {  	v1 =	vor.u32 v1, v0;
	v15 =	vor.u32 v5, v0;
	v5 =	vld [tilespmem:$0x1FEC0];
	_ =	sdelay $0x1  }
0xf6: {  	[tilespmem:v17+s18+$0x0] =	vst.idx.msk $0xffff, v7  }
0xf7: {  	v7 =	vld.idx.msk [tilespmem:v4+s3+$0x0], $0xffff;
	[tilespmem:v16+s18+$0x0] =	vst.idx.msk $0xffff, v6  }
0xf8: {  	v6 =	vld.idx.msk [tilespmem:v2+s3+$0x0], $0xffff;
	[tilespmem:v10+s18+$0x0] =	vst.idx.msk $0xffff, v20  }
0xf9: {  	v29 =	vmov v24;
	v24 =	vor.u32 s26, v5;
	v5 =	vld.idx.msk [tilespmem:v1+s3+$0x0], $0xffff  }
0xfa: {  	v1 =	vld [tilespmem:$0x1FE60];
	_ =	sdelay $0x4  }
0xfb: {  	v18 =	vor.u32 v1, v0;
	v1 =	vld [tilespmem:$0x1FEF0];
	_ =	sdelay $0x4  }
0xfc: {  	v19 =	vor.u32 s26, v1;
	v1 =	vld [tilespmem:$0x1FE70]  }
0xfd: {  	v11 =	vld [tilespmem:$0x1FE00]  }
0xfe: {  	v3 =	vld [tilespmem:$0x1FE10]  }
0xff: {  	v4 =	vld [tilespmem:$0x1FE40]  }
0x100: {  	v2 =	vld [tilespmem:$0x1FE50]  }
0x101: {  	v17 =	vor.u32 v1, v0;
	v1 =	vld [tilespmem:$0x1FF00];
	_ =	sdelay $0x1  }
0x102: {  	v11 =	vor.u32 s26, v11  }
0x103: {  	v47 =	vmov v25;
	v3 =	vor.u32 v3, v0;
	v25 =	vor.u32 v4, v0;
	v4 =	vld [tilespmem:$0x1FED0]  }
0x104: {  	v20 =	vor.u32 v2, v0;
	v2 =	vld [tilespmem:$0x1FEE0]  }
0x105: {  	v16 =	vor.u32 s26, v1;
	v1 =	vld [tilespmem:$0x1FE80];
	_ =	sdelay $0x1  }
0x106: {  	[tilespmem:v11+s18+$0x0] =	vst.idx.msk $0xffff, v13  }
0x107: {  	v57 =	vmov v26;
	v26 =	vor.u32 s26, v4;
	v4 =	vld.idx.msk [tilespmem:v3+s3+$0x0], $0xffff;
	[tilespmem:v14+s18+$0x0] =	vst.idx.msk $0xffff, v21  }
0x108: {  	v48 =	vmovc v27;
	v21 =	vmov v36;
	v36 =	vmov v35;
	v27 =	vor.u32 s26, v2;
	v2 =	vld.idx.msk [tilespmem:v15+s3+$0x0], $0xffff  }
0x109: {  	v35 =	vmovc v37;
	v37 =	vmovc v38;
	v38 =	vmov v39;
	v39 =	vmov v40;
	v15 =	vor.u32 v1, v0;
	v1 =	vld [tilespmem:$0x1FF10]  }
0x10a: {  	v40 =	vmovc v41;
	v41 =	vmovc v42;
	v42 =	vmov v43;
	v43 =	vmov v44;
	v44 =	vmov v54  }
0x10b: {  	p1 =	sne.s32 s28, $0x3F0;
	v54 =	vmovc v45;
	v45 =	vmovc v55;
	v55 =	vmov v63;
	v63 =	vmov v61;
	v61 =	vmov v62  }
.Ltmp0:
0x10c: {  	v62 =	vmovc v52;
	v52 =	vmovc v60;
	v60 =	vmov v50;
	v50 =	vmov v51;
	v51 =	vmov v49;
	(pc) =	sbr.rel @p1 .LBB2_3-.Ltmp0, $4  }
0x10d: {  	v49 =	vmovc v53;
	v53 =	vmovc v59;
	v59 =	vmov v32;
	v32 =	vmov v58;
	v58 =	vmov v56;
	[tilespmem:v24+s18+$0x0] =	vst.idx.msk $0xffff, v22  }
0x10e: {  	v13 =	vor.u32 s26, v28;
	v10 =	vor.u32 v58, v0;
	v14 =	vor.u32 s26, v1;
	v1 =	vld.idx.msk [tilespmem:v25+s3+$0x0], $0xffff  }
0x10f: {  	v56 =	vmovc v28;
	v11 =	vor.u32 s26, v32;
	v24 =	vmovc v29;
	v25 =	vmov v47;
	[tilespmem:v26+s18+$0x0] =	vst.idx.msk $0xffff, v23;
	v26 =	vmov v57;
	v23 =	vld [tilespmem:$0x1FFD0]  }
0x110: {  	s28 =	sadd.s32 $0x10, s28;
	v22 =	vlaneseq.u32;
	v3 =	vld.idx.msk [tilespmem:v20+s3+$0x0], $0xffff;
	v20 =	vmovc v34;
	[tilespmem:v27+s18+$0x0] =	vst.idx.msk $0xffff, v12;
	v27 =	vmov v48;
	v12 =	vor.u32 v59, v0  }
0x111: {  	v9 =	vshll.u32 v9, $0x5  }
0x112: {  	v20 =	vor.u32 v20, v9;
	_ =	sdelay $0x2  }
0x113: {  	v25 =	vor.u32 v25, v9  }
0x114: {  	[tilespmem:$0x1FBB0] =	vst v25  }
0x115: {  	v20 =	vld.idx.msk [tilespmem:v20+s3+$0x0], $0xffff  }
0x116: {  	v21 =	vor.u32 v21, v9;
	_ =	sdelay $0x3  }
0x117: {  	[tilespmem:$0x1FC10] =	vst v20  }
0x118: {  	v22 =	vlaneseq.u32;
	v20 =	vld.idx.msk [tilespmem:v21+s3+$0x0], $0xffff  }
0x119: {  	v22 =	vor.u32 v22, v9  }
0x11a: {  	v23 =	vld [tilespmem:$0x1FFD0];
	_ =	sdelay $0x2  }
0x11b: {  	[tilespmem:$0x1FC20] =	vst v20  }
0x11c: {  	v20 =	vld.idx.msk [tilespmem:v22+s3+$0x0], $0xffff  }
0x11d: {  	v23 =	vor.u32 v23, v9;
	_ =	sdelay $0x3  }
0x11e: {  	[tilespmem:$0x1FBC0] =	vst v20  }
0x11f: {  	v20 =	vld.idx.msk [tilespmem:v23+s3+$0x0], $0xffff  }
0x120: {  	v24 =	vor.u32 v29, v9;
	_ =	sdelay $0x3  }
0x121: {  	[tilespmem:$0x1FBD0] =	vst v20  }
0x122: {  	v22 =	vld.idx.msk [tilespmem:v24+s3+$0x0], $0xffff;
	_ =	sdelay $0x4  }
0x123: {  	[tilespmem:$0x1FBE0] =	vst v22;
	v22 =	vld [tilespmem:$0x1FBB0];
	_ =	sdelay $0x7  }
0x124: {  	v22 =	vld.idx.msk [tilespmem:v22+s3+$0x0], $0xffff  }
0x125: {  	v26 =	vor.u32 v57, v9;
	_ =	sdelay $0x3  }
0x126: {  	[tilespmem:$0x1FBF0] =	vst v22  }
0x127: {  	v23 =	vld.idx.msk [tilespmem:v26+s3+$0x0], $0xffff  }
0x128: {  	v20 =	vor.u32 v36, v9;
	_ =	sdelay $0x3  }
0x129: {  	v27 =	vor.u32 v48, v9;
	v36 =	vld [tilespmem:$0x1FCF0];
	[tilespmem:$0x1FC00] =	vst v23  }
0x12a: {  	v20 =	vld.idx.msk [tilespmem:v20+s3+$0x0], $0xffff;
	_ =	sdelay $0x3  }
0x12b: {  	s28 =	sadd.s32 $0x200, s26;
	v27 =	vld.idx.msk [tilespmem:v27+s3+$0x0], $0xffff  }
0x12c: {  	v21 =	vor.u32 s28, v36;
	[tilespmem:$0x1FC30] =	vst v20;
	v20 =	vld [tilespmem:$0x1FBC0]  }
0x12d: {  	v25 =	vor.u32 v35, v9;
	_ =	sdelay $0x3  }
0x12e: {  	v28 =	vld [tilespmem:$0x1FD20];
	[tilespmem:v21+s18+$0x0] =	vst.idx.msk $0xffff, v20  }
0x12f: {  	v24 =	vld.idx.msk [tilespmem:v25+s3+$0x0], $0xffff;
	_ =	sdelay $0x4  }
0x130: {  	v22 =	vor.u32 s28, v37;
	[tilespmem:$0x1FC40] =	vst v24;
	v24 =	vld [tilespmem:$0x1FBD0];
	_ =	sdelay $0x4  }
0x131: {  	[tilespmem:v22+s18+$0x0] =	vst.idx.msk $0xffff, v24  }
0x132: {  	v26 =	vor.u32 v38, v9;
	v23 =	vor.u32 s28, v39;
	v25 =	vld [tilespmem:$0x1FBE0]  }
0x133: {  	v21 =	vor.u32 v40, v9;
	_ =	sdelay $0x3  }
0x134: {  	v26 =	vld.idx.msk [tilespmem:v26+s3+$0x0], $0xffff;
	[tilespmem:v23+s18+$0x0] =	vst.idx.msk $0xffff, v25  }
0x135: {  	v25 =	vor.u32 s28, v54;
	v54 =	vld.idx.msk [tilespmem:v21+s3+$0x0], $0xffff  }
0x136: {  	v20 =	vor.u32 s28, v41;
	v21 =	vld [tilespmem:$0x1FBF0]  }
0x137: {  	v22 =	vor.u32 v42, v9;
	_ =	sdelay $0x3  }
0x138: {  	[tilespmem:v20+s18+$0x0] =	vst.idx.msk $0xffff, v21  }
0x139: {  	v23 =	vor.u32 v44, v9;
	v44 =	vld.idx.msk [tilespmem:v22+s3+$0x0], $0xffff  }
0x13a: {  	v24 =	vor.u32 s28, v43;
	v22 =	vld [tilespmem:$0x1FC00];
	_ =	sdelay $0x1  }
0x13b: {  	v20 =	vor.u32 v45, v9;
	_ =	sdelay $0x2  }
0x13c: {  	[tilespmem:v24+s18+$0x0] =	vst.idx.msk $0xffff, v22  }
0x13d: {  	v41 =	vmov v46;
	v24 =	vor.u32 v46, v9;
	v46 =	vld.idx.msk [tilespmem:v23+s3+$0x0], $0xffff;
	[tilespmem:v25+s18+$0x0] =	vst.idx.msk $0xffff, v27  }
0x13e: {  	v38 =	vmov v30;
	v22 =	vor.u32 s28, v30;
	v30 =	vld.idx.msk [tilespmem:v20+s3+$0x0], $0xffff  }
0x13f: {  	v21 =	vor.u32 s28, v28;
	v20 =	vld [tilespmem:$0x1FC10];
	_ =	sdelay $0x4  }
0x140: {  	[tilespmem:v21+s18+$0x0] =	vst.idx.msk $0xffff, v20  }
0x141: {  	v20 =	vld [tilespmem:$0x1FD70]  }
0x142: {  	v23 =	vld [tilespmem:$0x1FC20];
	_ =	sdelay $0x3  }
0x143: {  	v35 =	vmov v43;
	v43 =	vmov v28;
	v28 =	vld.idx.msk [tilespmem:v24+s3+$0x0], $0xffff  }
0x144: {  	v21 =	vor.u32 v20, v9;
	v20 =	vld [tilespmem:$0x1FD80];
	[tilespmem:v22+s18+$0x0] =	vst.idx.msk $0xffff, v23  }
0x145: {  	v25 =	vor.u32 v31, v9;
	v27 =	vor.u32 s28, v33;
	v24 =	vld [tilespmem:$0x1FC30];
	_ =	sdelay $0x2  }
0x146: {  	v22 =	vld [tilespmem:$0x1FD90]  }
0x147: {  	v23 =	vld [tilespmem:$0x1FDA0]  }
0x148: {  	v25 =	vld.idx.msk [tilespmem:v25+s3+$0x0], $0xffff;
	[tilespmem:v27+s18+$0x0] =	vst.idx.msk $0xffff, v24  }
0x149: {  	v24 =	vld [tilespmem:$0x1FDB0];
	_ =	sdelay $0x1  }
0x14a: {  	v40 =	vmov v31;
	v20 =	vor.u32 s28, v20;
	v31 =	vld [tilespmem:$0x1FC40];
	_ =	sdelay $0x2  }
0x14b: {  	v22 =	vor.u32 v22, v9;
	v23 =	vor.u32 s28, v23;
	v27 =	vor.u32 v24, v9;
	v24 =	vld [tilespmem:$0x1FDC0]  }
0x14c: {  	v18 =	vld.idx.msk [tilespmem:v18+s3+$0x0], $0xffff  }
0x14d: {  	v21 =	vld.idx.msk [tilespmem:v21+s3+$0x0], $0xffff;
	[tilespmem:v20+s18+$0x0] =	vst.idx.msk $0xffff, v31  }
0x14e: {  	v20 =	vld [tilespmem:$0x1FDD0];
	[tilespmem:v19+s18+$0x0] =	vst.idx.msk $0xffff, v8  }
0x14f: {  	v8 =	vld [tilespmem:$0x1FDE0]  }
0x150: {  	v19 =	vld.idx.msk [tilespmem:v22+s3+$0x0], $0xffff;
	[tilespmem:v23+s18+$0x0] =	vst.idx.msk $0xffff, v26;
	v24 =	vor.u32 s28, v24  }
0x151: {  	v22 =	vld [tilespmem:$0x1FDF0]  }
0x152: {  	v17 =	vld.idx.msk [tilespmem:v17+s3+$0x0], $0xffff;
	[tilespmem:v16+s18+$0x0] =	vst.idx.msk $0xffff, v7  }
0x153: {  	v7 =	vld [tilespmem:$0x1FE00];
	v20 =	vor.u32 v20, v9  }
0x154: {  	v15 =	vld.idx.msk [tilespmem:v15+s3+$0x0], $0xffff;
	v8 =	vor.u32 s28, v8  }
0x155: {  	v16 =	vld.idx.msk [tilespmem:v27+s3+$0x0], $0xffff;
	[tilespmem:v24+s18+$0x0] =	vst.idx.msk $0xffff, v54  }
0x156: {  	v22 =	vor.u32 v22, v9;
	v23 =	vld [tilespmem:$0x1FE10];
	[tilespmem:v14+s18+$0x0] =	vst.idx.msk $0xffff, v6  }
0x157: {  	v6 =	vld [tilespmem:$0x1FE20]  }
0x158: {  	v7 =	vor.u32 s28, v7;
	v14 =	vld.idx.msk [tilespmem:v20+s3+$0x0], $0xffff  }
0x159: {  	[tilespmem:v8+s18+$0x0] =	vst.idx.msk $0xffff, v44;
	v10 =	vld.idx.msk [tilespmem:v10+s3+$0x0], $0xffff  }
0x15a: {  	v20 =	vld [tilespmem:$0x1FE30]  }
0x15b: {  	v0 =	vor.u32 v49, v0;
	[tilespmem:v13+s18+$0x0] =	vst.idx.msk $0xffff, v5;
	v13 =	vld.idx.msk [tilespmem:v22+s3+$0x0], $0xffff  }
0x15c: {  	v5 =	vld [tilespmem:$0x1FEC0];
	v23 =	vor.u32 v23, v9;
	v6 =	vor.u32 s28, v6  }
0x15d: {  	v8 =	vor.u32 s26, v53;
	[tilespmem:v7+s18+$0x0] =	vst.idx.msk $0xffff, v46;
	v12 =	vld.idx.msk [tilespmem:v12+s3+$0x0], $0xffff  }
0x15e: {  	v22 =	vld [tilespmem:$0x1FE40];
	[tilespmem:v11+s18+$0x0] =	vst.idx.msk $0xffff, v4  }
0x15f: {  	v4 =	vld [tilespmem:$0x1FED0]  }
0x160: {  	v0 =	vld.idx.msk [tilespmem:v0+s3+$0x0], $0xffff  }
0x161: {  	v20 =	vor.u32 v20, v9;
	v5 =	vor.u32 s28, v5;
	v11 =	vld.idx.msk [tilespmem:v23+s3+$0x0], $0xffff;
	[tilespmem:v6+s18+$0x0] =	vst.idx.msk $0xffff, v30  }
0x162: {  	v23 =	vld [tilespmem:$0x1FE50];
	[tilespmem:v8+s18+$0x0] =	vst.idx.msk $0xffff, v2  }
0x163: {  	v7 =	vor.u32 s26, v51;
	v22 =	vor.u32 v22, v9;
	v2 =	vld [tilespmem:$0x1FEE0]  }
0x164: {  	v4 =	vor.u32 s28, v4  }
0x165: {  	v6 =	vor.u32 s26, v50  }
0x166: {  	v8 =	vld.idx.msk [tilespmem:v20+s3+$0x0], $0xffff;
	[tilespmem:v5+s18+$0x0] =	vst.idx.msk $0xffff, v28  }
0x167: {  	v20 =	vld [tilespmem:$0x1FE60];
	v23 =	vor.u32 v23, v9  }
0x168: {  	[tilespmem:v7+s18+$0x0] =	vst.idx.msk $0xffff, v1;
	v7 =	vld.idx.msk [tilespmem:v22+s3+$0x0], $0xffff;
	v2 =	vor.u32 s28, v2  }
0x169: {  	v5 =	vor.u32 s26, v60;
	v1 =	vld [tilespmem:$0x1FEF0];
	[tilespmem:v4+s18+$0x0] =	vst.idx.msk $0xffff, v25  }
0x16a: {  	v22 =	vld [tilespmem:$0x1FE70];
	[tilespmem:v6+s18+$0x0] =	vst.idx.msk $0xffff, v3  }
0x16b: {  	v3 =	vld [tilespmem:$0x1FF00]  }
0x16c: {  	v6 =	vld.idx.msk [tilespmem:v23+s3+$0x0], $0xffff  }
0x16d: {  	v23 =	vld [tilespmem:$0x1FFD0];
	[tilespmem:v2+s18+$0x0] =	vst.idx.msk $0xffff, v21  }
0x16e: {  	v21 =	vld [tilespmem:$0x1FE80];
	[tilespmem:v5+s18+$0x0] =	vst.idx.msk $0xffff, v18  }
0x16f: {  	v20 =	vor.u32 v20, v9;
	v1 =	vor.u32 s28, v1;
	v5 =	vld [tilespmem:$0x1FF10]  }
0x170: {  	v4 =	vor.u32 s26, v52  }
0x171: {  	v22 =	vor.u32 v22, v9;
	v3 =	vor.u32 s28, v3;
	_ =	sdelay $0x1  }
0x172: {  	v2 =	vor.u32 s26, v62  }
0x173: {  	v18 =	vld.idx.msk [tilespmem:v20+s3+$0x0], $0xffff;
	[tilespmem:v1+s18+$0x0] =	vst.idx.msk $0xffff, v19;
	v21 =	vor.u32 v21, v9;
	v5 =	vor.u32 s28, v5  }
0x174: {  	v1 =	vor.u32 s26, v61;
	[tilespmem:v4+s18+$0x0] =	vst.idx.msk $0xffff, v17  }
0x175: {  	v17 =	vld.idx.msk [tilespmem:v22+s3+$0x0], $0xffff;
	[tilespmem:v3+s18+$0x0] =	vst.idx.msk $0xffff, v16;
	v3 =	vor.u32 s26, v63  }
0x176: {  	v19 =	vor.u32 v58, v9;
	v4 =	vor.u32 s28, v56  }
0x177: {  	v16 =	vor.u32 v59, v9;
	[tilespmem:v2+s18+$0x0] =	vst.idx.msk $0xffff, v15;
	v2 =	vor.u32 s28, v32  }
0x178: {  	v15 =	vld.idx.msk [tilespmem:v21+s3+$0x0], $0xffff;
	[tilespmem:v5+s18+$0x0] =	vst.idx.msk $0xffff, v14;
	v5 =	vor.u32 s26, v55  }
0x179: {  	v9 =	vor.u32 v49, v9;
	[tilespmem:v1+s18+$0x0] =	vst.idx.msk $0xffff, v10;
	v1 =	vor.u32 s28, v53  }
0x17a: {  	[tilespmem:v3+s18+$0x0] =	vst.idx.msk $0xffff, v12;
	v14 =	vor.u32 s28, v51  }
0x17b: {  	v3 =	vor.u32 s28, v50;
	v10 =	vld.idx.msk [tilespmem:v19+s3+$0x0], $0xffff;
	[tilespmem:v4+s18+$0x0] =	vst.idx.msk $0xffff, v13  }
0x17c: {  	v12 =	vor.u32 s28, v60;
	v4 =	vld.idx.msk [tilespmem:v16+s3+$0x0], $0xffff;
	[tilespmem:v2+s18+$0x0] =	vst.idx.msk $0xffff, v11  }
0x17d: {  	[tilespmem:v5+s18+$0x0] =	vst.idx.msk $0xffff, v0;
	v0 =	vor.u32 s28, v52  }
0x17e: {  	v2 =	vld.idx.msk [tilespmem:v9+s3+$0x0], $0xffff;
	[tilespmem:v1+s18+$0x0] =	vst.idx.msk $0xffff, v8;
	v1 =	vor.u32 s28, v62  }
0x17f: {  	[tilespmem:v14+s18+$0x0] =	vst.idx.msk $0xffff, v7;
	v5 =	vor.u32 s28, v61  }
0x180: {  	[tilespmem:v3+s18+$0x0] =	vst.idx.msk $0xffff, v6;
	v3 =	vor.u32 s28, v63  }
0x181: {  	v6 =	vor.u32 s28, v55;
	[tilespmem:v12+s18+$0x0] =	vst.idx.msk $0xffff, v18  }
0x182: {  	[tilespmem:v0+s18+$0x0] =	vst.idx.msk $0xffff, v17  }
0x183: {  	s30 =	sshll.u32 s24, $0x10;
	[tilespmem:v1+s18+$0x0] =	vst.idx.msk $0xffff, v15  }
0x184: {  	s26 =	sadd.s32 s5, s30;
	[tilespmem:v5+s18+$0x0] =	vst.idx.msk $0xffff, v10  }
0x185: {  	s26 =	sshrl.u32 s26, $0x3;
	[tilespmem:v3+s18+$0x0] =	vst.idx.msk $0xffff, v4  }
0x186: {  	s31 =	sadd.s32 s25, s9;
	s26 =	sadd.s32 s2, s26;
	[tilespmem:v6+s18+$0x0] =	vst.idx.msk $0xffff, v2  }
0x187: {  	[hbm4b:s26+s3] =	stream.linear.scatter [tilespmem:s18], [sflag:$0x4], $0x8000, $0x38;
	[tilespmem:$0x18500] =	vst v63  }
0x188: {  	s26 =	sshll.u32 s31, $0x7  }
0x189: {  	s26 =	sadd.s32 s4, s26  }
0x18a: {  	[tilespmem:s15], [sflag:$0x2] =	stream.linear.gather [hbm4b:s26+s3], $0x400, $0x38;
	[tilespmem:$0x18500] =	vst v63  }
0x18b: {  	_ =	swait.ge [sflag:s19], $0x400  }
0x18c: {  	[sflag:s19] =	ssyncset.done $0x0  }
0x18d: {  	s28 =	simm.s32 @!p0 $0x5;
	[sflag:s19] =	ssyncadd.s32 $0xFFFFFC00  }
0x18e: {  	_ =	swait.ge @!p0 [sflag:s28], $0x8000  }
0x18f: {  	s26 =	simm.s32 $0x0;
	[sflag:s28] =	ssyncset.done @!p0 $0x0  }
0x190: {  	[sflag:s28] =	ssyncadd.s32 @!p0 $0xFFFF8000;
	s28 =	sand.u32 $0x3F0, s26  }
0x191: {  	v0 =	vld [tilespmem:s28+$0x8100]  }
0x192: {  	v1 =	vld [tilespmem:$0x1FFF0]  }
0x193: {  	v2 =	vld [tilespmem:$0x1FFE0];
	_ =	sdelay $0x2  }
0x194: {  	v0 =	vshll.u32 v0, $0x5  }
0x195: {  	v31 =	vmov v1;
	v1 =	vor.u32 v1, v0  }
0x196: {  	v22 =	vlaneseq.u32;
	v9 =	vld [tilespmem:$0x1FD00];
	v54 =	vmov v2;
	v2 =	vor.u32 v2, v0  }
0x197: {  	v11 =	vld [tilespmem:$0x1FD10];
	v3 =	vor.u32 v22, v0  }
0x198: {  	v13 =	vld [tilespmem:$0x1FC60];
	v4 =	vor.u32 v23, v0  }
0x199: {  	v15 =	vld [tilespmem:$0x1FC80];
	v5 =	vor.u32 v29, v0  }
0x19a: {  	v6 =	vor.u32 v47, v0;
	v1 =	vld.idx.msk [tilespmem:v1+s3+$0x0], $0xffff  }
0x19b: {  	v7 =	vor.u32 v57, v0;
	v2 =	vld.idx.msk [tilespmem:v2+s3+$0x0], $0xffff  }
0x19c: {  	v8 =	vor.u32 v48, v0;
	v3 =	vld.idx.msk [tilespmem:v3+s3+$0x0], $0xffff  }
0x19d: {  	v10 =	vor.u32 s26, v36;
	v42 =	vmov v9;
	v9 =	vor.u32 v9, v0;
	v4 =	vld.idx.msk [tilespmem:v4+s3+$0x0], $0xffff  }
0x19e: {  	v5 =	vld.idx.msk [tilespmem:v5+s3+$0x0], $0xffff  }
0x19f: {  	v45 =	vmov v11;
	v11 =	vor.u32 v11, v0;
	v6 =	vld.idx.msk [tilespmem:v6+s3+$0x0], $0xffff  }
0x1a0: {  	v12 =	vor.u32 s26, v37;
	v7 =	vld.idx.msk [tilespmem:v7+s3+$0x0], $0xffff  }
0x1a1: {  	v30 =	vmov v13;
	v13 =	vor.u32 v13, v0;
	v8 =	vld.idx.msk [tilespmem:v8+s3+$0x0], $0xffff  }
0x1a2: {  	v14 =	vor.u32 s26, v39;
	v9 =	vld.idx.msk [tilespmem:v9+s3+$0x0], $0xffff;
	[tilespmem:v10+s20+$0x0] =	vst.idx.msk $0xffff, v3  }
0x1a3: {  	v3 =	vld [tilespmem:$0x1FC90]  }
0x1a4: {  	v15 =	vor.u32 v15, v0;
	v10 =	vld.idx.msk [tilespmem:v11+s3+$0x0], $0xffff  }
0x1a5: {  	v11 =	vld [tilespmem:$0x1FCA0];
	[tilespmem:v12+s20+$0x0] =	vst.idx.msk $0xffff, v4  }
0x1a6: {  	v12 =	vld.idx.msk [tilespmem:v13+s3+$0x0], $0xffff  }
0x1a7: {  	v13 =	vld [tilespmem:$0x1FCC0];
	[tilespmem:v14+s20+$0x0] =	vst.idx.msk $0xffff, v5  }
0x1a8: {  	v5 =	vld [tilespmem:$0x1FCD0]  }
0x1a9: {  	v14 =	vld.idx.msk [tilespmem:v15+s3+$0x0], $0xffff  }
0x1aa: {  	v15 =	vld [tilespmem:$0x1FCE0]  }
0x1ab: {  	v28 =	vmov v3;
	v3 =	vor.u32 s26, v3;
	_ =	sdelay $0x1  }
0x1ac: {  	v4 =	vor.u32 s26, v35;
	v11 =	vor.u32 v11, v0  }
0x1ad: {  	v44 =	vmovc v36;
	v13 =	vor.u32 v13, v0;
	v36 =	vmov v5;
	v5 =	vor.u32 s26, v5  }
0x1ae: {  	v15 =	vor.u32 v15, v0  }
0x1af: {  	[tilespmem:v3+s20+$0x0] =	vst.idx.msk $0xffff, v6;
	v3 =	vor.u32 s26, v43;
	_ =	sdelay $0x1  }
0x1b0: {  	v6 =	vor.u32 v41, v0;
	v11 =	vld.idx.msk [tilespmem:v11+s3+$0x0], $0xffff;
	[tilespmem:v4+s20+$0x0] =	vst.idx.msk $0xffff, v7  }
0x1b1: {  	v4 =	vor.u32 s26, v38;
	v13 =	vld.idx.msk [tilespmem:v13+s3+$0x0], $0xffff;
	[tilespmem:v5+s20+$0x0] =	vst.idx.msk $0xffff, v8  }
0x1b2: {  	v15 =	vld.idx.msk [tilespmem:v15+s3+$0x0], $0xffff  }
0x1b3: {  	v7 =	vor.u32 v40, v0;
	v8 =	vld [tilespmem:$0x1FD70];
	[tilespmem:v3+s20+$0x0] =	vst.idx.msk $0xffff, v1  }
0x1b4: {  	v5 =	vor.u32 s26, v33;
	v1 =	vld [tilespmem:$0x1FD80]  }
0x1b5: {  	v3 =	vld.idx.msk [tilespmem:v6+s3+$0x0], $0xffff  }
0x1b6: {  	v6 =	vld [tilespmem:$0x1FD90];
	[tilespmem:v4+s20+$0x0] =	vst.idx.msk $0xffff, v2  }
0x1b7: {  	v2 =	vld [tilespmem:$0x1FDA0]  }
0x1b8: {  	v20 =	vld.idx.msk [tilespmem:v7+s3+$0x0], $0xffff  }
0x1b9: {  	v4 =	vld [tilespmem:$0x1FDB0];
	[tilespmem:v5+s20+$0x0] =	vst.idx.msk $0xffff, v9;
	v8 =	vor.u32 v8, v0;
	v40 =	vmov v1;
	v1 =	vor.u32 s26, v1  }
0x1ba: {  	v5 =	vld [tilespmem:$0x1FDC0]  }
0x1bb: {  	v6 =	vor.u32 v6, v0  }
0x1bc: {  	v46 =	vmovc v43;
	v43 =	vmov v38;
	v38 =	vmov v2;
	v2 =	vor.u32 s26, v2  }
0x1bd: {  	v7 =	vld [tilespmem:$0x1FDD0]  }
0x1be: {  	v4 =	vor.u32 v4, v0;
	v21 =	vld.idx.msk [tilespmem:v8+s3+$0x0], $0xffff;
	[tilespmem:v1+s20+$0x0] =	vst.idx.msk $0xffff, v10  }
0x1bf: {  	v41 =	vmov v33;
	v33 =	vmov v5;
	v5 =	vor.u32 s26, v5;
	v1 =	vld [tilespmem:$0x1FDE0]  }
0x1c0: {  	v8 =	vld.idx.msk [tilespmem:v6+s3+$0x0], $0xffff  }
0x1c1: {  	v6 =	vld [tilespmem:$0x1FDF0];
	[tilespmem:v2+s20+$0x0] =	vst.idx.msk $0xffff, v12  }
0x1c2: {  	v2 =	vld [tilespmem:$0x1FE00]  }
0x1c3: {  	v9 =	vor.u32 v7, v0;
	v7 =	vld.idx.msk [tilespmem:v4+s3+$0x0], $0xffff  }
0x1c4: {  	v4 =	vld [tilespmem:$0x1FE10];
	[tilespmem:v5+s20+$0x0] =	vst.idx.msk $0xffff, v14  }
0x1c5: {  	v5 =	vld [tilespmem:$0x1FE20];
	_ =	sdelay $0x2  }
0x1c6: {  	v1 =	vor.u32 s26, v1;
	_ =	sdelay $0x1  }
0x1c7: {  	v10 =	vor.u32 v6, v0;
	v12 =	vor.u32 s26, v5;
	v5 =	vld [tilespmem:$0x1FE30]  }
0x1c8: {  	v2 =	vor.u32 s26, v2;
	_ =	sdelay $0x1  }
0x1c9: {  	v6 =	vld.idx.msk [tilespmem:v9+s3+$0x0], $0xffff;
	[tilespmem:v1+s20+$0x0] =	vst.idx.msk $0xffff, v11  }
0x1ca: {  	v1 =	vld [tilespmem:$0x1FEC0]  }
0x1cb: {  	v9 =	vor.u32 v5, v0;
	v5 =	vld.idx.msk [tilespmem:v10+s3+$0x0], $0xffff  }
0x1cc: {  	v10 =	vld [tilespmem:$0x1FE40];
	[tilespmem:v2+s20+$0x0] =	vst.idx.msk $0xffff, v13  }
0x1cd: {  	v2 =	vld [tilespmem:$0x1FED0];
	_ =	sdelay $0x3  }
0x1ce: {  	v4 =	vor.u32 v4, v0  }
0x1cf: {  	v11 =	vor.u32 s26, v2;
	v2 =	vld [tilespmem:$0x1FE50];
	_ =	sdelay $0x3  }
0x1d0: {  	v4 =	vld.idx.msk [tilespmem:v4+s3+$0x0], $0xffff;
	[tilespmem:v12+s20+$0x0] =	vst.idx.msk $0xffff, v15  }
0x1d1: {  	v1 =	vor.u32 s26, v1;
	v13 =	vor.u32 v2, v0;
	v2 =	vld [tilespmem:$0x1FEE0];
	_ =	sdelay $0x4  }
0x1d2: {  	v12 =	vor.u32 s26, v2;
	v2 =	vld.idx.msk [tilespmem:v9+s3+$0x0], $0xffff;
	[tilespmem:v1+s20+$0x0] =	vst.idx.msk $0xffff, v3  }
0x1d3: {  	v3 =	vld [tilespmem:$0x1FEF0];
	_ =	sdelay $0x4  }
0x1d4: {  	v19 =	vor.u32 s26, v3;
	v3 =	vld [tilespmem:$0x1FE70];
	_ =	sdelay $0x3  }
0x1d5: {  	v10 =	vor.u32 v10, v0;
	v1 =	vld [tilespmem:$0x1FE60]  }
0x1d6: {  	v17 =	vor.u32 v3, v0;
	v3 =	vld [tilespmem:$0x1FF00];
	_ =	sdelay $0x3  }
0x1d7: {  	v18 =	vor.u32 v1, v0;
	v1 =	vld.idx.msk [tilespmem:v10+s3+$0x0], $0xffff;
	[tilespmem:v11+s20+$0x0] =	vst.idx.msk $0xffff, v20  }
0x1d8: {  	v16 =	vor.u32 s26, v3;
	v3 =	vld [tilespmem:$0x1FE80];
	_ =	sdelay $0x4  }
0x1d9: {  	v15 =	vor.u32 v3, v0;
	v3 =	vld [tilespmem:$0x1FF10];
	_ =	sdelay $0x1  }
0x1da: {  	s28 =	simm.s32 $0x10  }
0x1db: {  	s28 =	sand.u32 $0x3F0, s28  }
0x1dc: {  	v9 =	vld [tilespmem:s28+$0x8100]  }
0x1dd: {  	v14 =	vor.u32 s26, v3  }
0x1de: {  	v26 =	vmovc v57;
	v27 =	vmov v48;
	v11 =	vor.u32 v58, v0;
	v3 =	vld.idx.msk [tilespmem:v13+s3+$0x0], $0xffff;
	v13 =	vor.u32 s26, v56  }
0x1df: {  	v24 =	vmovc v29;
	v25 =	vmov v47;
	s28 =	simm.s32 $0x20;
	v10 =	vor.u32 s26, v32;
	[tilespmem:v12+s20+$0x0] =	vst.idx.msk $0xffff, v21;
	v12 =	vor.u32 v59, v0  }
.LBB2_5:
0x1e0: {  	v18 =	vld.idx.msk [tilespmem:v18+s3+$0x0], $0xffff;
	[tilespmem:v19+s20+$0x0] =	vst.idx.msk $0xffff, v8;
	v8 =	vor.u32 v49, v0;
	v19 =	vor.u32 s26, v53  }
0x1e1: {  	v0 =	vshll.u32 v9, $0x5;
	v17 =	vld.idx.msk [tilespmem:v17+s3+$0x0], $0xffff;
	[tilespmem:v16+s20+$0x0] =	vst.idx.msk $0xffff, v7;
	v7 =	vor.u32 s26, v51  }
0x1e2: {  	v16 =	vor.u32 v31, v0;
	v15 =	vld.idx.msk [tilespmem:v15+s3+$0x0], $0xffff;
	[tilespmem:v14+s20+$0x0] =	vst.idx.msk $0xffff, v6;
	v6 =	vor.u32 s26, v50  }
0x1e3: {  	v14 =	vor.u32 v54, v0;
	v11 =	vld.idx.msk [tilespmem:v11+s3+$0x0], $0xffff;
	[tilespmem:v13+s20+$0x0] =	vst.idx.msk $0xffff, v5;
	v5 =	vor.u32 s26, v60  }
0x1e4: {  	v13 =	vor.u32 v22, v0;
	v12 =	vld.idx.msk [tilespmem:v12+s3+$0x0], $0xffff;
	[tilespmem:v10+s20+$0x0] =	vst.idx.msk $0xffff, v4;
	v4 =	vor.u32 s26, v52  }
0x1e5: {  	s29 =	sand.u32 $0x3F0, s28;
	v10 =	vor.u32 v23, v0;
	v8 =	vld.idx.msk [tilespmem:v8+s3+$0x0], $0xffff;
	[tilespmem:v19+s20+$0x0] =	vst.idx.msk $0xffff, v2;
	v2 =	vor.u32 s26, v62  }
0x1e6: {  	v19 =	vor.u32 v24, v0;
	v9 =	vld [tilespmem:s29+$0x8100];
	[tilespmem:v7+s20+$0x0] =	vst.idx.msk $0xffff, v1;
	v1 =	vor.u32 s26, v61  }
0x1e7: {  	v7 =	vor.u32 v25, v0;
	v16 =	vld.idx.msk [tilespmem:v16+s3+$0x0], $0xffff;
	[tilespmem:v6+s20+$0x0] =	vst.idx.msk $0xffff, v3;
	v3 =	vor.u32 s26, v63  }
0x1e8: {  	v6 =	vor.u32 v26, v0;
	v14 =	vld.idx.msk [tilespmem:v14+s3+$0x0], $0xffff;
	[tilespmem:v5+s20+$0x0] =	vst.idx.msk $0xffff, v18  }
0x1e9: {  	v13 =	vld.idx.msk [tilespmem:v13+s3+$0x0], $0xffff;
	[tilespmem:v4+s20+$0x0] =	vst.idx.msk $0xffff, v17  }
0x1ea: {  	v4 =	vld.idx.msk [tilespmem:v10+s3+$0x0], $0xffff;
	[tilespmem:v2+s20+$0x0] =	vst.idx.msk $0xffff, v15  }
0x1eb: {  	v5 =	vor.u32 s26, v55;
	v2 =	vld.idx.msk [tilespmem:v19+s3+$0x0], $0xffff;
	[tilespmem:v1+s20+$0x0] =	vst.idx.msk $0xffff, v11  }
0x1ec: {  	v18 =	vor.u32 v27, v0;
	v1 =	vld.idx.msk [tilespmem:v7+s3+$0x0], $0xffff;
	[tilespmem:v3+s20+$0x0] =	vst.idx.msk $0xffff, v12  }
0x1ed: {  	s26 =	sadd.s32 $0x200, s26;
	v10 =	vor.u32 v42, v0;
	v3 =	vld.idx.msk [tilespmem:v6+s3+$0x0], $0xffff  }
0x1ee: {  	v17 =	vor.u32 s26, v44;
	v6 =	vld [tilespmem:$0x1FC80]  }
0x1ef: {  	v15 =	vor.u32 v45, v0  }
0x1f0: {  	v19 =	vor.u32 s26, v37;
	[tilespmem:v5+s20+$0x0] =	vst.idx.msk $0xffff, v8;
	v8 =	vld [tilespmem:$0x1FCA0]  }
0x1f1: {  	v7 =	vor.u32 v30, v0;
	v5 =	vld.idx.msk [tilespmem:v18+s3+$0x0], $0xffff  }
0x1f2: {  	v11 =	vor.u32 s26, v39;
	v10 =	vld.idx.msk [tilespmem:v10+s3+$0x0], $0xffff  }
0x1f3: {  	[tilespmem:v17+s20+$0x0] =	vst.idx.msk $0xffff, v13;
	v13 =	vld [tilespmem:$0x1FCC0];
	v6 =	vor.u32 v6, v0  }
0x1f4: {  	v12 =	vor.u32 s26, v28;
	v15 =	vld.idx.msk [tilespmem:v15+s3+$0x0], $0xffff  }
0x1f5: {  	[tilespmem:v19+s20+$0x0] =	vst.idx.msk $0xffff, v4;
	v4 =	vld [tilespmem:$0x1FCE0];
	v8 =	vor.u32 v8, v0  }
0x1f6: {  	v18 =	vor.u32 s26, v35;
	v7 =	vld.idx.msk [tilespmem:v7+s3+$0x0], $0xffff  }
0x1f7: {  	[tilespmem:v11+s20+$0x0] =	vst.idx.msk $0xffff, v2;
	v2 =	vld [tilespmem:$0x1FD30]  }
0x1f8: {  	v6 =	vld.idx.msk [tilespmem:v6+s3+$0x0], $0xffff  }
0x1f9: {  	[tilespmem:v12+s20+$0x0] =	vst.idx.msk $0xffff, v1;
	v1 =	vld [tilespmem:$0x1FD50]  }
0x1fa: {  	v20 =	vld.idx.msk [tilespmem:v8+s3+$0x0], $0xffff  }
0x1fb: {  	v13 =	vor.u32 v13, v0;
	[tilespmem:v18+s20+$0x0] =	vst.idx.msk $0xffff, v3;
	v3 =	vld [tilespmem:$0x1FD70]  }
0x1fc: {  	v17 =	vor.u32 s26, v36  }
0x1fd: {  	v19 =	vor.u32 s26, v46;
	v4 =	vor.u32 v4, v0  }
0x1fe: {  	v11 =	vor.u32 s26, v43;
	v2 =	vor.u32 v2, v0  }
0x1ff: {  	v12 =	vor.u32 s26, v41;
	v1 =	vor.u32 v1, v0  }
0x200: {  	v13 =	vld.idx.msk [tilespmem:v13+s3+$0x0], $0xffff;
	v3 =	vor.u32 v3, v0  }
0x201: {  	v8 =	vor.u32 s26, v40;
	[tilespmem:v17+s20+$0x0] =	vst.idx.msk $0xffff, v5;
	v5 =	vld [tilespmem:$0x1FD90]  }
0x202: {  	v21 =	vld.idx.msk [tilespmem:v4+s3+$0x0], $0xffff;
	[tilespmem:v19+s20+$0x0] =	vst.idx.msk $0xffff, v16  }
0x203: {  	v22 =	vld.idx.msk [tilespmem:v2+s3+$0x0], $0xffff;
	[tilespmem:v11+s20+$0x0] =	vst.idx.msk $0xffff, v14  }
0x204: {  	v23 =	vld.idx.msk [tilespmem:v1+s3+$0x0], $0xffff;
	[tilespmem:v12+s20+$0x0] =	vst.idx.msk $0xffff, v10  }
0x205: {  	v12 =	vld.idx.msk [tilespmem:v3+s3+$0x0], $0xffff  }
0x206: {  	v5 =	vor.u32 v5, v0;
	[tilespmem:v8+s20+$0x0] =	vst.idx.msk $0xffff, v15;
	v8 =	vld [tilespmem:$0x1FE20]  }
0x207: {  	v4 =	vld [tilespmem:$0x1FDB0]  }
0x208: {  	v2 =	vld [tilespmem:$0x1FDD0]  }
0x209: {  	v11 =	vld [tilespmem:$0x1FDE0]  }
0x20a: {  	v1 =	vld [tilespmem:$0x1FDF0]  }
0x20b: {  	v14 =	vor.u32 s26, v8;
	v8 =	vld.idx.msk [tilespmem:v5+s3+$0x0], $0xffff  }
0x20c: {  	v5 =	vld [tilespmem:$0x1FE30];
	_ =	sdelay $0x1  }
0x20d: {  	v17 =	vor.u32 s26, v38  }
0x20e: {  	v16 =	vor.u32 s26, v33;
	v4 =	vor.u32 v4, v0  }
0x20f: {  	v2 =	vor.u32 v2, v0;
	v11 =	vor.u32 s26, v11  }
0x210: {  	v1 =	vor.u32 v1, v0;
	v15 =	vor.u32 v5, v0;
	v5 =	vld [tilespmem:$0x1FEC0];
	_ =	sdelay $0x1  }
0x211: {  	[tilespmem:v17+s20+$0x0] =	vst.idx.msk $0xffff, v7  }
0x212: {  	v7 =	vld.idx.msk [tilespmem:v4+s3+$0x0], $0xffff;
	[tilespmem:v16+s20+$0x0] =	vst.idx.msk $0xffff, v6  }
0x213: {  	v6 =	vld.idx.msk [tilespmem:v2+s3+$0x0], $0xffff;
	[tilespmem:v11+s20+$0x0] =	vst.idx.msk $0xffff, v20  }
0x214: {  	v24 =	vor.u32 s26, v5;
	v5 =	vld.idx.msk [tilespmem:v1+s3+$0x0], $0xffff  }
0x215: {  	v1 =	vld [tilespmem:$0x1FE60];
	_ =	sdelay $0x4  }
0x216: {  	v18 =	vor.u32 v1, v0;
	v1 =	vld [tilespmem:$0x1FEF0];
	_ =	sdelay $0x4  }
0x217: {  	v19 =	vor.u32 s26, v1;
	v1 =	vld [tilespmem:$0x1FE70]  }
0x218: {  	v10 =	vld [tilespmem:$0x1FE00]  }
0x219: {  	v3 =	vld [tilespmem:$0x1FE10]  }
0x21a: {  	v4 =	vld [tilespmem:$0x1FE40]  }
0x21b: {  	v2 =	vld [tilespmem:$0x1FE50]  }
0x21c: {  	v17 =	vor.u32 v1, v0;
	v1 =	vld [tilespmem:$0x1FF00];
	_ =	sdelay $0x1  }
0x21d: {  	v10 =	vor.u32 s26, v10  }
0x21e: {  	v3 =	vor.u32 v3, v0;
	v25 =	vor.u32 v4, v0;
	v4 =	vld [tilespmem:$0x1FED0]  }
0x21f: {  	v20 =	vor.u32 v2, v0;
	v2 =	vld [tilespmem:$0x1FEE0]  }
0x220: {  	v16 =	vor.u32 s26, v1;
	v1 =	vld [tilespmem:$0x1FE80];
	_ =	sdelay $0x1  }
0x221: {  	[tilespmem:v10+s20+$0x0] =	vst.idx.msk $0xffff, v13  }
0x222: {  	v26 =	vor.u32 s26, v4;
	v4 =	vld.idx.msk [tilespmem:v3+s3+$0x0], $0xffff;
	[tilespmem:v14+s20+$0x0] =	vst.idx.msk $0xffff, v21  }
0x223: {  	v27 =	vor.u32 s26, v2;
	v2 =	vld.idx.msk [tilespmem:v15+s3+$0x0], $0xffff  }
0x224: {  	v15 =	vor.u32 v1, v0;
	v1 =	vld [tilespmem:$0x1FF10];
	_ =	sdelay $0x1  }
0x225: {  	p0 =	sne.s32 s28, $0x3F0  }
.Ltmp1:
0x226: {  	_ = 	snop;
	(pc) =	sbr.rel @p0 .LBB2_5-.Ltmp1, $4  }
0x227: {  	[tilespmem:v24+s20+$0x0] =	vst.idx.msk $0xffff, v22  }
0x228: {  	v11 =	vor.u32 v58, v0;
	v14 =	vor.u32 s26, v1;
	v1 =	vld.idx.msk [tilespmem:v25+s3+$0x0], $0xffff  }
0x229: {  	v13 =	vor.u32 s26, v56;
	v10 =	vor.u32 s26, v32;
	v24 =	vmovc v29;
	v25 =	vmov v47;
	[tilespmem:v26+s20+$0x0] =	vst.idx.msk $0xffff, v23;
	v23 =	vld [tilespmem:$0x1FFD0]  }
0x22a: {  	s28 =	sadd.s32 $0x10, s28;
	v22 =	vlaneseq.u32;
	v26 =	vmovc v57;
	v3 =	vld.idx.msk [tilespmem:v20+s3+$0x0], $0xffff;
	[tilespmem:v27+s20+$0x0] =	vst.idx.msk $0xffff, v12;
	v27 =	vmov v48;
	v12 =	vor.u32 v59, v0  }
0x22b: {  	v9 =	vshll.u32 v9, $0x5  }
0x22c: {  	v20 =	vor.u32 v31, v9;
	_ =	sdelay $0x2  }
0x22d: {  	v25 =	vor.u32 v25, v9  }
0x22e: {  	[tilespmem:$0x1FB60] =	vst v25  }
0x22f: {  	v22 =	vlaneseq.u32;
	v20 =	vld.idx.msk [tilespmem:v20+s3+$0x0], $0xffff  }
0x230: {  	v22 =	vor.u32 v22, v9;
	_ =	sdelay $0x3  }
0x231: {  	[tilespmem:$0x1FB90] =	vst v20  }
0x232: {  	v21 =	vor.u32 v54, v9;
	v20 =	vld.idx.msk [tilespmem:v22+s3+$0x0], $0xffff  }
0x233: {  	v23 =	vor.u32 v23, v9;
	_ =	sdelay $0x3  }
0x234: {  	v54 =	vld.idx.msk [tilespmem:v21+s3+$0x0], $0xffff;
	[tilespmem:$0x1FB70] =	vst v20  }
0x235: {  	v20 =	vld.idx.msk [tilespmem:v23+s3+$0x0], $0xffff;
	_ =	sdelay $0x4  }
0x236: {  	[tilespmem:$0x1FB80] =	vst v20;
	v20 =	vor.u32 v42, v9  }
0x237: {  	v22 =	vld [tilespmem:$0x1FB60];
	_ =	sdelay $0x1  }
0x238: {  	v24 =	vor.u32 v24, v9;
	_ =	sdelay $0x1  }
0x239: {  	s28 =	sadd.s32 $0x200, s26;
	v26 =	vor.u32 v26, v9;
	v25 =	vor.u32 v45, v9;
	v45 =	vor.u32 v30, v9;
	v30 =	vld.idx.msk [tilespmem:v20+s3+$0x0], $0xffff  }
0x23a: {  	v27 =	vor.u32 v27, v9;
	v21 =	vor.u32 s28, v44;
	v20 =	vld [tilespmem:$0x1FB70];
	_ =	sdelay $0x1  }
0x23b: {  	v44 =	vld.idx.msk [tilespmem:v24+s3+$0x0], $0xffff  }
0x23c: {  	v42 =	vld.idx.msk [tilespmem:v22+s3+$0x0], $0xffff  }
0x23d: {  	v22 =	vor.u32 s28, v37;
	v37 =	vld.idx.msk [tilespmem:v26+s3+$0x0], $0xffff  }
0x23e: {  	v27 =	vld.idx.msk [tilespmem:v27+s3+$0x0], $0xffff;
	[tilespmem:v21+s20+$0x0] =	vst.idx.msk $0xffff, v20  }
0x23f: {  	v20 =	vld [tilespmem:$0x1FC80];
	_ =	sdelay $0x1  }
0x240: {  	v23 =	vor.u32 s28, v39;
	v39 =	vld [tilespmem:$0x1FB80];
	_ =	sdelay $0x2  }
0x241: {  	v21 =	vor.u32 v20, v9;
	_ =	sdelay $0x1  }
0x242: {  	v20 =	vor.u32 s28, v28;
	v28 =	vld.idx.msk [tilespmem:v25+s3+$0x0], $0xffff;
	[tilespmem:v22+s20+$0x0] =	vst.idx.msk $0xffff, v39  }
0x243: {  	v31 =	vld [tilespmem:$0x1FCA0]  }
0x244: {  	v26 =	vld.idx.msk [tilespmem:v45+s3+$0x0], $0xffff;
	[tilespmem:v23+s20+$0x0] =	vst.idx.msk $0xffff, v44  }
0x245: {  	v21 =	vld.idx.msk [tilespmem:v21+s3+$0x0], $0xffff;
	_ =	sdelay $0x4  }
0x246: {  	[tilespmem:$0x1FBA0] =	vst v21  }
0x247: {  	v44 =	vld [tilespmem:$0x1FCC0];
	[tilespmem:v20+s20+$0x0] =	vst.idx.msk $0xffff, v42  }
0x248: {  	v45 =	vld [tilespmem:$0x1FCE0];
	_ =	sdelay $0x1  }
0x249: {  	v24 =	vor.u32 s28, v35;
	v22 =	vor.u32 v31, v9;
	_ =	sdelay $0x1  }
0x24a: {  	v25 =	vor.u32 s28, v36;
	v23 =	vor.u32 v44, v9  }
0x24b: {  	v20 =	vor.u32 v45, v9;
	_ =	sdelay $0x1  }
0x24c: {  	v21 =	vor.u32 s28, v46;
	v46 =	vld.idx.msk [tilespmem:v22+s3+$0x0], $0xffff;
	[tilespmem:v24+s20+$0x0] =	vst.idx.msk $0xffff, v37  }
0x24d: {  	v35 =	vld [tilespmem:$0x1FD30]  }
0x24e: {  	v44 =	vld.idx.msk [tilespmem:v23+s3+$0x0], $0xffff;
	[tilespmem:v25+s20+$0x0] =	vst.idx.msk $0xffff, v27  }
0x24f: {  	v42 =	vld.idx.msk [tilespmem:v20+s3+$0x0], $0xffff  }
0x250: {  	v20 =	vld [tilespmem:$0x1FB90];
	_ =	sdelay $0x1  }
0x251: {  	v22 =	vor.u32 s28, v43;
	v36 =	vor.u32 v35, v9;
	_ =	sdelay $0x1  }
0x252: {  	v25 =	vld [tilespmem:$0x1FD50]  }
0x253: {  	[tilespmem:v21+s20+$0x0] =	vst.idx.msk $0xffff, v20  }
0x254: {  	v37 =	vld [tilespmem:$0x1FD70]  }
0x255: {  	v36 =	vld.idx.msk [tilespmem:v36+s3+$0x0], $0xffff;
	[tilespmem:v22+s20+$0x0] =	vst.idx.msk $0xffff, v54  }
0x256: {  	v45 =	vld [tilespmem:$0x1FD90]  }
0x257: {  	v27 =	vor.u32 s28, v41;
	v35 =	vor.u32 v25, v9;
	_ =	sdelay $0x1  }
0x258: {  	v20 =	vor.u32 s28, v40;
	v21 =	vor.u32 v37, v9;
	_ =	sdelay $0x1  }
0x259: {  	v18 =	vld.idx.msk [tilespmem:v18+s3+$0x0], $0xffff;
	v22 =	vor.u32 v45, v9  }
0x25a: {  	v25 =	vld.idx.msk [tilespmem:v35+s3+$0x0], $0xffff;
	[tilespmem:v27+s20+$0x0] =	vst.idx.msk $0xffff, v30  }
0x25b: {  	v23 =	vor.u32 s28, v38;
	v37 =	vld [tilespmem:$0x1FDB0]  }
0x25c: {  	v21 =	vld.idx.msk [tilespmem:v21+s3+$0x0], $0xffff;
	[tilespmem:v20+s20+$0x0] =	vst.idx.msk $0xffff, v28  }
0x25d: {  	v31 =	vld [tilespmem:$0x1FDD0]  }
0x25e: {  	[tilespmem:v19+s20+$0x0] =	vst.idx.msk $0xffff, v8;
	v38 =	vld.idx.msk [tilespmem:v22+s3+$0x0], $0xffff  }
0x25f: {  	v30 =	vld [tilespmem:$0x1FDE0]  }
0x260: {  	[tilespmem:v23+s20+$0x0] =	vst.idx.msk $0xffff, v26;
	v17 =	vld.idx.msk [tilespmem:v17+s3+$0x0], $0xffff  }
0x261: {  	v28 =	vld [tilespmem:$0x1FDF0];
	[tilespmem:v16+s20+$0x0] =	vst.idx.msk $0xffff, v7  }
0x262: {  	v54 =	vor.u32 s28, v33;
	v27 =	vor.u32 v37, v9;
	v23 =	vld [tilespmem:$0x1FBA0];
	_ =	sdelay $0x2  }
0x263: {  	v39 =	vld [tilespmem:$0x1FE00];
	v20 =	vor.u32 v31, v9  }
0x264: {  	v15 =	vld.idx.msk [tilespmem:v15+s3+$0x0], $0xffff;
	v37 =	vor.u32 s28, v30  }
0x265: {  	v41 =	vld.idx.msk [tilespmem:v27+s3+$0x0], $0xffff;
	[tilespmem:v54+s20+$0x0] =	vst.idx.msk $0xffff, v23  }
0x266: {  	v22 =	vor.u32 v28, v9;
	v54 =	vld [tilespmem:$0x1FE10];
	[tilespmem:v14+s20+$0x0] =	vst.idx.msk $0xffff, v6  }
0x267: {  	v6 =	vld [tilespmem:$0x1FE20]  }
0x268: {  	v40 =	vor.u32 s28, v39;
	v14 =	vld.idx.msk [tilespmem:v20+s3+$0x0], $0xffff  }
0x269: {  	v11 =	vld.idx.msk [tilespmem:v11+s3+$0x0], $0xffff;
	[tilespmem:v37+s20+$0x0] =	vst.idx.msk $0xffff, v46  }
0x26a: {  	v20 =	vld [tilespmem:$0x1FE30]  }
0x26b: {  	[tilespmem:v13+s20+$0x0] =	vst.idx.msk $0xffff, v5;
	v13 =	vld.idx.msk [tilespmem:v22+s3+$0x0], $0xffff  }
0x26c: {  	v5 =	vld [tilespmem:$0x1FEC0]  }
0x26d: {  	v0 =	vor.u32 v49, v0;
	[tilespmem:v40+s20+$0x0] =	vst.idx.msk $0xffff, v44;
	v12 =	vld.idx.msk [tilespmem:v12+s3+$0x0], $0xffff  }
0x26e: {  	v23 =	vor.u32 v54, v9;
	v22 =	vld [tilespmem:$0x1FE40];
	[tilespmem:v10+s20+$0x0] =	vst.idx.msk $0xffff, v4;
	v6 =	vor.u32 s28, v6  }
0x26f: {  	v43 =	vor.u32 s26, v53;
	v4 =	vld [tilespmem:$0x1FED0];
	_ =	sdelay $0x1  }
0x270: {  	v20 =	vor.u32 v20, v9;
	v5 =	vor.u32 s28, v5  }
0x271: {  	v0 =	vld.idx.msk [tilespmem:v0+s3+$0x0], $0xffff  }
0x272: {  	v45 =	vor.u32 s26, v51;
	v22 =	vor.u32 v22, v9;
	v10 =	vld.idx.msk [tilespmem:v23+s3+$0x0], $0xffff;
	[tilespmem:v6+s20+$0x0] =	vst.idx.msk $0xffff, v42  }
0x273: {  	v4 =	vor.u32 s28, v4;
	v23 =	vld [tilespmem:$0x1FE50];
	[tilespmem:v43+s20+$0x0] =	vst.idx.msk $0xffff, v2  }
0x274: {  	v46 =	vor.u32 s26, v50;
	v2 =	vld [tilespmem:$0x1FEE0]  }
0x275: {  	v8 =	vld.idx.msk [tilespmem:v20+s3+$0x0], $0xffff;
	[tilespmem:v5+s20+$0x0] =	vst.idx.msk $0xffff, v36  }
0x276: {  	v20 =	vld [tilespmem:$0x1FE60]  }
0x277: {  	[tilespmem:v45+s20+$0x0] =	vst.idx.msk $0xffff, v1;
	v24 =	vld.idx.msk [tilespmem:v22+s3+$0x0], $0xffff  }
0x278: {  	v1 =	vld [tilespmem:$0x1FEF0];
	[tilespmem:v4+s20+$0x0] =	vst.idx.msk $0xffff, v25  }
0x279: {  	v22 =	vld [tilespmem:$0x1FE70];
	[tilespmem:v46+s20+$0x0] =	vst.idx.msk $0xffff, v3  }
0x27a: {  	v23 =	vor.u32 v23, v9;
	v2 =	vor.u32 s28, v2;
	v3 =	vld [tilespmem:$0x1FF00]  }
0x27b: {  	v54 =	vor.u32 s26, v60;
	_ =	sdelay $0x2  }
0x27c: {  	v20 =	vor.u32 v20, v9;
	v1 =	vor.u32 s28, v1  }
0x27d: {  	v22 =	vor.u32 v22, v9;
	v33 =	vld.idx.msk [tilespmem:v23+s3+$0x0], $0xffff;
	v3 =	vor.u32 s28, v3;
	[tilespmem:v2+s20+$0x0] =	vst.idx.msk $0xffff, v21  }
0x27e: {  	v21 =	vld [tilespmem:$0x1FE80];
	[tilespmem:v54+s20+$0x0] =	vst.idx.msk $0xffff, v18  }
0x27f: {  	v26 =	vor.u32 s26, v52;
	v5 =	vld [tilespmem:$0x1FF10]  }
0x280: {  	v35 =	vor.u32 s26, v62  }
0x281: {  	v37 =	vor.u32 s26, v61;
	v36 =	vld.idx.msk [tilespmem:v20+s3+$0x0], $0xffff;
	[tilespmem:v1+s20+$0x0] =	vst.idx.msk $0xffff, v38  }
0x282: {  	v40 =	vld.idx.msk [tilespmem:v22+s3+$0x0], $0xffff;
	[tilespmem:v3+s20+$0x0] =	vst.idx.msk $0xffff, v41;
	v41 =	vor.u32 s26, v63  }
0x283: {  	v45 =	vor.u32 s26, v55  }
0x284: {  	[tilespmem:v26+s20+$0x0] =	vst.idx.msk $0xffff, v17;
	v21 =	vor.u32 v21, v9;
	v5 =	vor.u32 s28, v5  }
0x285: {  	v39 =	vor.u32 s28, v56;
	v38 =	vor.u32 v58, v9;
	[tilespmem:v35+s20+$0x0] =	vst.idx.msk $0xffff, v15  }
0x286: {  	v42 =	vor.u32 v59, v9;
	v43 =	vor.u32 s28, v32;
	[tilespmem:v37+s20+$0x0] =	vst.idx.msk $0xffff, v11  }
0x287: {  	v46 =	vor.u32 s28, v53;
	v9 =	vor.u32 v49, v9;
	[tilespmem:v41+s20+$0x0] =	vst.idx.msk $0xffff, v12  }
0x288: {  	v51 =	vor.u32 s28, v51;
	[tilespmem:v45+s20+$0x0] =	vst.idx.msk $0xffff, v0  }
0x289: {  	v53 =	vor.u32 s28, v50;
	v44 =	vld.idx.msk [tilespmem:v21+s3+$0x0], $0xffff;
	[tilespmem:v5+s20+$0x0] =	vst.idx.msk $0xffff, v14  }
0x28a: {  	v56 =	vor.u32 s28, v60;
	v49 =	vld.idx.msk [tilespmem:v38+s3+$0x0], $0xffff;
	[tilespmem:v39+s20+$0x0] =	vst.idx.msk $0xffff, v13  }
0x28b: {  	v58 =	vor.u32 s28, v52;
	v54 =	vld.idx.msk [tilespmem:v42+s3+$0x0], $0xffff;
	[tilespmem:v43+s20+$0x0] =	vst.idx.msk $0xffff, v10  }
0x28c: {  	v60 =	vor.u32 s28, v62;
	v59 =	vld.idx.msk [tilespmem:v9+s3+$0x0], $0xffff;
	[tilespmem:v46+s20+$0x0] =	vst.idx.msk $0xffff, v8  }
0x28d: {  	v61 =	vor.u32 s28, v61;
	[tilespmem:v51+s20+$0x0] =	vst.idx.msk $0xffff, v24  }
0x28e: {  	v62 =	vor.u32 s28, v63;
	[tilespmem:v53+s20+$0x0] =	vst.idx.msk $0xffff, v33  }
0x28f: {  	v63 =	vor.u32 s28, v55;
	[tilespmem:v56+s20+$0x0] =	vst.idx.msk $0xffff, v36  }
0x290: {  	[tilespmem:v58+s20+$0x0] =	vst.idx.msk $0xffff, v40  }
0x291: {  	p0 =	seq.s32 s24, $0x3D;
	[tilespmem:v60+s20+$0x0] =	vst.idx.msk $0xffff, v44  }
.Ltmp2:
0x292: {  	[tilespmem:v61+s20+$0x0] =	vst.idx.msk $0xffff, v49;
	(pc) =	sbr.rel @p0 .LBB2_8-.Ltmp2, $4  }
0x293: {  	[tilespmem:v62+s20+$0x0] =	vst.idx.msk $0xffff, v54  }
0x294: {  	s31 =	sshll.u32 s24, $0xD;
	[tilespmem:v63+s20+$0x0] =	vst.idx.msk $0xffff, v59  }
0x295: {  	s26 =	sadd.s32 s13, s31;
	v21 =	vld [tilespmem:$0x1FFE0]  }
0x296: {  	[hbm4b:s26+s3] =	stream.linear.scatter [tilespmem:s20], [sflag:$0x5], $0x8000, $0x38;
	[tilespmem:$0x18500] =	vst v63  }
0x297: {  	v23 =	vld [tilespmem:$0x1FFD0]  }
0x298: {  	v15 =	vld [tilespmem:$0x1FCF0]  }
0x299: {  	v36 =	vld [tilespmem:$0x1FD00]  }
0x29a: {  	v35 =	vld [tilespmem:$0x1FD10]  }
0x29b: {  	v37 =	vld [tilespmem:$0x1FC50]  }
0x29c: {  	v38 =	vld [tilespmem:$0x1FC60]  }
0x29d: {  	v39 =	vld [tilespmem:$0x1FC70]  }
0x29e: {  	v40 =	vld [tilespmem:$0x1FC80]  }
0x29f: {  	v41 =	vld [tilespmem:$0x1FC90]  }
0x2a0: {  	v42 =	vld [tilespmem:$0x1FCA0]  }
0x2a1: {  	v43 =	vld [tilespmem:$0x1FCB0]  }
0x2a2: {  	v44 =	vld [tilespmem:$0x1FCC0]  }
0x2a3: {  	v54 =	vld [tilespmem:$0x1FCD0]  }
0x2a4: {  	v45 =	vld [tilespmem:$0x1FCE0]  }
0x2a5: {  	v18 =	vld [tilespmem:$0x1FD20]  }
0x2a6: {  	v46 =	vld [tilespmem:$0x1FD30]  }
0x2a7: {  	v30 =	vld [tilespmem:$0x1FD40]  }
0x2a8: {  	v31 =	vld [tilespmem:$0x1FD50]  }
0x2a9: {  	v33 =	vld [tilespmem:$0x1FD60]  }
0x2aa: {  	v19 =	vld [tilespmem:$0x1FD70]  }
0x2ab: {  	v56 =	vld [tilespmem:$0x1FD80]  }
0x2ac: {  	v49 =	vld [tilespmem:$0x1FD90]  }
0x2ad: {  	v58 =	vld [tilespmem:$0x1FDA0]  }
0x2ae: {  	v50 =	vld [tilespmem:$0x1FDB0]  }
0x2af: {  	v59 =	vld [tilespmem:$0x1FDC0]  }
0x2b0: {  	v51 =	vld [tilespmem:$0x1FDD0]  }
0x2b1: {  	v17 =	vld [tilespmem:$0x1FDE0]  }
0x2b2: {  	v60 =	vld [tilespmem:$0x1FDF0]  }
0x2b3: {  	v53 =	vld [tilespmem:$0x1FE00]  }
0x2b4: {  	v52 =	vld [tilespmem:$0x1FE10]  }
0x2b5: {  	v61 =	vld [tilespmem:$0x1FE20]  }
0x2b6: {  	v62 =	vld [tilespmem:$0x1FE30]  }
0x2b7: {  	v63 =	vld [tilespmem:$0x1FE40]  }
0x2b8: {  	v20 =	vmov v34;
	v34 =	vld [tilespmem:$0x1FE90]  }
0x2b9: {  	v27 =	vmov v48;
	v48 =	vld [tilespmem:$0x1FEA0]  }
0x2ba: {  	v7 =	vld [tilespmem:$0x1FEC0]  }
0x2bb: {  	v16 =	vld [tilespmem:$0x1FED0]  }
.Ltmp3:
0x2bc: {  	v9 =	vld [tilespmem:$0x1FEE0];
	(pc) =	sbr.rel .LBB2_2-.Ltmp3, $4  }
0x2bd: {  	s25 =	sadd.s32 s25, s10;
	v8 =	vld [tilespmem:$0x1FEF0]  }
0x2be: {  	v28 =	vld [tilespmem:$0x1FF00];
	s25 =	sshll.u32 s25, $0x7  }
0x2bf: {  	s24 =	sadd.s32 $0x1, s24;
	v10 =	vld [tilespmem:$0x1FF10];
	s25 =	sadd.s32 s4, s25  }
0x2c0: {  	v22 =	vlaneseq.u32;
	v24 =	vmovc v29;
	v25 =	vmov v47;
	v26 =	vmov v57;
	v32 =	vld [tilespmem:$0x1FF30];
	[tilespmem:s16], [sflag:$0x3] =	stream.linear.gather [hbm4b:s25+s3], $0x400, $0x38  }
.LBB2_8:
0x2c1: {  	_ =	swait.ge [sflag:s17], $0x400  }
0x2c2: {  	[sflag:s17] =	ssyncset.done $0x0  }
0x2c3: {  	[sflag:s17] =	ssyncadd.s32 $0xFFFFFC00  }
0x2c4: {  	_ =	swait.ge [sflag:s21], $0x8000  }
0x2c5: {  	s24 =	simm.s32 $0x0;
	[sflag:s21] =	ssyncset.done $0x0  }
0x2c6: {  	s25 =	sand.u32 $0x3F0, s24;
	[sflag:s21] =	ssyncadd.s32 $0xFFFF8000  }
0x2c7: {  	v0 =	vld [tilespmem:s25+$0x7D00];
	_ =	sdelay $0x2  }
0x2c8: {  	v23 =	vld [tilespmem:$0x1FFD0]  }
0x2c9: {  	v36 =	vld [tilespmem:$0x1FD00]  }
0x2ca: {  	v10 =	vld [tilespmem:$0x1FCF0];
	v0 =	vshll.u32 v0, $0x5  }
0x2cb: {  	v35 =	vld [tilespmem:$0x1FD10];
	v1 =	vor.u32 v34, v0  }
0x2cc: {  	v22 =	vlaneseq.u32;
	v32 =	vld [tilespmem:$0x1FC50];
	v2 =	vor.u32 v21, v0  }
0x2cd: {  	v38 =	vld [tilespmem:$0x1FC60];
	v3 =	vor.u32 v22, v0  }
0x2ce: {  	v37 =	vld [tilespmem:$0x1FC70];
	v4 =	vor.u32 v23, v0  }
0x2cf: {  	v63 =	vld [tilespmem:$0x1FC80];
	v5 =	vor.u32 v29, v0  }
0x2d0: {  	v6 =	vor.u32 v47, v0;
	v1 =	vld.idx.msk [tilespmem:v1+s3+$0x0], $0xffff  }
0x2d1: {  	v7 =	vor.u32 v57, v0;
	v2 =	vld.idx.msk [tilespmem:v2+s3+$0x0], $0xffff  }
0x2d2: {  	v8 =	vor.u32 v48, v0;
	v3 =	vld.idx.msk [tilespmem:v3+s3+$0x0], $0xffff  }
0x2d3: {  	v50 =	vmov v10;
	v10 =	vor.u32 s24, v10;
	v9 =	vor.u32 v36, v0;
	v4 =	vld.idx.msk [tilespmem:v4+s3+$0x0], $0xffff  }
0x2d4: {  	v5 =	vld.idx.msk [tilespmem:v5+s3+$0x0], $0xffff  }
0x2d5: {  	v11 =	vor.u32 v35, v0;
	v6 =	vld.idx.msk [tilespmem:v6+s3+$0x0], $0xffff  }
0x2d6: {  	v12 =	vor.u32 s24, v32;
	v7 =	vld.idx.msk [tilespmem:v7+s3+$0x0], $0xffff  }
0x2d7: {  	v8 =	vld.idx.msk [tilespmem:v8+s3+$0x0], $0xffff  }
0x2d8: {  	v13 =	vor.u32 v38, v0;
	v9 =	vld.idx.msk [tilespmem:v9+s3+$0x0], $0xffff;
	[tilespmem:v10+s18+$0x0] =	vst.idx.msk $0xffff, v3  }
0x2d9: {  	v14 =	vor.u32 s24, v37;
	v53 =	vld [tilespmem:$0x1FC90]  }
0x2da: {  	v10 =	vld.idx.msk [tilespmem:v11+s3+$0x0], $0xffff  }
0x2db: {  	v62 =	vld [tilespmem:$0x1FCA0];
	[tilespmem:v12+s18+$0x0] =	vst.idx.msk $0xffff, v4  }
0x2dc: {  	v52 =	vld [tilespmem:$0x1FCB0]  }
0x2dd: {  	v15 =	vor.u32 v63, v0;
	v12 =	vld.idx.msk [tilespmem:v13+s3+$0x0], $0xffff  }
0x2de: {  	v61 =	vld [tilespmem:$0x1FCC0];
	[tilespmem:v14+s18+$0x0] =	vst.idx.msk $0xffff, v5;
	v3 =	vor.u32 s24, v53  }
0x2df: {  	v51 =	vld [tilespmem:$0x1FCD0]  }
0x2e0: {  	v11 =	vor.u32 v62, v0  }
0x2e1: {  	v4 =	vor.u32 s24, v52  }
0x2e2: {  	v14 =	vld.idx.msk [tilespmem:v15+s3+$0x0], $0xffff  }
0x2e3: {  	v60 =	vld [tilespmem:$0x1FCE0];
	v13 =	vor.u32 v61, v0;
	[tilespmem:v3+s18+$0x0] =	vst.idx.msk $0xffff, v6  }
0x2e4: {  	v5 =	vor.u32 s24, v51;
	v3 =	vld [tilespmem:$0x1FD20]  }
0x2e5: {  	v11 =	vld.idx.msk [tilespmem:v11+s3+$0x0], $0xffff  }
0x2e6: {  	v6 =	vld [tilespmem:$0x1FD30];
	[tilespmem:v4+s18+$0x0] =	vst.idx.msk $0xffff, v7  }
0x2e7: {  	v4 =	vld [tilespmem:$0x1FD40]  }
0x2e8: {  	v15 =	vor.u32 v60, v0;
	v13 =	vld.idx.msk [tilespmem:v13+s3+$0x0], $0xffff  }
0x2e9: {  	v7 =	vld [tilespmem:$0x1FD50];
	[tilespmem:v5+s18+$0x0] =	vst.idx.msk $0xffff, v8;
	v59 =	vmov v3;
	v3 =	vor.u32 s24, v3  }
0x2ea: {  	v5 =	vld [tilespmem:$0x1FD60]  }
0x2eb: {  	v58 =	vmov v6;
	v6 =	vor.u32 v6, v0  }
0x2ec: {  	v49 =	vmov v4;
	v4 =	vor.u32 s24, v4  }
0x2ed: {  	v15 =	vld.idx.msk [tilespmem:v15+s3+$0x0], $0xffff  }
0x2ee: {  	v8 =	vld [tilespmem:$0x1FD70];
	v31 =	vmov v7;
	v7 =	vor.u32 v7, v0;
	[tilespmem:v3+s18+$0x0] =	vst.idx.msk $0xffff, v1  }
0x2ef: {  	v33 =	vmov v5;
	v5 =	vor.u32 s24, v5;
	v1 =	vld [tilespmem:$0x1FD80]  }
0x2f0: {  	v3 =	vld.idx.msk [tilespmem:v6+s3+$0x0], $0xffff  }
0x2f1: {  	v6 =	vld [tilespmem:$0x1FD90];
	[tilespmem:v4+s18+$0x0] =	vst.idx.msk $0xffff, v2  }
0x2f2: {  	v2 =	vld [tilespmem:$0x1FDA0]  }
0x2f3: {  	v30 =	vmov v8;
	v8 =	vor.u32 v8, v0;
	v20 =	vld.idx.msk [tilespmem:v7+s3+$0x0], $0xffff  }
0x2f4: {  	v4 =	vld [tilespmem:$0x1FDB0];
	[tilespmem:v5+s18+$0x0] =	vst.idx.msk $0xffff, v9;
	v56 =	vmov v1;
	v1 =	vor.u32 s24, v1  }
0x2f5: {  	v5 =	vld [tilespmem:$0x1FDC0]  }
0x2f6: {  	v46 =	vmov v6;
	v6 =	vor.u32 v6, v0  }
0x2f7: {  	v39 =	vmov v2;
	v2 =	vor.u32 s24, v2  }
0x2f8: {  	v42 =	vmov v21;
	v21 =	vld.idx.msk [tilespmem:v8+s3+$0x0], $0xffff  }
0x2f9: {  	v7 =	vld [tilespmem:$0x1FDD0];
	v41 =	vmov v4;
	v4 =	vor.u32 v4, v0;
	[tilespmem:v1+s18+$0x0] =	vst.idx.msk $0xffff, v10  }
0x2fa: {  	v55 =	vmov v5;
	v5 =	vor.u32 s24, v5;
	v1 =	vld [tilespmem:$0x1FDE0]  }
0x2fb: {  	v8 =	vld.idx.msk [tilespmem:v6+s3+$0x0], $0xffff  }
0x2fc: {  	v6 =	vld [tilespmem:$0x1FDF0];
	[tilespmem:v2+s18+$0x0] =	vst.idx.msk $0xffff, v12  }
0x2fd: {  	v2 =	vld [tilespmem:$0x1FE00]  }
0x2fe: {  	v45 =	vmov v7;
	v9 =	vor.u32 v7, v0;
	v7 =	vld.idx.msk [tilespmem:v4+s3+$0x0], $0xffff  }
0x2ff: {  	v4 =	vld [tilespmem:$0x1FE10];
	[tilespmem:v5+s18+$0x0] =	vst.idx.msk $0xffff, v14  }
0x300: {  	v5 =	vld [tilespmem:$0x1FE20];
	_ =	sdelay $0x2  }
0x301: {  	v1 =	vor.u32 s24, v1;
	_ =	sdelay $0x1  }
0x302: {  	v10 =	vor.u32 v6, v0;
	v12 =	vor.u32 s24, v5;
	v5 =	vld [tilespmem:$0x1FE30]  }
0x303: {  	v2 =	vor.u32 s24, v2;
	_ =	sdelay $0x1  }
0x304: {  	v6 =	vld.idx.msk [tilespmem:v9+s3+$0x0], $0xffff;
	[tilespmem:v1+s18+$0x0] =	vst.idx.msk $0xffff, v11  }
0x305: {  	v1 =	vld [tilespmem:$0x1FEC0]  }
0x306: {  	v9 =	vor.u32 v5, v0;
	v5 =	vld.idx.msk [tilespmem:v10+s3+$0x0], $0xffff  }
0x307: {  	v10 =	vld [tilespmem:$0x1FE40];
	[tilespmem:v2+s18+$0x0] =	vst.idx.msk $0xffff, v13  }
0x308: {  	v2 =	vld [tilespmem:$0x1FED0];
	_ =	sdelay $0x3  }
0x309: {  	v4 =	vor.u32 v4, v0  }
0x30a: {  	v11 =	vor.u32 s24, v2;
	v2 =	vld [tilespmem:$0x1FE50];
	_ =	sdelay $0x3  }
0x30b: {  	v4 =	vld.idx.msk [tilespmem:v4+s3+$0x0], $0xffff;
	[tilespmem:v12+s18+$0x0] =	vst.idx.msk $0xffff, v15  }
0x30c: {  	v1 =	vor.u32 s24, v1;
	v13 =	vor.u32 v2, v0;
	v2 =	vld [tilespmem:$0x1FEE0];
	_ =	sdelay $0x4  }
0x30d: {  	v12 =	vor.u32 s24, v2;
	v2 =	vld.idx.msk [tilespmem:v9+s3+$0x0], $0xffff;
	[tilespmem:v1+s18+$0x0] =	vst.idx.msk $0xffff, v3  }
0x30e: {  	v3 =	vld [tilespmem:$0x1FEF0];
	_ =	sdelay $0x4  }
0x30f: {  	v19 =	vor.u32 s24, v3;
	v3 =	vld [tilespmem:$0x1FE70];
	_ =	sdelay $0x3  }
0x310: {  	v10 =	vor.u32 v10, v0;
	v1 =	vld [tilespmem:$0x1FE60]  }
0x311: {  	v17 =	vor.u32 v3, v0;
	v3 =	vld [tilespmem:$0x1FF00];
	_ =	sdelay $0x3  }
0x312: {  	v18 =	vor.u32 v1, v0;
	v1 =	vld.idx.msk [tilespmem:v10+s3+$0x0], $0xffff;
	[tilespmem:v11+s18+$0x0] =	vst.idx.msk $0xffff, v20  }
0x313: {  	v16 =	vor.u32 s24, v3;
	v3 =	vld [tilespmem:$0x1FE80];
	_ =	sdelay $0x4  }
0x314: {  	v15 =	vor.u32 v3, v0;
	v3 =	vld [tilespmem:$0x1FF10];
	_ =	sdelay $0x4  }
0x315: {  	v14 =	vor.u32 s24, v3;
	v3 =	vld [tilespmem:$0x1FE90]  }
0x316: {  	v10 =	vld [tilespmem:$0x1FF20];
	_ =	sdelay $0x3  }
0x317: {  	v11 =	vor.u32 v3, v0;
	v3 =	vld.idx.msk [tilespmem:v13+s3+$0x0], $0xffff;
	[tilespmem:v12+s18+$0x0] =	vst.idx.msk $0xffff, v21  }
0x318: {  	v13 =	vor.u32 s24, v10;
	v10 =	vld [tilespmem:$0x1FEA0];
	_ =	sdelay $0x1  }
0x319: {  	s31 =	simm.s32 $0x10  }
0x31a: {  	s25 =	sand.u32 $0x3F0, s31  }
0x31b: {  	v9 =	vld [tilespmem:s25+$0x7D00]  }
0x31c: {  	v12 =	vor.u32 v10, v0;
	v10 =	vld [tilespmem:$0x1FF30]  }
0x31d: {  	v28 =	vld [tilespmem:$0x1FEB0]  }
0x31e: {  	v54 =	vld [tilespmem:$0x1FF40]  }
0x31f: {  	v44 =	vld [tilespmem:$0x1FF50]  }
0x320: {  	v43 =	vld [tilespmem:$0x1FF60]  }
0x321: {  	v24 =	vmovc v29;
	v25 =	vmovc v47;
	v26 =	vmov v57;
	v27 =	vmov v48;
	s25 =	simm.s32 $0x20;
	v40 =	vld [tilespmem:$0x1FF70];
	v10 =	vor.u32 s24, v10  }
.LBB2_9:
0x322: {  	v18 =	vld.idx.msk [tilespmem:v18+s3+$0x0], $0xffff;
	[tilespmem:v19+s18+$0x0] =	vst.idx.msk $0xffff, v8  }
0x323: {  	v8 =	vor.u32 v28, v0;
	v17 =	vld.idx.msk [tilespmem:v17+s3+$0x0], $0xffff;
	[tilespmem:v16+s18+$0x0] =	vst.idx.msk $0xffff, v7  }
0x324: {  	v19 =	vor.u32 s24, v54;
	v15 =	vld.idx.msk [tilespmem:v15+s3+$0x0], $0xffff;
	[tilespmem:v14+s18+$0x0] =	vst.idx.msk $0xffff, v6  }
0x325: {  	v11 =	vld.idx.msk [tilespmem:v11+s3+$0x0], $0xffff;
	[tilespmem:v13+s18+$0x0] =	vst.idx.msk $0xffff, v5  }
0x326: {  	v0 =	vshll.u32 v9, $0x5;
	v7 =	vor.u32 s24, v44;
	v12 =	vld.idx.msk [tilespmem:v12+s3+$0x0], $0xffff  }
0x327: {  	v16 =	vor.u32 v34, v0;
	[tilespmem:v10+s18+$0x0] =	vst.idx.msk $0xffff, v4;
	v4 =	vld [tilespmem:$0x1FF80]  }
0x328: {  	v6 =	vor.u32 s24, v43;
	v8 =	vld.idx.msk [tilespmem:v8+s3+$0x0], $0xffff  }
0x329: {  	s26 =	sand.u32 $0x3F0, s25;
	v14 =	vor.u32 v42, v0;
	[tilespmem:v19+s18+$0x0] =	vst.idx.msk $0xffff, v2;
	v2 =	vld [tilespmem:$0x1FF90]  }
0x32a: {  	v5 =	vor.u32 s24, v40;
	v9 =	vld [tilespmem:s26+$0x7D00]  }
0x32b: {  	[tilespmem:v7+s18+$0x0] =	vst.idx.msk $0xffff, v1;
	v1 =	vld [tilespmem:$0x1FFA0]  }
0x32c: {  	v16 =	vld.idx.msk [tilespmem:v16+s3+$0x0], $0xffff  }
0x32d: {  	[tilespmem:v6+s18+$0x0] =	vst.idx.msk $0xffff, v3;
	v3 =	vld [tilespmem:$0x1FFB0]  }
0x32e: {  	v14 =	vld.idx.msk [tilespmem:v14+s3+$0x0], $0xffff  }
0x32f: {  	[tilespmem:v5+s18+$0x0] =	vst.idx.msk $0xffff, v18;
	v5 =	vld [tilespmem:$0x1FFC0]  }
0x330: {  	v13 =	vor.u32 v22, v0;
	v4 =	vor.u32 s24, v4  }
0x331: {  	v10 =	vor.u32 v23, v0;
	v2 =	vor.u32 s24, v2  }
0x332: {  	v19 =	vor.u32 v24, v0;
	v1 =	vor.u32 s24, v1  }
0x333: {  	v7 =	vor.u32 v25, v0;
	v3 =	vor.u32 s24, v3  }
0x334: {  	v6 =	vor.u32 v26, v0;
	v5 =	vor.u32 s24, v5  }
0x335: {  	v18 =	vor.u32 v27, v0;
	v13 =	vld.idx.msk [tilespmem:v13+s3+$0x0], $0xffff;
	s24 =	sadd.s32 $0x200, s24;
	[tilespmem:v4+s18+$0x0] =	vst.idx.msk $0xffff, v17  }
0x336: {  	v17 =	vor.u32 s24, v50;
	v4 =	vld.idx.msk [tilespmem:v10+s3+$0x0], $0xffff;
	v10 =	vor.u32 v36, v0;
	[tilespmem:v2+s18+$0x0] =	vst.idx.msk $0xffff, v15  }
0x337: {  	v15 =	vor.u32 v35, v0;
	v2 =	vld.idx.msk [tilespmem:v19+s3+$0x0], $0xffff;
	v19 =	vor.u32 s24, v32;
	[tilespmem:v1+s18+$0x0] =	vst.idx.msk $0xffff, v11  }
0x338: {  	v11 =	vor.u32 s24, v37;
	v1 =	vld.idx.msk [tilespmem:v7+s3+$0x0], $0xffff;
	v7 =	vor.u32 v38, v0;
	[tilespmem:v3+s18+$0x0] =	vst.idx.msk $0xffff, v12  }
0x339: {  	v12 =	vor.u32 s24, v53;
	v3 =	vld.idx.msk [tilespmem:v6+s3+$0x0], $0xffff;
	v6 =	vor.u32 v63, v0;
	[tilespmem:v5+s18+$0x0] =	vst.idx.msk $0xffff, v8  }
0x33a: {  	v8 =	vor.u32 v62, v0;
	v5 =	vld.idx.msk [tilespmem:v18+s3+$0x0], $0xffff;
	v18 =	vor.u32 s24, v52  }
0x33b: {  	v10 =	vld.idx.msk [tilespmem:v10+s3+$0x0], $0xffff;
	[tilespmem:v17+s18+$0x0] =	vst.idx.msk $0xffff, v13;
	v13 =	vor.u32 v61, v0;
	v17 =	vor.u32 s24, v51  }
0x33c: {  	v15 =	vld.idx.msk [tilespmem:v15+s3+$0x0], $0xffff;
	[tilespmem:v19+s18+$0x0] =	vst.idx.msk $0xffff, v4;
	v4 =	vor.u32 v60, v0;
	v19 =	vor.u32 s24, v59  }
0x33d: {  	v7 =	vld.idx.msk [tilespmem:v7+s3+$0x0], $0xffff;
	[tilespmem:v11+s18+$0x0] =	vst.idx.msk $0xffff, v2;
	v2 =	vor.u32 v58, v0;
	v11 =	vor.u32 s24, v49  }
0x33e: {  	v6 =	vld.idx.msk [tilespmem:v6+s3+$0x0], $0xffff;
	[tilespmem:v12+s18+$0x0] =	vst.idx.msk $0xffff, v1;
	v1 =	vor.u32 v31, v0;
	v12 =	vor.u32 s24, v33  }
0x33f: {  	v20 =	vld.idx.msk [tilespmem:v8+s3+$0x0], $0xffff;
	[tilespmem:v18+s18+$0x0] =	vst.idx.msk $0xffff, v3;
	v3 =	vor.u32 v30, v0  }
0x340: {  	v8 =	vor.u32 s24, v56;
	v13 =	vld.idx.msk [tilespmem:v13+s3+$0x0], $0xffff;
	[tilespmem:v17+s18+$0x0] =	vst.idx.msk $0xffff, v5  }
0x341: {  	v21 =	vld.idx.msk [tilespmem:v4+s3+$0x0], $0xffff;
	[tilespmem:v19+s18+$0x0] =	vst.idx.msk $0xffff, v16  }
0x342: {  	v22 =	vld.idx.msk [tilespmem:v2+s3+$0x0], $0xffff;
	[tilespmem:v11+s18+$0x0] =	vst.idx.msk $0xffff, v14  }
0x343: {  	v23 =	vld.idx.msk [tilespmem:v1+s3+$0x0], $0xffff;
	[tilespmem:v12+s18+$0x0] =	vst.idx.msk $0xffff, v10  }
0x344: {  	v12 =	vld.idx.msk [tilespmem:v3+s3+$0x0], $0xffff  }
0x345: {  	v5 =	vor.u32 v46, v0;
	[tilespmem:v8+s18+$0x0] =	vst.idx.msk $0xffff, v15;
	v8 =	vld [tilespmem:$0x1FE20];
	_ =	sdelay $0x2  }
0x346: {  	v11 =	vld [tilespmem:$0x1FDE0]  }
0x347: {  	v1 =	vld [tilespmem:$0x1FDF0]  }
0x348: {  	v14 =	vor.u32 s24, v8;
	v8 =	vld.idx.msk [tilespmem:v5+s3+$0x0], $0xffff  }
0x349: {  	v5 =	vld [tilespmem:$0x1FE30];
	_ =	sdelay $0x1  }
0x34a: {  	v17 =	vor.u32 s24, v39  }
0x34b: {  	v4 =	vor.u32 v41, v0;
	v16 =	vor.u32 s24, v55  }
0x34c: {  	v2 =	vor.u32 v45, v0;
	v11 =	vor.u32 s24, v11  }
0x34d: {  	v1 =	vor.u32 v1, v0;
	v15 =	vor.u32 v5, v0;
	v5 =	vld [tilespmem:$0x1FEC0];
	_ =	sdelay $0x1  }
0x34e: {  	[tilespmem:v17+s18+$0x0] =	vst.idx.msk $0xffff, v7  }
0x34f: {  	v7 =	vld.idx.msk [tilespmem:v4+s3+$0x0], $0xffff;
	[tilespmem:v16+s18+$0x0] =	vst.idx.msk $0xffff, v6  }
0x350: {  	v6 =	vld.idx.msk [tilespmem:v2+s3+$0x0], $0xffff;
	[tilespmem:v11+s18+$0x0] =	vst.idx.msk $0xffff, v20  }
0x351: {  	v24 =	vor.u32 s24, v5;
	v5 =	vld.idx.msk [tilespmem:v1+s3+$0x0], $0xffff  }
0x352: {  	v1 =	vld [tilespmem:$0x1FE60];
	_ =	sdelay $0x4  }
0x353: {  	v18 =	vor.u32 v1, v0;
	v1 =	vld [tilespmem:$0x1FEF0];
	_ =	sdelay $0x1  }
0x354: {  	v10 =	vld [tilespmem:$0x1FE00]  }
0x355: {  	v3 =	vld [tilespmem:$0x1FE10]  }
0x356: {  	v4 =	vld [tilespmem:$0x1FE40]  }
0x357: {  	v19 =	vor.u32 s24, v1;
	v1 =	vld [tilespmem:$0x1FE70];
	_ =	sdelay $0x2  }
0x358: {  	v10 =	vor.u32 s24, v10;
	v2 =	vld [tilespmem:$0x1FE50]  }
0x359: {  	v3 =	vor.u32 v3, v0;
	v25 =	vor.u32 v4, v0;
	v4 =	vld [tilespmem:$0x1FED0]  }
0x35a: {  	v17 =	vor.u32 v1, v0;
	v1 =	vld [tilespmem:$0x1FF00];
	_ =	sdelay $0x2  }
0x35b: {  	v20 =	vor.u32 v2, v0;
	v2 =	vld [tilespmem:$0x1FEE0];
	[tilespmem:v10+s18+$0x0] =	vst.idx.msk $0xffff, v13  }
0x35c: {  	v26 =	vor.u32 s24, v4;
	v4 =	vld.idx.msk [tilespmem:v3+s3+$0x0], $0xffff  }
0x35d: {  	v16 =	vor.u32 s24, v1;
	v1 =	vld [tilespmem:$0x1FE80]  }
0x35e: {  	v3 =	vld [tilespmem:$0x1FE90];
	_ =	sdelay $0x1  }
0x35f: {  	[tilespmem:v14+s18+$0x0] =	vst.idx.msk $0xffff, v21  }
0x360: {  	v27 =	vor.u32 s24, v2;
	v2 =	vld.idx.msk [tilespmem:v15+s3+$0x0], $0xffff  }
0x361: {  	v15 =	vor.u32 v1, v0;
	v1 =	vld [tilespmem:$0x1FF10]  }
0x362: {  	v11 =	vor.u32 v3, v0;
	v3 =	vld [tilespmem:$0x1FF20]  }
0x363: {  	v10 =	vld [tilespmem:$0x1FEA0];
	_ =	sdelay $0x1  }
0x364: {  	[tilespmem:v24+s18+$0x0] =	vst.idx.msk $0xffff, v22  }
0x365: {  	v14 =	vor.u32 s24, v1;
	v1 =	vld.idx.msk [tilespmem:v25+s3+$0x0], $0xffff;
	[tilespmem:v26+s18+$0x0] =	vst.idx.msk $0xffff, v23  }
0x366: {  	v13 =	vor.u32 s24, v3;
	v3 =	vld.idx.msk [tilespmem:v20+s3+$0x0], $0xffff  }
0x367: {  	p0 =	sne.s32 s25, $0x3F0;
	[tilespmem:v27+s18+$0x0] =	vst.idx.msk $0xffff, v12;
	v12 =	vor.u32 v10, v0;
	v10 =	vld [tilespmem:$0x1FF30]  }
.Ltmp4:
0x368: {  	_ = 	snop;
	(pc) =	sbr.rel @p0 .LBB2_9-.Ltmp4, $3  }
0x369: {  	_ =	sdelay $0x1  }
0x36a: {  	v24 =	vmov v29  }
0x36b: {  	s25 =	sadd.s32 $0x10, s25;
	v22 =	vlaneseq.u32;
	v25 =	vmovc v47;
	v26 =	vmovc v57;
	v23 =	vld [tilespmem:$0x1FFD0];
	v27 =	vmov v48;
	v10 =	vor.u32 s24, v10  }
0x36c: {  	v9 =	vshll.u32 v9, $0x5  }
0x36d: {  	v22 =	vlaneseq.u32;
	v20 =	vor.u32 v34, v9  }
0x36e: {  	v22 =	vor.u32 v22, v9  }
0x36f: {  	v23 =	vld [tilespmem:$0x1FFD0]  }
0x370: {  	v25 =	vor.u32 v25, v9  }
0x371: {  	[tilespmem:$0x1FB10] =	vst v25  }
0x372: {  	v21 =	vor.u32 v42, v9;
	v42 =	vld.idx.msk [tilespmem:v20+s3+$0x0], $0xffff  }
0x373: {  	v20 =	vld.idx.msk [tilespmem:v22+s3+$0x0], $0xffff  }
0x374: {  	v23 =	vor.u32 v23, v9;
	_ =	sdelay $0x3  }
0x375: {  	v34 =	vld.idx.msk [tilespmem:v21+s3+$0x0], $0xffff;
	[tilespmem:$0x1FB20] =	vst v20  }
0x376: {  	v20 =	vld.idx.msk [tilespmem:v23+s3+$0x0], $0xffff  }
0x377: {  	v24 =	vor.u32 v29, v9;
	_ =	sdelay $0x3  }
0x378: {  	[tilespmem:$0x1FB30] =	vst v20  }
0x379: {  	v22 =	vld.idx.msk [tilespmem:v24+s3+$0x0], $0xffff;
	_ =	sdelay $0x4  }
0x37a: {  	[tilespmem:$0x1FB40] =	vst v22;
	v22 =	vld [tilespmem:$0x1FB10];
	_ =	sdelay $0x7  }
0x37b: {  	v22 =	vld.idx.msk [tilespmem:v22+s3+$0x0], $0xffff  }
0x37c: {  	v20 =	vor.u32 v36, v9;
	_ =	sdelay $0x3  }
0x37d: {  	s25 =	sadd.s32 $0x200, s24;
	[tilespmem:$0x1FB50] =	vst v22  }
0x37e: {  	v26 =	vor.u32 v57, v9;
	v21 =	vor.u32 s25, v50;
	v50 =	vld.idx.msk [tilespmem:v20+s3+$0x0], $0xffff  }
0x37f: {  	v27 =	vor.u32 v48, v9;
	v20 =	vld [tilespmem:$0x1FB20];
	_ =	sdelay $0x3  }
0x380: {  	v22 =	vor.u32 s25, v32;
	v32 =	vld.idx.msk [tilespmem:v26+s3+$0x0], $0xffff  }
0x381: {  	v27 =	vld.idx.msk [tilespmem:v27+s3+$0x0], $0xffff;
	[tilespmem:v21+s18+$0x0] =	vst.idx.msk $0xffff, v20  }
0x382: {  	v25 =	vor.u32 v35, v9;
	v24 =	vld [tilespmem:$0x1FB30];
	_ =	sdelay $0x4  }
0x383: {  	v21 =	vor.u32 v63, v9;
	v63 =	vld.idx.msk [tilespmem:v25+s3+$0x0], $0xffff;
	[tilespmem:v22+s18+$0x0] =	vst.idx.msk $0xffff, v24  }
0x384: {  	v23 =	vor.u32 s25, v37;
	v26 =	vor.u32 v38, v9;
	v25 =	vld [tilespmem:$0x1FB40];
	_ =	sdelay $0x4  }
0x385: {  	v26 =	vld.idx.msk [tilespmem:v26+s3+$0x0], $0xffff;
	[tilespmem:v23+s18+$0x0] =	vst.idx.msk $0xffff, v25  }
0x386: {  	v38 =	vld.idx.msk [tilespmem:v21+s3+$0x0], $0xffff  }
0x387: {  	v20 =	vor.u32 s25, v53;
	v21 =	vld [tilespmem:$0x1FB50];
	_ =	sdelay $0x1  }
0x388: {  	v22 =	vor.u32 v62, v9;
	v24 =	vor.u32 s25, v52;
	_ =	sdelay $0x1  }
0x389: {  	v23 =	vor.u32 v61, v9;
	v25 =	vor.u32 s25, v51  }
0x38a: {  	[tilespmem:v20+s18+$0x0] =	vst.idx.msk $0xffff, v21;
	v20 =	vor.u32 v60, v9;
	v21 =	vor.u32 s25, v59;
	_ =	sdelay $0x1  }
0x38b: {  	v37 =	vld.idx.msk [tilespmem:v22+s3+$0x0], $0xffff;
	[tilespmem:v24+s18+$0x0] =	vst.idx.msk $0xffff, v32;
	v24 =	vor.u32 v58, v9;
	v22 =	vor.u32 s25, v49;
	_ =	sdelay $0x1  }
0x38c: {  	v32 =	vld.idx.msk [tilespmem:v23+s3+$0x0], $0xffff;
	[tilespmem:v25+s18+$0x0] =	vst.idx.msk $0xffff, v27;
	v25 =	vor.u32 v31, v9;
	v27 =	vor.u32 s25, v33  }
0x38d: {  	v33 =	vld.idx.msk [tilespmem:v20+s3+$0x0], $0xffff;
	[tilespmem:v21+s18+$0x0] =	vst.idx.msk $0xffff, v42;
	v21 =	vor.u32 v30, v9;
	v20 =	vor.u32 s25, v56;
	_ =	sdelay $0x1  }
0x38e: {  	v23 =	vor.u32 s25, v39;
	v31 =	vld.idx.msk [tilespmem:v24+s3+$0x0], $0xffff;
	[tilespmem:v22+s18+$0x0] =	vst.idx.msk $0xffff, v34;
	v22 =	vor.u32 v46, v9  }
0x38f: {  	v18 =	vld.idx.msk [tilespmem:v18+s3+$0x0], $0xffff;
	[tilespmem:v19+s18+$0x0] =	vst.idx.msk $0xffff, v8  }
0x390: {  	v25 =	vld.idx.msk [tilespmem:v25+s3+$0x0], $0xffff;
	[tilespmem:v27+s18+$0x0] =	vst.idx.msk $0xffff, v50  }
0x391: {  	v21 =	vld.idx.msk [tilespmem:v21+s3+$0x0], $0xffff;
	[tilespmem:v20+s18+$0x0] =	vst.idx.msk $0xffff, v63  }
0x392: {  	v27 =	vor.u32 v41, v9;
	v49 =	vld [tilespmem:$0x1FDE0]  }
0x393: {  	v24 =	vor.u32 s25, v55;
	v19 =	vld.idx.msk [tilespmem:v22+s3+$0x0], $0xffff;
	[tilespmem:v23+s18+$0x0] =	vst.idx.msk $0xffff, v26  }
0x394: {  	v60 =	vld [tilespmem:$0x1FDF0]  }
0x395: {  	v17 =	vld.idx.msk [tilespmem:v17+s3+$0x0], $0xffff;
	[tilespmem:v16+s18+$0x0] =	vst.idx.msk $0xffff, v7  }
0x396: {  	v20 =	vor.u32 v45, v9;
	v53 =	vld [tilespmem:$0x1FE00]  }
0x397: {  	v16 =	vld.idx.msk [tilespmem:v27+s3+$0x0], $0xffff;
	v8 =	vor.u32 s25, v49  }
0x398: {  	[tilespmem:v24+s18+$0x0] =	vst.idx.msk $0xffff, v38;
	v15 =	vld.idx.msk [tilespmem:v15+s3+$0x0], $0xffff  }
0x399: {  	v52 =	vld [tilespmem:$0x1FE10];
	[tilespmem:v14+s18+$0x0] =	vst.idx.msk $0xffff, v6;
	v22 =	vor.u32 v60, v9  }
0x39a: {  	v61 =	vld [tilespmem:$0x1FE20]  }
0x39b: {  	v14 =	vld.idx.msk [tilespmem:v20+s3+$0x0], $0xffff;
	v7 =	vor.u32 s25, v53  }
0x39c: {  	v11 =	vld.idx.msk [tilespmem:v11+s3+$0x0], $0xffff;
	[tilespmem:v8+s18+$0x0] =	vst.idx.msk $0xffff, v37  }
0x39d: {  	v62 =	vld [tilespmem:$0x1FE30]  }
0x39e: {  	v56 =	vmov v46;
	[tilespmem:v13+s18+$0x0] =	vst.idx.msk $0xffff, v5;
	v46 =	vld.idx.msk [tilespmem:v22+s3+$0x0], $0xffff  }
0x39f: {  	v23 =	vor.u32 v52, v9;
	v6 =	vor.u32 s25, v61;
	v37 =	vld [tilespmem:$0x1FEC0]  }
0x3a0: {  	[tilespmem:v7+s18+$0x0] =	vst.idx.msk $0xffff, v32;
	v12 =	vld.idx.msk [tilespmem:v12+s3+$0x0], $0xffff  }
0x3a1: {  	v0 =	vor.u32 v28, v0;
	v8 =	vor.u32 s24, v54;
	v63 =	vld [tilespmem:$0x1FE40];
	[tilespmem:v10+s18+$0x0] =	vst.idx.msk $0xffff, v4  }
0x3a2: {  	v32 =	vld [tilespmem:$0x1FED0];
	_ =	sdelay $0x1  }
0x3a3: {  	v34 =	vld.idx.msk [tilespmem:v23+s3+$0x0], $0xffff;
	[tilespmem:v6+s18+$0x0] =	vst.idx.msk $0xffff, v33;
	v20 =	vor.u32 v62, v9;
	v5 =	vor.u32 s25, v37  }
0x3a4: {  	v24 =	vmov v29;
	v29 =	vld [tilespmem:$0x1FE50]  }
0x3a5: {  	v7 =	vor.u32 s24, v44;
	v0 =	vld.idx.msk [tilespmem:v0+s3+$0x0], $0xffff;
	[tilespmem:v8+s18+$0x0] =	vst.idx.msk $0xffff, v2;
	v22 =	vor.u32 v63, v9  }
0x3a6: {  	v30 =	vld [tilespmem:$0x1FEE0];
	v4 =	vor.u32 s25, v32;
	_ =	sdelay $0x1  }
0x3a7: {  	v33 =	vld.idx.msk [tilespmem:v20+s3+$0x0], $0xffff;
	[tilespmem:v5+s18+$0x0] =	vst.idx.msk $0xffff, v31  }
0x3a8: {  	v27 =	vmov v48;
	v6 =	vor.u32 s24, v43;
	v23 =	vor.u32 v29, v9;
	v48 =	vld [tilespmem:$0x1FE60]  }
0x3a9: {  	[tilespmem:v7+s18+$0x0] =	vst.idx.msk $0xffff, v1;
	v31 =	vld.idx.msk [tilespmem:v22+s3+$0x0], $0xffff  }
0x3aa: {  	v2 =	vor.u32 s25, v30;
	v8 =	vld [tilespmem:$0x1FEF0];
	[tilespmem:v4+s18+$0x0] =	vst.idx.msk $0xffff, v25  }
0x3ab: {  	v50 =	vmov v41;
	v41 =	vld [tilespmem:$0x1FF80]  }
0x3ac: {  	v5 =	vor.u32 s24, v40;
	v7 =	vld [tilespmem:$0x1FE70]  }
0x3ad: {  	[tilespmem:v6+s18+$0x0] =	vst.idx.msk $0xffff, v3;
	v10 =	vld.idx.msk [tilespmem:v23+s3+$0x0], $0xffff  }
0x3ae: {  	v6 =	vld [tilespmem:$0x1FF00]  }
0x3af: {  	v23 =	vld [tilespmem:$0x1FFD0];
	[tilespmem:v2+s18+$0x0] =	vst.idx.msk $0xffff, v21;
	v20 =	vor.u32 v48, v9;
	v1 =	vor.u32 s25, v8  }
0x3b0: {  	v42 =	vmov v40;
	v40 =	vld [tilespmem:$0x1FF90]  }
0x3b1: {  	v59 =	vmov v55;
	v55 =	vld [tilespmem:$0x1FE80];
	[tilespmem:v5+s18+$0x0] =	vst.idx.msk $0xffff, v18  }
0x3b2: {  	v48 =	vld [tilespmem:$0x1FF10];
	v4 =	vor.u32 s24, v41;
	v22 =	vor.u32 v7, v9  }
0x3b3: {  	v3 =	vor.u32 s25, v6  }
0x3b4: {  	v20 =	vld.idx.msk [tilespmem:v20+s3+$0x0], $0xffff;
	[tilespmem:v1+s18+$0x0] =	vst.idx.msk $0xffff, v19  }
0x3b5: {  	v58 =	vmov v39;
	v39 =	vld [tilespmem:$0x1FFA0]  }
0x3b6: {  	v51 =	vmov v45;
	v2 =	vor.u32 s24, v40;
	v21 =	vor.u32 v55, v9;
	v45 =	vld [tilespmem:$0x1FE90]  }
0x3b7: {  	v5 =	vor.u32 s25, v48;
	[tilespmem:v4+s18+$0x0] =	vst.idx.msk $0xffff, v17;
	v17 =	vld.idx.msk [tilespmem:v22+s3+$0x0], $0xffff  }
0x3b8: {  	v26 =	vmov v57;
	v57 =	vld [tilespmem:$0x1FF20];
	[tilespmem:v3+s18+$0x0] =	vst.idx.msk $0xffff, v16  }
0x3b9: {  	v38 =	vld [tilespmem:$0x1FFB0]  }
0x3ba: {  	v18 =	vld [tilespmem:$0x1FEA0]  }
0x3bb: {  	[tilespmem:v2+s18+$0x0] =	vst.idx.msk $0xffff, v15;
	v15 =	vld.idx.msk [tilespmem:v21+s3+$0x0], $0xffff  }
0x3bc: {  	v55 =	vld [tilespmem:$0x1FF30];
	[tilespmem:v5+s18+$0x0] =	vst.idx.msk $0xffff, v14  }
0x3bd: {  	v14 =	vld [tilespmem:$0x1FFC0]  }
0x3be: {  	v1 =	vor.u32 s24, v39  }
0x3bf: {  	v19 =	vor.u32 v45, v9;
	v4 =	vor.u32 s25, v57  }
0x3c0: {  	v3 =	vor.u32 s24, v38  }
0x3c1: {  	v16 =	vor.u32 v18, v9;
	v2 =	vor.u32 s25, v55  }
0x3c2: {  	v5 =	vor.u32 s24, v14  }
0x3c3: {  	v13 =	vmov v44;
	v9 =	vor.u32 v28, v9;
	[tilespmem:v1+s18+$0x0] =	vst.idx.msk $0xffff, v11;
	v1 =	vor.u32 s25, v54  }
0x3c4: {  	v11 =	vld.idx.msk [tilespmem:v19+s3+$0x0], $0xffff;
	[tilespmem:v4+s18+$0x0] =	vst.idx.msk $0xffff, v46;
	v4 =	vor.u32 s25, v13  }
0x3c5: {  	[tilespmem:v3+s18+$0x0] =	vst.idx.msk $0xffff, v12;
	v3 =	vor.u32 s25, v43  }
0x3c6: {  	v12 =	vld.idx.msk [tilespmem:v16+s3+$0x0], $0xffff;
	[tilespmem:v2+s18+$0x0] =	vst.idx.msk $0xffff, v34;
	v2 =	vor.u32 s25, v42  }
0x3c7: {  	[tilespmem:v5+s18+$0x0] =	vst.idx.msk $0xffff, v0;
	v0 =	vor.u32 s25, v41  }
0x3c8: {  	v5 =	vld.idx.msk [tilespmem:v9+s3+$0x0], $0xffff;
	[tilespmem:v1+s18+$0x0] =	vst.idx.msk $0xffff, v33;
	v1 =	vor.u32 s25, v40  }
0x3c9: {  	[tilespmem:v4+s18+$0x0] =	vst.idx.msk $0xffff, v31;
	v4 =	vor.u32 s25, v39  }
0x3ca: {  	[tilespmem:v3+s18+$0x0] =	vst.idx.msk $0xffff, v10;
	v3 =	vor.u32 s25, v38  }
0x3cb: {  	[tilespmem:v2+s18+$0x0] =	vst.idx.msk $0xffff, v20;
	v2 =	vor.u32 s25, v14  }
0x3cc: {  	[tilespmem:v0+s18+$0x0] =	vst.idx.msk $0xffff, v17  }
0x3cd: {  	[tilespmem:v1+s18+$0x0] =	vst.idx.msk $0xffff, v15  }
0x3ce: {  	[tilespmem:v4+s18+$0x0] =	vst.idx.msk $0xffff, v11  }
0x3cf: {  	[tilespmem:v3+s18+$0x0] =	vst.idx.msk $0xffff, v12  }
0x3d0: {  	[tilespmem:v2+s18+$0x0] =	vst.idx.msk $0xffff, v5  }
0x3d1: {  	[hbm4b:s11+s3] =	stream.linear.scatter [tilespmem:s18], [sflag:$0x4], $0x8000, $0x38;
	[tilespmem:$0x18500] =	vst v63  }
0x3d2: {  	_ =	swait.ge [sflag:s21], $0x8000  }
0x3d3: {  	[sflag:s21] =	ssyncset.done $0x0  }
0x3d4: {  	[sflag:s21] =	ssyncadd.s32 $0xFFFF8000  }
0x3d5: {  	_ =	swait.ge [sflag:s22], $0x8000  }
0x3d6: {  	v15 =	vld [tilespmem:$0x1FCF0]  }
0x3d7: {  	v20 =	vld [tilespmem:$0x1FFF0]  }
0x3d8: {  	v21 =	vld [tilespmem:$0x1FFE0]  }
0x3d9: {  	s23 =	sadd.s32 $0x1, s23;
	v3 =	vmov v18;
	v18 =	vld [tilespmem:$0x1FD20]  }
0x3da: {  	p0 =	sne.s32 s23, s12;
	v46 =	vld [tilespmem:$0x1FD30]  }
.Ltmp5:
0x3db: {  	v9 =	vmov v30;
	v30 =	vld [tilespmem:$0x1FD40];
	(pc) =	sbr.rel @p0 .LBB2_1-.Ltmp5, $4  }
0x3dc: {  	v31 =	vld [tilespmem:$0x1FD50]  }
0x3dd: {  	v33 =	vld [tilespmem:$0x1FD60]  }
0x3de: {  	v25 =	vmovc v47;
	v7 =	vmov v37;
	v22 =	vlaneseq.u32;
	v28 =	vmov v6;
	[sflag:s22] =	ssyncset.done $0x0;
	v19 =	vld [tilespmem:$0x1FD70]  }
0x3df: {  	v16 =	vmovc v32;
	v34 =	vmovc v56;
	v10 =	vmov v48;
	v17 =	vmov v49;
	v5 =	vmov v45;
	v6 =	vld [tilespmem:$0x1FD80];
	[sflag:s22] =	ssyncadd.s32 $0xFFFF8000  }
0x3e0: {  	_ =	sfence.sel $0x180000  }
0x3e1: {  	[bflag:$0x0] =	sbarrier.arrive $0xFFFF  }
0x3e2: {  	p0 =	sne.s32 s0, $0x0;
	_ =	strace $0x90000047  }
0x3e3: {  	s0 =	sadd.s32 @!p0 $0x100000, s1;
	[bflag:$0x2] =	sbarrier.arrive $0xFFFF  }
0x3e4: {  	[sflag:s0] =	ssyncadd.tile.s32 @!p0 $0x1;
	_ =	shalt  }
.Lfunc_end2:
_tile_overlayer_lowered:
.L_overlay_start_2:
0x3e5: {  	(tag) =	ssettag $0x2  }
0x3e6: {  	s0 =	rddreg [dreg:$0x0];
	s2 =	stileid.u32  }
0x3e7: {  	s1 =	rddreg [dreg:$0x1];
	p0 =	sne.s32 s2, $0x0  }
0x3e8: {  	s3 =	rddreg [dreg:$0x2];
	[bflag:$0x3] =	sbarrier.arrive $0xFFFF;
	s2 =	simm.s32 @!p0 $0x1C06  }
0x3e9: {  	[timem:s3], [sflag:s2] =	dma.local @!p0 [hbm:s0], s1  }
0x3ea: {  	s0 =	simm.s32 @!p0 $0x6  }
0x3eb: {  	_ =	swait.ge @!p0 [sflag:s0], s1  }
0x3ec: {  	s1 =	ssub.s32 @!p0 $0x0, s1;
	[sflag:s0] =	ssyncset.done @!p0 $0x0  }
0x3ed: {  	[sflag:s0] =	ssyncadd.s32 @!p0 s1  }
0x3ee: {  	[bflag:$0x3] =	sbarrier.arrive $0xFFFF  }
0x3ef: {  	_ =	shalt  }

// kernel: sparse-core-data-format-call.cloned.1.call-start
scs
called_computation_lowered:
.L_overlay_start_0:
0x0: {  	s2 =	sld [smem:$0x3FD9]  }
0x1: {  	s3 =	sld [smem:$0x3FFE];
	_ =	sdelay $0x1  }
0x2: {  	s1 =	srdreg.scid  }
0x3: {  	s0 =	sand.u32 $0x1, s1  }
0x4: {  	s18 =	sshll.u32 s0, $0xA;
	s2 =	sadd.s32 s3, s2  }
0x5: {  	s2 =	sadd.s32 s2, s18  }
0x6: {  	[smem:$0x3FC6] =	sst s2  }
0x7: {  	_ = 	snop  }
0x8: {  	s2 =	sld [smem:$0x3FD0];
	(tm) =	ssettm $0x1  }
0x9: {  	s19 =	sld [smem:$0x3FFB];
	_ =	sdelay $0x3  }
0xa: {  	_ =	strace s19  }
0xb: {  	s3 =	sld [smem:$0x3FFC];
	_ =	sdelay $0x3  }
0xc: {  	_ =	strace s3  }
0xd: {  	s3 =	sld [smem:$0x3FFD];
	_ =	sdelay $0x3  }
0xe: {  	_ =	strace s3  }
0xf: {  	_ =	strace $0x8FFFFFFF  }
0x10: {  	s20 =	sld [smem:$0x3FDB];
	_ =	sdelay $0x1  }
0x11: {  	s4 =	simm.s32 $_scs_section_size  }
0x12: {  	s5 =	simm.s32 $_size__tile_overlayer_lowered;
	s6 =	simm.s32 $_tile_overlayer_lowered  }
0x13: {  	s23 =	simm.s32 $0x1BFF;
	s22 =	sshll.u32 s6, $0x1;
	s3 =	sadd.s32 s4, s20  }
0x14: {  	s7 =	simm.s32 $0x0;
	s21 =	sshll.u32 s5, $0x1;
	s5 =	sadd.s32 s22, s3  }
0x15: {  	[timem:s7], [sflag:s23] =	dma.local [hbm:s5], s21  }
0x16: {  	_ =	swait.ge [sflag:s23], s21  }
0x17: {  	s4 =	ssub.s32 $0x0, s21;
	[sflag:s23] =	ssyncset.done $0x0  }
0x18: {  	[sflag:s23] =	ssyncadd.s32 s4;
	_ =	sdelay $0x1  }
0x19: {  	s24 =	simm.s32 $0x1B8B  }
0x1a: {  	_ =	swait.ge [sflag:s24], $0x1  }
0x1b: {  	[sflag:s24] =	ssyncset.done $0x0  }
0x1c: {  	s26 =	simm.s32 $0x1B8E;
	s25 =	sld [smem:$0x3FFE];
	[sflag:s24] =	ssyncadd.s32 $0xFFFFFFFF  }
0x1d: {  	s27 =	simm.s32 $execute0_lowered;
	[smem:$0x3FD2] =	sst s26  }
0x1e: {  	s5 =	sshll.u32 s27, $0x1;
	_ =	strace $0x80000049;
	[dreg:$0x1] =	wrdreg $0xFFFFFFFF  }
0x1f: {  	s28 =	simm.s32 $_size_execute0_lowered;
	s3 =	sadd.s32 s3, s5;
	[dreg:$0x0] =	wrdreg $0x0  }
0x20: {  	s5 =	sshll.u32 s28, $0x1;
	[dreg:$0x2] =	wrdreg s3  }
0x21: {  	[dreg:$0x3] =	wrdreg s5  }
0x22: {  	[dreg:$0x4] =	wrdreg $0xC0  }
0x23: {  	_ =	task [dreg:s7], $0x5FFFF  }
0x24: {  	[dreg:$0x1] =	wrdreg $0xFFFFFFFF  }
0x25: {  	[dreg:$0x0] =	wrdreg $0x60  }
0x26: {  	[dreg:$0x2] =	wrdreg s25  }
0x27: {  	[dreg:$0x3] =	wrdreg s2  }
0x28: {  	[dreg:$0x4] =	wrdreg $0x9  }
0x29: {  	_ =	task.clear_ibuf [dreg:s7], $0x5FFFF;
	_ =	strace $0x90000049  }
0x2a: {  	s29 =	simm.s32 $0x9;
	_ =	strace $0x8000004B  }
0x2b: {  	_ =	swait.ge [sflag:s29], $0x1  }
0x2c: {  	[sflag:s29] =	ssyncadd.s32 $0xFFFFFFFF  }
0x2d: {  	_ =	strace $0x9000004B  }
0x2e: {  	_ =	sfence  }
0x2f: {  	s30 =	sld [smem:$0x0];
	_ =	sdelay $0x2  }
0x30: {  	s31 =	sshll.u32 s1, $0xD;
	s1 =	sshrl.u32 s1, $0x2  }
0x31: {  	s3 =	sand.u32 $0x4000, s31;
	s1 =	sadd.s32 s1, s30  }
0x32: {  	s0 =	sor.u32 s3, s0;
	s1 =	sshll.u32 s1, $0x11  }
0x33: {  	s0 =	sor.u32 s1, s0  }
0x34: {  	s0 =	sadd.s32 $0x8F2B, s0  }
0x35: {  	[sflag:s0] =	ssyncadd.remote.s32 $0x1  }
0x36: {  	_ =	sfence.sel $0xFFFF  }
0x37: {  	[dreg:$0x0] =	wrdreg $0xFFFFFFFF;
	(pc) =	sbr.abs _section_cstart, $3  }
0x38: {  	[dreg:$0x1] =	wrdreg $0xFFFFFFFF  }
0x39: {  	_ =	task.clear_ibuf [dreg:s7], $0x2FFFF;
	_ =	strace $0x9FFFFFFF  }
0x3a: {  	(tm) =	ssettm $0x7FFFFFFF  }
0x3b: {  	_ =	shalt  }
tec
execute0_lowered:
.L_overlay_start_1:
0x0: {  	(tag) =	ssettag $0x1  }
0x1: {  	s4 =	rddreg [dreg:$0x0]  }
0x2: {  	s0 =	stileid.u32;
	s2 =	rddreg [dreg:$0x1]  }
0x3: {  	s7 =	srdreg.scid;
	s8 =	simm.s32 $0x2;
	s14 =	simm.s32 $0x0  }
0x4: {  	s9 =	simm.s32 $0x2000;
	s16 =	simm.s32 $0x0;
	s1 =	sshll.u32 s0, $0x7  }
0x5: {  	s15 =	simm.s32 $0x0;
	s10 =	simm.s32 $0x0;
	s3 =	sand.u32 $0x380, s1  }
0x6: {  	s13 =	simm.s32 $0x0;
	s7 =	sshll.u32 s7, $0x4;
	s5 =	ssub.s32 $0x400, s3  }
0x7: {  	s4 =	sadd.s32 $0x800, s4;
	s1 =	rddreg [dreg:$0x2];
	s6 =	sand.u32 $0x380, s5  }
0x8: {  	s7 =	sand.u32 $0x10, s7;
	p0 =	sne.s32 s6, $0x0;
	s6 =	simm.s32 $0x1  }
.Ltmp0:
0x9: {  	s5 =	sshrl.u32 s5, $0xA;
	s6 =	simm.s32 @!p0 $0x0;
	(pc) =	sbr.rel .LBB1_1-.Ltmp0, $4  }
0xa: {  	_ =	strace $0x8000004A;
	s7 =	sor.u32 s0, s7;
	s6 =	sadd.s32 s6, s5  }
0xb: {  	s7 =	sshrl.u32 s7, $0x3;
	s5 =	simm.s32 $0x1;
	s6 =	smul.u32 $0x3E8, s6  }
0xc: {  	s12 =	smov.u32 s3;
	s11 =	smov.u32 s7;
	[sflag:s5] =	ssyncpa.u1 $0x0  }
0xd: {  	p0 =	por $0x0, $0x0;
	[sflag:s8] =	ssyncpa.u1 $0x0;
	s8 =	sor.u32 $0x1, s6  }
.LBB1_4:
0xe: {  	s19 =	sand.u32 $0xF80, s15;
	s16 =	smul.u32 $0x14000, s16  }
0xf: {  	s20 =	sshrl.u32 s15, $0x3;
	s19 =	sadd.s32 s2, s19  }
0x10: {  	s31 =	sand.u32 $0x7, s15;
	s20 =	sand.u32 $0xF, s20;
	s16 =	sadd.s32 s16, s19  }
0x11: {  	s14 =	sshll.u32 s14, $0xC;
	s15 =	sshll.u32 s31, $0x12;
	s16 =	sadd.s32 s20, s16  }
0x12: {  	[tilespmem:s18+$0x0 ss:$0x81] =	vst.msk $0xffff, v0;
	s15 =	sor.u32 $0x400, s15;
	s14 =	sadd.s32 s14, s16  }
0x13: {  	[hbm4b:s14+s15] =	stream.strided.scatter [tilespmem:s17], [sflag:$0x2], $0x1000, s9, s15, $0x20;
	[tilespmem:$0x4040] =	vst v63  }
.LBB1_5:
0x14: {  	s17 =	sadd.s32 $0x1, s10  }
0x15: {  	s14 =	sadd.s32 $0x4, s11;
	s18 =	smov.u32 s11;
	p2 =	sgt.s32 s17, $0x13  }
0x16: {  	s18 =	smov.u32 @p2 s14  }
0x17: {  	s20 =	smov.u32 s12;
	s14 =	sadd.s32 $0x400, s12;
	p3 =	sgt.s32 s18, $0xC7  }
0x18: {  	s20 =	smov.u32 @p3 s14  }
0x19: {  	s17 =	simm.s32 @p2 $0x0;
	p2 =	sgt.s32 s20, $0x3FF  }
0x1a: {  	p1 =	slt.u32 s13, $0x2;
	s20 =	smov.u32 @p2 s3;
	p2 =	sne.s32 s13, s8  }
.Ltmp1:
0x1b: {  	s19 =	simm.s32 @!p1 $0x2;
	(pc) =	sbr.rel @!p2 .LBB1_6-.Ltmp1, $4  }
0x1c: {  	s16 =	smov.u32 s11;
	s15 =	smov.u32 s12;
	_ =	swait.ge @!p1 [sflag:s19], $0x1000  }
0x1d: {  	p0 =	por !p0, !p0;
	[sflag:s19] =	ssyncset.done @!p1 $0x0;
	s18 =	smov.u32 @p3 s7  }
0x1e: {  	s14 =	smov.u32 s10;
	[sflag:s19] =	ssyncadd.s32 @!p1 $0xFFFFF000;
	s10 =	smov.u32 s17  }
0x1f: {  	s11 =	smov.u32 s18;
	s13 =	sadd.s32 $0x1, s13;
	s12 =	smov.u32 s20  }
.LBB1_1:
0x20: {  	p1 =	sge.u32 s13, s6  }
0x21: {  	s17 =	sand.u32 @!p1 $0x1FFFFFF, s10;
	s19 =	smul.u32 @!p1 $0x12C00, s12  }
0x22: {  	s18 =	smulhi.u32 @!p1 $0xAAAAAAB, s17  }
0x23: {  	s21 =	smul.u32 @!p1 $0x180, s11  }
0x24: {  	s18 =	smul.u32 @!p1 $0x18, s18  }
0x25: {  	s31 =	sadd.s32 $0xFFFFFFFF, s13;
	s19 =	sadd.s32 @!p1 s4, s19  }
0x26: {  	s20 =	sxor.u32 @!p1 $0xFFFFFFFF, s13;
	s19 =	sadd.s32 @!p1 s21, s19;
	s17 =	ssub.s32 @!p1 s17, s18  }
0x27: {  	s18 =	sshll.u32 @!p1 s20, $0xC;
	s20 =	simm.s32 @!p1 $0x96000;
	s17 =	sshll.u32 @!p1 s17, $0x4  }
0x28: {  	s18 =	sand.u32 @!p1 $0x1000, s18;
	s17 =	sadd.s32 @!p1 s17, s19;
	s19 =	simm.s32 @!p1 $0x20  }
0x29: {  	[tilespmem:s18], [sflag:$0x1] =	stream.strided.gather @!p1 [hbm4b:s17+s19], $0x1000, s20, s19, $0x38;
	[tilespmem:$0x4040] =	vst v63  }
0x2a: {  	p1 =	sge.u32 s31, s6  }
.Ltmp2:
0x2b: {  	_ = 	snop;
	(pc) =	sbr.rel @p1 .LBB1_5-.Ltmp2, $1  }
0x2c: {  	_ =	sdelay $0x3  }
0x2d: {  	s17 =	simm.s32 $0x1  }
0x2e: {  	_ =	swait.ge [sflag:s5], $0x1000;
	s17 =	simm.s32 @!p0 $0x0  }
0x2f: {  	[sflag:s5] =	ssyncset.done $0x0;
	s18 =	sshll.u32 s17, $0xC  }
0x30: {  	[sflag:s5] =	ssyncadd.s32 $0xFFFFF000;
	s21 =	sor.u32 $0x10, s18  }
0x31: {  	s17 =	smul.u32 $0x4080, s17;
	v1 =	vld [tilespmem:s21+$0x0]  }
0x32: {  	s30 =	sand.u32 $0x1, s13;
	v0 =	vld [tilespmem:s21+$0xFFFFFFF0]  }
0x33: {  	s18 =	smul.u32 $0x4080, s30;
	s17 =	sshrl.u32 s17, $0x2  }
0x34: {  	s19 =	sor.u32 $0x2000, s17  }
0x35: {  	s31 =	sshrl.u32 s18, $0x2;
	s18 =	sadd.s32 $0x0, s19  }
0x36: {  	s20 =	simm.s32 $0x4;
	s21 =	sadd.s32 $0x20, s21;
	s17 =	sor.u32 $0x2000, s31;
	[tilespmem:s18+$0x810 ss:$0x81] =	vst.msk $0xffff, v1  }
.LBB1_3:
0x37: {  	v1 =	vld [tilespmem:s21+$0x0];
	p1 =	sne.s32 s20, $0x1FC;
	[tilespmem:s18+$0x0 ss:$0x81] =	vst.msk $0xffff, v0;
	s18 =	smov.u32 s20;
	s20 =	sadd.s32 $0x4, s20  }
.Ltmp3:
0x38: {  	v0 =	vld [tilespmem:s21+$0xFFFFFFF0];
	(pc) =	sbr.rel @p1 .LBB1_3-.Ltmp3, $4  }
0x39: {  	_ = 	snop  }
0x3a: {  	s18 =	sshra.s32 s18, $0x2  }
0x3b: {  	s18 =	sadd.s32 s18, s19  }
0x3c: {  	s21 =	sadd.s32 $0x20, s21;
	[tilespmem:s18+$0x810 ss:$0x81] =	vst.msk $0xffff, v1  }
.Ltmp4:
0x3d: {  	_ = 	snop;
	(pc) =	sbr.rel .LBB1_4-.Ltmp4, $1  }
0x3e: {  	_ =	sdelay $0x3  }
.LBB1_6:
0x3f: {  	_ =	sfence.sel $0x180000  }
0x40: {  	s2 =	simm.s32 $0x1;
	[bflag:$0x0] =	sbarrier.arrive $0xFFFF  }
0x41: {  	s31 =	simm.s32 $0x2;
	[sflag:s2] =	ssyncpa.u1 $0x1  }
0x42: {  	[sflag:s31] =	ssyncpa.u1 $0x1  }
0x43: {  	p0 =	sne.s32 s0, $0x0;
	_ =	strace $0x9000004A  }
0x44: {  	s0 =	sadd.s32 @!p0 $0x100000, s1;
	[bflag:$0x2] =	sbarrier.arrive $0xFFFF  }
0x45: {  	[sflag:s0] =	ssyncadd.tile.s32 @!p0 $0x1;
	_ =	shalt  }
.Lfunc_end1:
_tile_overlayer_lowered:
.L_overlay_start_2:
0x46: {  	(tag) =	ssettag $0x2  }
0x47: {  	s0 =	rddreg [dreg:$0x0];
	s2 =	stileid.u32  }
0x48: {  	s1 =	rddreg [dreg:$0x1];
	p0 =	sne.s32 s2, $0x0  }
0x49: {  	s3 =	rddreg [dreg:$0x2];
	[bflag:$0x3] =	sbarrier.arrive $0xFFFF;
	s2 =	simm.s32 @!p0 $0x1C01  }
0x4a: {  	[timem:s3], [sflag:s2] =	dma.local @!p0 [hbm:s0], s1  }
0x4b: {  	s0 =	simm.s32 @!p0 $0x1  }
0x4c: {  	_ =	swait.ge @!p0 [sflag:s0], s1  }
0x4d: {  	s1 =	ssub.s32 @!p0 $0x0, s1;
	[sflag:s0] =	ssyncset.done @!p0 $0x0  }
0x4e: {  	[sflag:s0] =	ssyncadd.s32 @!p0 s1  }
0x4f: {  	[bflag:$0x3] =	sbarrier.arrive $0xFFFF  }
0x50: {  	_ =	shalt  }

</sc_bundles>
